<compile_context>
chip_gen: v7x
topology: tpu7x:2x2x1
jax: 0.10.2.dev20260603
libtpu: 0.0.44.dev20260713+nightly
codegen_flags: <defaults>
</compile_context>

<pallas_src>
import functools

import numpy as np
import jax
import jax.numpy as jnp
from jax import lax
from jax.experimental import pallas as pl
from jax.experimental.pallas import tpu as pltpu
from jax.experimental.pallas import tpu_sc as plsc

NUM_CENTERS = 1024
CAPACITY = 128
FEAT_DIM = 256
B = 4096


def _threefry2x32_np(k0, k1, x0, x1):
    rot_a = (13, 15, 26, 6)
    rot_b = (17, 29, 16, 24)
    k0 = np.uint32(k0)
    k1 = np.uint32(k1)
    ks = (k0, k1, np.uint32(0x1BD11BDA) ^ k0 ^ k1)
    x0 = (x0 + k0).astype(np.uint32)
    x1 = (x1 + k1).astype(np.uint32)
    for d in range(5):
        for r in rot_a if d % 2 == 0 else rot_b:
            x0 = (x0 + x1).astype(np.uint32)
            x1 = ((x1 << np.uint32(r)) | (x1 >> np.uint32(32 - r))).astype(
                np.uint32)
            x1 = x1 ^ x0
        x0 = (x0 + ks[(d + 1) % 3]).astype(np.uint32)
        x1 = (x1 + ks[(d + 2) % 3] + np.uint32(d + 1)).astype(np.uint32)
    return x0, x1


def _erfinv32_np(x):
    x = x.astype(np.float32)
    w = -np.log1p((-x * x).astype(np.float32)).astype(np.float32)
    lt = w < np.float32(5.0)
    ws = (w - np.float32(2.5)).astype(np.float32)
    wg = (np.sqrt(w.astype(np.float32)) - np.float32(3.0)).astype(np.float32)
    p_lt = np.float32(2.81022636e-08)
    for c in (3.43273939e-07, -3.5233877e-06, -4.39150654e-06, 0.00021858087,
              -0.00125372503, -0.00417768164, 0.246640727, 1.50140941):
        p_lt = (np.float32(c) + p_lt * ws).astype(np.float32)
    p_gt = np.float32(-0.000200214257)
    for c in (0.000100950558, 0.00134934322, -0.00367342844, 0.00573950773,
              -0.0076224613, 0.00943887047, 1.00167406, 2.83297682):
        p_gt = (np.float32(c) + p_gt * wg).astype(np.float32)
    return (np.where(lt, p_lt, p_gt) * x).astype(np.float32)


def _fallback_np():
    n = B * FEAT_DIM
    x0, x1 = _threefry2x32_np(0, 1, np.zeros(n, np.uint32),
                              np.arange(n, dtype=np.uint32))
    bits = x0 ^ x1
    f = ((bits >> np.uint32(9)) | np.uint32(0x3F800000)).view(np.float32)
    u01 = f - np.float32(1.0)
    lo = np.nextafter(np.float32(-1.0), np.float32(0.0), dtype=np.float32)
    u = np.maximum(lo, (u01 * (np.float32(1.0) - lo) + lo).astype(np.float32))
    return (np.float32(np.sqrt(2.0)) * _erfinv32_np(u)).reshape(B, FEAT_DIM)


_FALLBACK = _fallback_np()

NC = 2
NS = 16
NW = NC * NS
SPW = B // NW
TPW = B // NW
L = 16
FCH = FEAT_DIM // L
WIN = 2 * SPW
IDS_PAD = B + WIN + L

_mesh = plsc.VectorSubcoreMesh(core_axis_name="c", subcore_axis_name="s")


def _tile_id():
    return lax.axis_index("c") * NS + lax.axis_index("s")


def _sid(cflat, i):
    return cflat[pl.ds(i, L)][0]


@functools.partial(
    pl.kernel,
    out_type=jax.ShapeDtypeStruct((NUM_CENTERS + B, FEAT_DIM),
                                  jnp.float32),
    mesh=_mesh,
    scratch_types=[
        pltpu.VMEM((IDS_PAD,), jnp.int32),
        pltpu.VMEM((WIN * FEAT_DIM,), jnp.float32),
        pltpu.VMEM((SPW, FEAT_DIM), jnp.float32),
        pltpu.VMEM((SPW,), jnp.int32),
        pltpu.VMEM((SPW + L,), jnp.int32),
        pltpu.VMEM((SPW + L,), jnp.int32),
        pltpu.SemaphoreType.DMA,
        pltpu.SemaphoreType.DMA,
    ],
)
def _seg_means_sc(z_hbm, cid_hbm, sums_hbm, cflat, zext, obuf, oidx,
                  slo, scnt, sem_ids, sem_z):
    w = _tile_id()
    start = w * SPW
    end = start + SPW
    zbase = jnp.minimum(start, B - WIN)

    cp_ids = pltpu.async_copy(cid_hbm, cflat.at[pl.ds(0, B)], sem_ids)
    cp_z = pltpu.async_copy(
        z_hbm.at[pl.ds(zbase * FEAT_DIM, WIN * FEAT_DIM)], zext, sem_z)
    pad16 = jnp.full((L,), -1, jnp.int32)
    for g in range((IDS_PAD - B) // L):
        cflat[pl.ds(B + g * L, L)] = pad16
    cp_ids.wait()

    trash = (jnp.full((L,), NUM_CENTERS, jnp.int32) + lax.iota(jnp.int32, L)
             + start)
    for g in range(SPW // L):
        oidx[pl.ds(g * L, L)] = trash + g * L

    prev = jnp.where(w > 0, _sid(cflat, jnp.maximum(start - 1, 0)),
                     jnp.int32(-2))

    def skip_body(ri, i0v):
        r = start + ri
        return jnp.where(
            jnp.logical_and(i0v == r, _sid(cflat, r) == prev), r + 1, i0v)

    i0 = lax.fori_loop(0, SPW, skip_body, start, unroll=8)

    lanes = lax.iota(jnp.int32, L)
    zero16i = jnp.zeros((L,), jnp.int32)
    for g in range((SPW + L) // L):
        scnt[pl.ds(g * L, L)] = zero16i

    def rmw(ref, slot, val):
        gbase = (slot >> 4) * L
        lane = slot & (L - 1)
        v = ref[pl.ds(gbase, L)]
        ref[pl.ds(gbase, L)] = jnp.where(lanes == lane, val, v)

    def p1_body(ri, carry):
        seg_start, cnt, c_r = carry
        r = start + ri
        look = _sid(cflat, r + 1)
        active = jnp.logical_or(
            jnp.logical_and(r >= i0, r < end), cnt > 0)
        opens = jnp.logical_and(active, cnt == 0)
        seg_start = jnp.where(opens, r, seg_start)
        cntn = cnt + active.astype(jnp.int32)
        close = jnp.logical_and(cntn > 0, look != c_r)

        @pl.when(close)
        def _record():
            slot = seg_start - start
            lo = jnp.maximum(seg_start, r + 1 - CAPACITY)
            rmw(slo, slot, lo)
            rmw(scnt, slot, cntn)
            rmw(oidx, slot, c_r)

        cntn = jnp.where(close, 0, cntn)
        return (seg_start, cntn, look)

    seg_start, cnt, c_open = lax.fori_loop(
        0, WIN, p1_body, (start, jnp.int32(0), _sid(cflat, start)),
        unroll=4)

    cp_z.wait()

    def p2_body(slot, carry):
        segn = scnt[pl.ds(slot, L)][0]

        @pl.when(segn > 0)
        def _sum_one():
            lo = slo[pl.ds(slot, L)][0]
            m = jnp.minimum(segn, CAPACITY)

            def sb(r, acc):
                off = (r - zbase) * FEAT_DIM
                return tuple(acc[k] + zext[pl.ds(off + k * L, L)]
                             for k in range(FCH))

            acc = lax.fori_loop(
                lo, lo + m, sb,
                tuple(jnp.zeros((L,), jnp.float32) for _ in range(FCH)))
            inv = 1.0 / jnp.full((L,), m.astype(jnp.float32), jnp.float32)
            for k in range(FCH):
                obuf[slot, pl.ds(k * L, L)] = acc[k] * inv

        return carry

    lax.fori_loop(0, SPW, p2_body, 0, unroll=2)

    @pl.when(cnt > 0)
    def _tail_over():
        def scan_body(r2, jv):
            return jnp.where(
                jnp.logical_and(jv == r2, _sid(cflat, r2) == c_open),
                r2 + 1, jv)

        j = lax.fori_loop(start + WIN, B, scan_body, start + WIN)
        wbase = jnp.maximum(j - WIN, 0)
        pltpu.sync_copy(
            z_hbm.at[pl.ds(wbase * FEAT_DIM, WIN * FEAT_DIM)], zext)

        def sb(r, acc):
            off = (r - wbase) * FEAT_DIM
            return tuple(acc[k] + zext[pl.ds(off + k * L, L)]
                         for k in range(FCH))

        acc3 = lax.fori_loop(
            j - CAPACITY, j, sb,
            tuple(jnp.zeros((L,), jnp.float32) for _ in range(FCH)))
        inv_cap = jnp.full((L,), 1.0 / CAPACITY, jnp.float32)
        slot = seg_start - start
        for k in range(FCH):
            obuf[slot, pl.ds(k * L, L)] = acc3[k] * inv_cap
        rmw(oidx, slot, c_open)

    pltpu.sync_copy(obuf, sums_hbm.at[oidx])


def _counts_tc(cid2d):
    blk = 128

    def body(ids_ref, out_ref):
        ids = ids_ref[...].reshape(1, B)
        c0 = pl.program_id(0) * blk
        centers = c0 + lax.broadcasted_iota(jnp.int32, (blk, 1), 0)
        cnt = jnp.sum((ids == centers).astype(jnp.float32), axis=1,
                      keepdims=True)
        out_ref[...] = jnp.broadcast_to(cnt, (blk, 128))

    return pl.pallas_call(
        body,
        grid=(NUM_CENTERS // blk,),
        in_specs=[pl.BlockSpec((NW, TPW), lambda i: (0, 0))],
        out_specs=pl.BlockSpec((blk, 128), lambda i: (i, 0)),
        out_shape=jax.ShapeDtypeStruct((NUM_CENTERS, 128), jnp.float32),
    )(cid2d)


@functools.partial(
    pl.kernel,
    out_type=jax.ShapeDtypeStruct((B, FEAT_DIM), jnp.float32),
    mesh=_mesh,
    scratch_types=[
        pltpu.VMEM((TPW,), jnp.int32),
        pltpu.VMEM((TPW, FEAT_DIM), jnp.float32),
        pltpu.VMEM((TPW, 128), jnp.float32),
        pltpu.VMEM((FEAT_DIM,), jnp.float32),
        pltpu.SemaphoreType.DMA,
        pltpu.SemaphoreType.DMA,
    ],
)
def _gather_out_sc(sums_hbm, cnts_hbm, tgt_hbm, fb_hbm, out_hbm,
                   tflat, rows, cntv, fbrow, sem_rows, sem_cnt):
    w = _tile_id()
    base = w * TPW

    pltpu.sync_copy(tgt_hbm.at[pl.ds(base, TPW)], tflat)
    cp_rows = pltpu.async_copy(sums_hbm.at[tflat], rows, sem_rows)
    cp_cnt = pltpu.async_copy(cnts_hbm.at[tflat], cntv, sem_cnt)
    cp_cnt.wait()
    cp_rows.wait()

    def body(t, carry):
        em = cntv[t, pl.ds(0, L)][0]

        @pl.when(em == 0.0)
        def _patch_fallback():
            pltpu.sync_copy(
                fb_hbm.at[pl.ds((base + t) * FEAT_DIM, FEAT_DIM)], fbrow)
            for k in range(FCH):
                rows[t, pl.ds(k * L, L)] = fbrow[pl.ds(k * L, L)]

        return carry

    lax.fori_loop(0, TPW, body, 0)
    pltpu.sync_copy(rows, out_hbm.at[pl.ds(base, TPW)])


def kernel(bank, z_noise, center_ids, target_center_ids):
    del bank
    zflat = z_noise.reshape(-1)
    sums = _seg_means_sc(zflat, center_ids.astype(jnp.int32))
    cnts = _counts_tc(center_ids.astype(jnp.int32).reshape(NW, TPW))
    fb = jnp.asarray(_FALLBACK).reshape(-1)
    return _gather_out_sc(sums, cnts, target_center_ids.astype(jnp.int32),
                          fb)

# --- scband reference (transcript-rebuilt; emitter-appended) ---
"""Pipeline reference for scband-noise-memory-bank-5248450035798 (READ-ONLY COPY).

The authoritative reference and input builder live on the scoring server;
editing this copy changes nothing except your own understanding.
"""

import jax, jax.numpy as jnp
import numpy as np

NUM_CENTERS = 1024
CAPACITY = 128
FEAT_DIM = 256
B = 4096


def setup_inputs(seed: int = 0) -> dict:
    key = jax.random.key(seed)
    k1, k2, k3, k4 = jax.random.split(key, 4)
    bank = jax.random.normal(k1, (NUM_CENTERS, CAPACITY, FEAT_DIM), dtype=jnp.float32)
    z_noise = jax.random.normal(k2, (B, FEAT_DIM), dtype=jnp.float32)
    center_ids = jnp.sort(jax.random.randint(k3, (B,), 0, NUM_CENTERS, dtype=jnp.int32))
    target_center_ids = jax.random.randint(k4, (B,), 0, NUM_CENTERS, dtype=jnp.int32)
    return {"bank": bank, "z_noise": z_noise, "center_ids": center_ids, "target_center_ids": target_center_ids}


def _forward(bank, z_noise, center_ids, target_center_ids):
    num_centers, capacity, feat_dim = bank.shape
    b = center_ids.shape[0]
    # ---- update(): no-grad ring-buffer scatter write (starting from ptr=0, count=0) ----
    z = jax.lax.stop_gradient(z_noise)
    # center_ids is sorted; position of each sample within its center's segment
    seg_start = jnp.searchsorted(center_ids, jnp.arange(num_centers, dtype=center_ids.dtype), side='left')
    pos = jnp.arange(b) - seg_start[center_ids]
    slot = pos % capacity
    new_bank = bank.at[center_ids, slot].set(z)
    counts = jnp.minimum(jnp.bincount(center_ids, length=num_centers), capacity)
    # ---- get_counterfactual_noise(strategy='mean') ----
    tgt_counts = counts[target_center_ids]  # [B]
    gathered = new_bank[target_center_ids]  # [B, capacity, feat_dim]
    valid = (jnp.arange(capacity)[None, :] < tgt_counts[:, None]).astype(gathered.dtype)  # [B, capacity]
    denom = jnp.maximum(tgt_counts, 1).astype(gathered.dtype)
    mean_feat = (gathered * valid[:, :, None]).sum(axis=1) / denom[:, None]
    # count==0 -> fresh gaussian noise (torch.randn fallback), made deterministic here
    fallback = jax.random.normal(jax.random.key(1), (b, feat_dim), dtype=gathered.dtype)
    out = jnp.where((tgt_counts == 0)[:, None], fallback, mean_feat)
    return out


def reference(bank, z_noise, center_ids, target_center_ids):
    return _forward(bank, z_noise, center_ids, target_center_ids)

if __name__ == "__main__":
    import jax
    _d = setup_inputs()
    print(jax.jit(kernel)(*tuple(_d.values())))

</pallas_src>

<mosaic_0001>
#map = affine_map<(d0, d1) -> (0, 0)>
#map1 = affine_map<(d0, d1) -> (0)>
module attributes {stable_mosaic.version = 14 : i64} {
  func.func @_gather_out_sc(%arg0: i32, %arg1: i32, %arg2: memref<5120x256xf32, #tpu.memory_space<hbm>>, %arg3: memref<1024x128xf32, #tpu.memory_space<hbm>>, %arg4: memref<4096xi32, #tpu.memory_space<hbm>>, %arg5: memref<1048576xf32, #tpu.memory_space<hbm>>, %arg6: memref<4096x256xf32, #tpu.memory_space<hbm>>, %arg7: memref<128xi32, #tpu.memory_space<vmem>>, %arg8: memref<128x256xf32, #tpu.memory_space<vmem>>, %arg9: memref<128x128xf32, #tpu.memory_space<vmem>>, %arg10: memref<256xf32, #tpu.memory_space<vmem>>, %arg11: memref<!tpu.dma_semaphore, #tpu.memory_space<semaphore_mem>>, %arg12: memref<!tpu.dma_semaphore, #tpu.memory_space<semaphore_mem>>) attributes {dimension_semantics = [#tpu.dimension_semantics<core_parallel>, #tpu.dimension_semantics<subcore_parallel>], iteration_bounds = array<i64: 2, 16>, scalar_prefetch = 0 : i64, scratch_operands = 6 : i64, tpu.core_type = #tpu.core_type<sc_vector_subcore>, window_params = [{transform_indices = #map}, {transform_indices = #map}, {transform_indices = #map1}, {transform_indices = #map1}, {transform_indices = #map}]} {
    %mul3A = arith.constant 16 : i32
    %mul3A_0 = arith.muli %arg0, %mul3A : i32
    %add3A = arith.addi %mul3A_0, %arg1 : i32
    %mul3A_1 = arith.constant 128 : i32
    %mul3A_2 = arith.muli %add3A, %mul3A_1 : i32
    "tpu.region"() ({
      %run_scoped3A = tpu.sem_alloc : memref<!tpu.dma_semaphore, #tpu.memory_space<semaphore_mem>>
      %dma_start3A_18 = tpu.memref_slice %arg4[%mul3A_2] : memref<4096xi32, #tpu.memory_space<hbm>> -> memref<128xi32, #tpu.memory_space<hbm>>
      %dma_start3A_19 = tpu.memref_slice %arg4[%mul3A_2] : memref<4096xi32, #tpu.memory_space<hbm>> -> memref<128xi32, #tpu.memory_space<hbm>>
      tpu.enqueue_dma source(%dma_start3A_19 : memref<128xi32, #tpu.memory_space<hbm>>) target(%arg7 : memref<128xi32, #tpu.memory_space<vmem>>) target_semaphore(%run_scoped3A : memref<!tpu.dma_semaphore, #tpu.memory_space<semaphore_mem>>)
      %dma_wait3A_20 = tpu.memref_slice %arg4[%mul3A_2] : memref<4096xi32, #tpu.memory_space<hbm>> -> memref<128xi32, #tpu.memory_space<hbm>>
      %dma_wait3A_21 = tpu.memref_slice %arg4[%mul3A_2] : memref<4096xi32, #tpu.memory_space<hbm>> -> memref<128xi32, #tpu.memory_space<hbm>>
      tpu.wait_dma2 semaphore(%run_scoped3A : memref<!tpu.dma_semaphore, #tpu.memory_space<semaphore_mem>>) src(%dma_wait3A_21 : memref<128xi32, #tpu.memory_space<hbm>>) dst(%arg7 : memref<128xi32, #tpu.memory_space<vmem>>)
      tpu.yield
    }) : () -> ()
    %dma_start3A = arith.constant 0 : i32
    %dma_start3A_3 = arith.constant 0 : i32
    %dma_start3A_4 = tpu.memref_slice %arg2[%dma_start3A, %dma_start3A_3] : memref<5120x256xf32, #tpu.memory_space<hbm>> -> memref<5120x256xf32, #tpu.memory_space<hbm>>
    tpu.enqueue_indirect_dma source(%dma_start3A_4 : memref<5120x256xf32, #tpu.memory_space<hbm>>) target(%arg8 : memref<128x256xf32, #tpu.memory_space<vmem>>) offsets(%arg7 : memref<128xi32, #tpu.memory_space<vmem>>) semaphore(%arg11 : memref<!tpu.dma_semaphore, #tpu.memory_space<semaphore_mem>>)
    %dma_start3A_5 = arith.constant 0 : i32
    %dma_start3A_6 = arith.constant 0 : i32
    %dma_start3A_7 = tpu.memref_slice %arg3[%dma_start3A_5, %dma_start3A_6] : memref<1024x128xf32, #tpu.memory_space<hbm>> -> memref<1024x128xf32, #tpu.memory_space<hbm>>
    tpu.enqueue_indirect_dma source(%dma_start3A_7 : memref<1024x128xf32, #tpu.memory_space<hbm>>) target(%arg9 : memref<128x128xf32, #tpu.memory_space<vmem>>) offsets(%arg7 : memref<128xi32, #tpu.memory_space<vmem>>) semaphore(%arg12 : memref<!tpu.dma_semaphore, #tpu.memory_space<semaphore_mem>>)
    %dma_wait3A = arith.constant 0 : i32
    %dma_wait3A_8 = arith.constant 0 : i32
    %dma_wait3A_9 = tpu.memref_slice %arg3[%dma_wait3A, %dma_wait3A_8] : memref<1024x128xf32, #tpu.memory_space<hbm>> -> memref<1024x128xf32, #tpu.memory_space<hbm>>
    tpu.wait_indirect_dma semaphore(%arg12 : memref<!tpu.dma_semaphore, #tpu.memory_space<semaphore_mem>>) src(%dma_wait3A_9 : memref<1024x128xf32, #tpu.memory_space<hbm>>) dst(%arg9 : memref<128x128xf32, #tpu.memory_space<vmem>>)
    %dma_wait3A_10 = arith.constant 0 : i32
    %dma_wait3A_11 = arith.constant 0 : i32
    %dma_wait3A_12 = tpu.memref_slice %arg2[%dma_wait3A_10, %dma_wait3A_11] : memref<5120x256xf32, #tpu.memory_space<hbm>> -> memref<5120x256xf32, #tpu.memory_space<hbm>>
    tpu.wait_indirect_dma semaphore(%arg11 : memref<!tpu.dma_semaphore, #tpu.memory_space<semaphore_mem>>) src(%dma_wait3A_12 : memref<5120x256xf32, #tpu.memory_space<hbm>>) dst(%arg8 : memref<128x256xf32, #tpu.memory_space<vmem>>)
    %scan3A = arith.constant 0 : i32
    %scan3A_13 = arith.constant 0 : i32
    %scan3A_14 = arith.constant 128 : i32
    %scan3A_15 = arith.addi %scan3A_13, %scan3A_14 : i32
    %scan3A_16 = arith.constant 1 : i32
    scf.for %scan3A_18 = %scan3A_13 to %scan3A_15 step %scan3A_16  : i32 {
      %get3A = arith.index_cast %scan3A_18 : i32 to index
      %get3A_19 = arith.constant 0 : index
      %get3A_20 = tpu.vector_load %arg9[%get3A, %get3A_19] {strides = array<i32>} : memref<128x128xf32, #tpu.memory_space<vmem>>, vector<1x16xf32>,
      %get3A_21 = vector.shape_cast %get3A_20 : vector<1x16xf32> to vector<16xf32>
      %slice3A = vector.extract_strided_slice %get3A_21 {offsets = [0], sizes = [1], strides = [1]} : vector<16xf32> to vector<1xf32>
      %squeeze3A = vector.extract %slice3A[0] : f32 from vector<1xf32>
      %eq3A = arith.constant 0.000000e+00 : f32
      %eq3A_22 = arith.cmpf oeq, %squeeze3A, %eq3A : f32
      %convert_element_type3A = arith.extui %eq3A_22 : i1 to i32
      %cond3A = arith.constant 0 : i32
      %cond3A_23 = arith.cmpi ne, %convert_element_type3A, %cond3A : i32
      scf.if %cond3A_23 {
        %add3A_24 = arith.addi %mul3A_2, %scan3A_18 : i32
        %mul3A_25 = arith.constant 256 : i32
        %mul3A_26 = arith.muli %add3A_24, %mul3A_25 : i32
        "tpu.region"() ({
          %run_scoped3A = tpu.sem_alloc : memref<!tpu.dma_semaphore, #tpu.memory_space<semaphore_mem>>
          %dma_start3A_154 = tpu.memref_slice %arg5[%mul3A_26] : memref<1048576xf32, #tpu.memory_space<hbm>> -> memref<256xf32, #tpu.memory_space<hbm>>
          %dma_start3A_155 = tpu.memref_slice %arg5[%mul3A_26] : memref<1048576xf32, #tpu.memory_space<hbm>> -> memref<256xf32, #tpu.memory_space<hbm>>
          tpu.enqueue_dma source(%dma_start3A_155 : memref<256xf32, #tpu.memory_space<hbm>>) target(%arg10 : memref<256xf32, #tpu.memory_space<vmem>>) target_semaphore(%run_scoped3A : memref<!tpu.dma_semaphore, #tpu.memory_space<semaphore_mem>>)
          %dma_wait3A_156 = tpu.memref_slice %arg5[%mul3A_26] : memref<1048576xf32, #tpu.memory_space<hbm>> -> memref<256xf32, #tpu.memory_space<hbm>>
          %dma_wait3A_157 = tpu.memref_slice %arg5[%mul3A_26] : memref<1048576xf32, #tpu.memory_space<hbm>> -> memref<256xf32, #tpu.memory_space<hbm>>
          tpu.wait_dma2 semaphore(%run_scoped3A : memref<!tpu.dma_semaphore, #tpu.memory_space<semaphore_mem>>) src(%dma_wait3A_157 : memref<256xf32, #tpu.memory_space<hbm>>) dst(%arg10 : memref<256xf32, #tpu.memory_space<vmem>>)
          tpu.yield
        }) : () -> ()
        %get3A_27 = arith.constant 0 : index
        %get3A_28 = tpu.vector_load %arg10[%get3A_27] {strides = array<i32>} : memref<256xf32, #tpu.memory_space<vmem>>, vector<16xf32>,
        %get3A_29 = vector.shape_cast %get3A_28 : vector<16xf32> to vector<16xf32>
        %swap3A = arith.index_cast %scan3A_18 : i32 to index
        %swap3A_30 = arith.constant 0 : index
        %swap3A_31 = tpu.vector_load %arg8[%swap3A, %swap3A_30] {strides = array<i32>} : memref<128x256xf32, #tpu.memory_space<vmem>>, vector<1x16xf32>,
        %swap3A_32 = vector.shape_cast %swap3A_31 : vector<1x16xf32> to vector<16xf32>
        %swap3A_33 = vector.shape_cast %get3A_29 : vector<16xf32> to vector<1x16xf32>
        tpu.vector_store %arg8[%swap3A, %swap3A_30], %swap3A_33 {strides = array<i32>} : memref<128x256xf32, #tpu.memory_space<vmem>>, vector<1x16xf32>,
        %get3A_34 = arith.constant 16 : index
        %get3A_35 = tpu.vector_load %arg10[%get3A_34] {strides = array<i32>} : memref<256xf32, #tpu.memory_space<vmem>>, vector<16xf32>,
        %get3A_36 = vector.shape_cast %get3A_35 : vector<16xf32> to vector<16xf32>
        %swap3A_37 = arith.index_cast %scan3A_18 : i32 to index
        %swap3A_38 = arith.constant 16 : index
        %swap3A_39 = tpu.vector_load %arg8[%swap3A_37, %swap3A_38] {strides = array<i32>} : memref<128x256xf32, #tpu.memory_space<vmem>>, vector<1x16xf32>,
        %swap3A_40 = vector.shape_cast %swap3A_39 : vector<1x16xf32> to vector<16xf32>
        %swap3A_41 = vector.shape_cast %get3A_36 : vector<16xf32> to vector<1x16xf32>
        tpu.vector_store %arg8[%swap3A_37, %swap3A_38], %swap3A_41 {strides = array<i32>} : memref<128x256xf32, #tpu.memory_space<vmem>>, vector<1x16xf32>,
        %get3A_42 = arith.constant 32 : index
        %get3A_43 = tpu.vector_load %arg10[%get3A_42] {strides = array<i32>} : memref<256xf32, #tpu.memory_space<vmem>>, vector<16xf32>,
        %get3A_44 = vector.shape_cast %get3A_43 : vector<16xf32> to vector<16xf32>
        %swap3A_45 = arith.index_cast %scan3A_18 : i32 to index
        %swap3A_46 = arith.constant 32 : index
        %swap3A_47 = tpu.vector_load %arg8[%swap3A_45, %swap3A_46] {strides = array<i32>} : memref<128x256xf32, #tpu.memory_space<vmem>>, vector<1x16xf32>,
        %swap3A_48 = vector.shape_cast %swap3A_47 : vector<1x16xf32> to vector<16xf32>
        %swap3A_49 = vector.shape_cast %get3A_44 : vector<16xf32> to vector<1x16xf32>
        tpu.vector_store %arg8[%swap3A_45, %swap3A_46], %swap3A_49 {strides = array<i32>} : memref<128x256xf32, #tpu.memory_space<vmem>>, vector<1x16xf32>,
        %get3A_50 = arith.constant 48 : index
        %get3A_51 = tpu.vector_load %arg10[%get3A_50] {strides = array<i32>} : memref<256xf32, #tpu.memory_space<vmem>>, vector<16xf32>,
        %get3A_52 = vector.shape_cast %get3A_51 : vector<16xf32> to vector<16xf32>
        %swap3A_53 = arith.index_cast %scan3A_18 : i32 to index
        %swap3A_54 = arith.constant 48 : index
        %swap3A_55 = tpu.vector_load %arg8[%swap3A_53, %swap3A_54] {strides = array<i32>} : memref<128x256xf32, #tpu.memory_space<vmem>>, vector<1x16xf32>,
        %swap3A_56 = vector.shape_cast %swap3A_55 : vector<1x16xf32> to vector<16xf32>
        %swap3A_57 = vector.shape_cast %get3A_52 : vector<16xf32> to vector<1x16xf32>
        tpu.vector_store %arg8[%swap3A_53, %swap3A_54], %swap3A_57 {strides = array<i32>} : memref<128x256xf32, #tpu.memory_space<vmem>>, vector<1x16xf32>,
        %get3A_58 = arith.constant 64 : index
        %get3A_59 = tpu.vector_load %arg10[%get3A_58] {strides = array<i32>} : memref<256xf32, #tpu.memory_space<vmem>>, vector<16xf32>,
        %get3A_60 = vector.shape_cast %get3A_59 : vector<16xf32> to vector<16xf32>
        %swap3A_61 = arith.index_cast %scan3A_18 : i32 to index
        %swap3A_62 = arith.constant 64 : index
        %swap3A_63 = tpu.vector_load %arg8[%swap3A_61, %swap3A_62] {strides = array<i32>} : memref<128x256xf32, #tpu.memory_space<vmem>>, vector<1x16xf32>,
        %swap3A_64 = vector.shape_cast %swap3A_63 : vector<1x16xf32> to vector<16xf32>
        %swap3A_65 = vector.shape_cast %get3A_60 : vector<16xf32> to vector<1x16xf32>
        tpu.vector_store %arg8[%swap3A_61, %swap3A_62], %swap3A_65 {strides = array<i32>} : memref<128x256xf32, #tpu.memory_space<vmem>>, vector<1x16xf32>,
        %get3A_66 = arith.constant 80 : index
        %get3A_67 = tpu.vector_load %arg10[%get3A_66] {strides = array<i32>} : memref<256xf32, #tpu.memory_space<vmem>>, vector<16xf32>,
        %get3A_68 = vector.shape_cast %get3A_67 : vector<16xf32> to vector<16xf32>
        %swap3A_69 = arith.index_cast %scan3A_18 : i32 to index
        %swap3A_70 = arith.constant 80 : index
        %swap3A_71 = tpu.vector_load %arg8[%swap3A_69, %swap3A_70] {strides = array<i32>} : memref<128x256xf32, #tpu.memory_space<vmem>>, vector<1x16xf32>,
        %swap3A_72 = vector.shape_cast %swap3A_71 : vector<1x16xf32> to vector<16xf32>
        %swap3A_73 = vector.shape_cast %get3A_68 : vector<16xf32> to vector<1x16xf32>
        tpu.vector_store %arg8[%swap3A_69, %swap3A_70], %swap3A_73 {strides = array<i32>} : memref<128x256xf32, #tpu.memory_space<vmem>>, vector<1x16xf32>,
        %get3A_74 = arith.constant 96 : index
        %get3A_75 = tpu.vector_load %arg10[%get3A_74] {strides = array<i32>} : memref<256xf32, #tpu.memory_space<vmem>>, vector<16xf32>,
        %get3A_76 = vector.shape_cast %get3A_75 : vector<16xf32> to vector<16xf32>
        %swap3A_77 = arith.index_cast %scan3A_18 : i32 to index
        %swap3A_78 = arith.constant 96 : index
        %swap3A_79 = tpu.vector_load %arg8[%swap3A_77, %swap3A_78] {strides = array<i32>} : memref<128x256xf32, #tpu.memory_space<vmem>>, vector<1x16xf32>,
        %swap3A_80 = vector.shape_cast %swap3A_79 : vector<1x16xf32> to vector<16xf32>
        %swap3A_81 = vector.shape_cast %get3A_76 : vector<16xf32> to vector<1x16xf32>
        tpu.vector_store %arg8[%swap3A_77, %swap3A_78], %swap3A_81 {strides = array<i32>} : memref<128x256xf32, #tpu.memory_space<vmem>>, vector<1x16xf32>,
        %get3A_82 = arith.constant 112 : index
        %get3A_83 = tpu.vector_load %arg10[%get3A_82] {strides = array<i32>} : memref<256xf32, #tpu.memory_space<vmem>>, vector<16xf32>,
        %get3A_84 = vector.shape_cast %get3A_83 : vector<16xf32> to vector<16xf32>
        %swap3A_85 = arith.index_cast %scan3A_18 : i32 to index
        %swap3A_86 = arith.constant 112 : index
        %swap3A_87 = tpu.vector_load %arg8[%swap3A_85, %swap3A_86] {strides = array<i32>} : memref<128x256xf32, #tpu.memory_space<vmem>>, vector<1x16xf32>,
        %swap3A_88 = vector.shape_cast %swap3A_87 : vector<1x16xf32> to vector<16xf32>
        %swap3A_89 = vector.shape_cast %get3A_84 : vector<16xf32> to vector<1x16xf32>
        tpu.vector_store %arg8[%swap3A_85, %swap3A_86], %swap3A_89 {strides = array<i32>} : memref<128x256xf32, #tpu.memory_space<vmem>>, vector<1x16xf32>,
        %get3A_90 = arith.constant 128 : index
        %get3A_91 = tpu.vector_load %arg10[%get3A_90] {strides = array<i32>} : memref<256xf32, #tpu.memory_space<vmem>>, vector<16xf32>,
        %get3A_92 = vector.shape_cast %get3A_91 : vector<16xf32> to vector<16xf32>
        %swap3A_93 = arith.index_cast %scan3A_18 : i32 to index
        %swap3A_94 = arith.constant 128 : index
        %swap3A_95 = tpu.vector_load %arg8[%swap3A_93, %swap3A_94] {strides = array<i32>} : memref<128x256xf32, #tpu.memory_space<vmem>>, vector<1x16xf32>,
        %swap3A_96 = vector.shape_cast %swap3A_95 : vector<1x16xf32> to vector<16xf32>
        %swap3A_97 = vector.shape_cast %get3A_92 : vector<16xf32> to vector<1x16xf32>
        tpu.vector_store %arg8[%swap3A_93, %swap3A_94], %swap3A_97 {strides = array<i32>} : memref<128x256xf32, #tpu.memory_space<vmem>>, vector<1x16xf32>,
        %get3A_98 = arith.constant 144 : index
        %get3A_99 = tpu.vector_load %arg10[%get3A_98] {strides = array<i32>} : memref<256xf32, #tpu.memory_space<vmem>>, vector<16xf32>,
        %get3A_100 = vector.shape_cast %get3A_99 : vector<16xf32> to vector<16xf32>
        %swap3A_101 = arith.index_cast %scan3A_18 : i32 to index
        %swap3A_102 = arith.constant 144 : index
        %swap3A_103 = tpu.vector_load %arg8[%swap3A_101, %swap3A_102] {strides = array<i32>} : memref<128x256xf32, #tpu.memory_space<vmem>>, vector<1x16xf32>,
        %swap3A_104 = vector.shape_cast %swap3A_103 : vector<1x16xf32> to vector<16xf32>
        %swap3A_105 = vector.shape_cast %get3A_100 : vector<16xf32> to vector<1x16xf32>
        tpu.vector_store %arg8[%swap3A_101, %swap3A_102], %swap3A_105 {strides = array<i32>} : memref<128x256xf32, #tpu.memory_space<vmem>>, vector<1x16xf32>,
        %get3A_106 = arith.constant 160 : index
        %get3A_107 = tpu.vector_load %arg10[%get3A_106] {strides = array<i32>} : memref<256xf32, #tpu.memory_space<vmem>>, vector<16xf32>,
        %get3A_108 = vector.shape_cast %get3A_107 : vector<16xf32> to vector<16xf32>
        %swap3A_109 = arith.index_cast %scan3A_18 : i32 to index
        %swap3A_110 = arith.constant 160 : index
        %swap3A_111 = tpu.vector_load %arg8[%swap3A_109, %swap3A_110] {strides = array<i32>} : memref<128x256xf32, #tpu.memory_space<vmem>>, vector<1x16xf32>,
        %swap3A_112 = vector.shape_cast %swap3A_111 : vector<1x16xf32> to vector<16xf32>
        %swap3A_113 = vector.shape_cast %get3A_108 : vector<16xf32> to vector<1x16xf32>
        tpu.vector_store %arg8[%swap3A_109, %swap3A_110], %swap3A_113 {strides = array<i32>} : memref<128x256xf32, #tpu.memory_space<vmem>>, vector<1x16xf32>,
        %get3A_114 = arith.constant 176 : index
        %get3A_115 = tpu.vector_load %arg10[%get3A_114] {strides = array<i32>} : memref<256xf32, #tpu.memory_space<vmem>>, vector<16xf32>,
        %get3A_116 = vector.shape_cast %get3A_115 : vector<16xf32> to vector<16xf32>
        %swap3A_117 = arith.index_cast %scan3A_18 : i32 to index
        %swap3A_118 = arith.constant 176 : index
        %swap3A_119 = tpu.vector_load %arg8[%swap3A_117, %swap3A_118] {strides = array<i32>} : memref<128x256xf32, #tpu.memory_space<vmem>>, vector<1x16xf32>,
        %swap3A_120 = vector.shape_cast %swap3A_119 : vector<1x16xf32> to vector<16xf32>
        %swap3A_121 = vector.shape_cast %get3A_116 : vector<16xf32> to vector<1x16xf32>
        tpu.vector_store %arg8[%swap3A_117, %swap3A_118], %swap3A_121 {strides = array<i32>} : memref<128x256xf32, #tpu.memory_space<vmem>>, vector<1x16xf32>,
        %get3A_122 = arith.constant 192 : index
        %get3A_123 = tpu.vector_load %arg10[%get3A_122] {strides = array<i32>} : memref<256xf32, #tpu.memory_space<vmem>>, vector<16xf32>,
        %get3A_124 = vector.shape_cast %get3A_123 : vector<16xf32> to vector<16xf32>
        %swap3A_125 = arith.index_cast %scan3A_18 : i32 to index
        %swap3A_126 = arith.constant 192 : index
        %swap3A_127 = tpu.vector_load %arg8[%swap3A_125, %swap3A_126] {strides = array<i32>} : memref<128x256xf32, #tpu.memory_space<vmem>>, vector<1x16xf32>,
        %swap3A_128 = vector.shape_cast %swap3A_127 : vector<1x16xf32> to vector<16xf32>
        %swap3A_129 = vector.shape_cast %get3A_124 : vector<16xf32> to vector<1x16xf32>
        tpu.vector_store %arg8[%swap3A_125, %swap3A_126], %swap3A_129 {strides = array<i32>} : memref<128x256xf32, #tpu.memory_space<vmem>>, vector<1x16xf32>,
        %get3A_130 = arith.constant 208 : index
        %get3A_131 = tpu.vector_load %arg10[%get3A_130] {strides = array<i32>} : memref<256xf32, #tpu.memory_space<vmem>>, vector<16xf32>,
        %get3A_132 = vector.shape_cast %get3A_131 : vector<16xf32> to vector<16xf32>
        %swap3A_133 = arith.index_cast %scan3A_18 : i32 to index
        %swap3A_134 = arith.constant 208 : index
        %swap3A_135 = tpu.vector_load %arg8[%swap3A_133, %swap3A_134] {strides = array<i32>} : memref<128x256xf32, #tpu.memory_space<vmem>>, vector<1x16xf32>,
        %swap3A_136 = vector.shape_cast %swap3A_135 : vector<1x16xf32> to vector<16xf32>
        %swap3A_137 = vector.shape_cast %get3A_132 : vector<16xf32> to vector<1x16xf32>
        tpu.vector_store %arg8[%swap3A_133, %swap3A_134], %swap3A_137 {strides = array<i32>} : memref<128x256xf32, #tpu.memory_space<vmem>>, vector<1x16xf32>,
        %get3A_138 = arith.constant 224 : index
        %get3A_139 = tpu.vector_load %arg10[%get3A_138] {strides = array<i32>} : memref<256xf32, #tpu.memory_space<vmem>>, vector<16xf32>,
        %get3A_140 = vector.shape_cast %get3A_139 : vector<16xf32> to vector<16xf32>
        %swap3A_141 = arith.index_cast %scan3A_18 : i32 to index
        %swap3A_142 = arith.constant 224 : index
        %swap3A_143 = tpu.vector_load %arg8[%swap3A_141, %swap3A_142] {strides = array<i32>} : memref<128x256xf32, #tpu.memory_space<vmem>>, vector<1x16xf32>,
        %swap3A_144 = vector.shape_cast %swap3A_143 : vector<1x16xf32> to vector<16xf32>
        %swap3A_145 = vector.shape_cast %get3A_140 : vector<16xf32> to vector<1x16xf32>
        tpu.vector_store %arg8[%swap3A_141, %swap3A_142], %swap3A_145 {strides = array<i32>} : memref<128x256xf32, #tpu.memory_space<vmem>>, vector<1x16xf32>,
        %get3A_146 = arith.constant 240 : index
        %get3A_147 = tpu.vector_load %arg10[%get3A_146] {strides = array<i32>} : memref<256xf32, #tpu.memory_space<vmem>>, vector<16xf32>,
        %get3A_148 = vector.shape_cast %get3A_147 : vector<16xf32> to vector<16xf32>
        %swap3A_149 = arith.index_cast %scan3A_18 : i32 to index
        %swap3A_150 = arith.constant 240 : index
        %swap3A_151 = tpu.vector_load %arg8[%swap3A_149, %swap3A_150] {strides = array<i32>} : memref<128x256xf32, #tpu.memory_space<vmem>>, vector<1x16xf32>,
        %swap3A_152 = vector.shape_cast %swap3A_151 : vector<1x16xf32> to vector<16xf32>
        %swap3A_153 = vector.shape_cast %get3A_148 : vector<16xf32> to vector<1x16xf32>
        tpu.vector_store %arg8[%swap3A_149, %swap3A_150], %swap3A_153 {strides = array<i32>} : memref<128x256xf32, #tpu.memory_space<vmem>>, vector<1x16xf32>,
      } else {
      }
    }
    %scan3A_17 = arith.constant 128 : i32
    "tpu.region"() ({
      %run_scoped3A = tpu.sem_alloc : memref<!tpu.dma_semaphore, #tpu.memory_space<semaphore_mem>>
      %dma_start3A_18 = arith.constant 0 : i32
      %dma_start3A_19 = tpu.memref_slice %arg6[%mul3A_2, %dma_start3A_18] : memref<4096x256xf32, #tpu.memory_space<hbm>> -> memref<128x256xf32, #tpu.memory_space<hbm>>
      %dma_start3A_20 = arith.constant 0 : i32
      %dma_start3A_21 = tpu.memref_slice %arg6[%mul3A_2, %dma_start3A_20] : memref<4096x256xf32, #tpu.memory_space<hbm>> -> memref<128x256xf32, #tpu.memory_space<hbm>>
      tpu.enqueue_dma source(%arg8 : memref<128x256xf32, #tpu.memory_space<vmem>>) target(%dma_start3A_21 : memref<128x256xf32, #tpu.memory_space<hbm>>) target_semaphore(%run_scoped3A : memref<!tpu.dma_semaphore, #tpu.memory_space<semaphore_mem>>)
      %dma_wait3A_22 = arith.constant 0 : i32
      %dma_wait3A_23 = tpu.memref_slice %arg6[%mul3A_2, %dma_wait3A_22] : memref<4096x256xf32, #tpu.memory_space<hbm>> -> memref<128x256xf32, #tpu.memory_space<hbm>>
      %dma_wait3A_24 = arith.constant 0 : i32
      %dma_wait3A_25 = tpu.memref_slice %arg6[%mul3A_2, %dma_wait3A_24] : memref<4096x256xf32, #tpu.memory_space<hbm>> -> memref<128x256xf32, #tpu.memory_space<hbm>>
      tpu.wait_dma2 semaphore(%run_scoped3A : memref<!tpu.dma_semaphore, #tpu.memory_space<semaphore_mem>>) src(%arg8 : memref<128x256xf32, #tpu.memory_space<vmem>>) dst(%dma_wait3A_25 : memref<128x256xf32, #tpu.memory_space<hbm>>)
      tpu.yield
    }) : () -> ()
    return
  }
}

#map = affine_map<(d0, d1) -> (0)>
#map1 = affine_map<(d0, d1) -> (0, 0)>
module attributes {stable_mosaic.version = 14 : i64} {
  func.func @_seg_means_sc(%arg0: i32, %arg1: i32, %arg2: memref<1048576xf32, #tpu.memory_space<hbm>>, %arg3: memref<4096xi32, #tpu.memory_space<hbm>>, %arg4: memref<5120x256xf32, #tpu.memory_space<hbm>>, %arg5: memref<4368xi32, #tpu.memory_space<vmem>>, %arg6: memref<65536xf32, #tpu.memory_space<vmem>>, %arg7: memref<128x256xf32, #tpu.memory_space<vmem>>, %arg8: memref<128xi32, #tpu.memory_space<vmem>>, %arg9: memref<144xi32, #tpu.memory_space<vmem>>, %arg10: memref<144xi32, #tpu.memory_space<vmem>>, %arg11: memref<!tpu.dma_semaphore, #tpu.memory_space<semaphore_mem>>, %arg12: memref<!tpu.dma_semaphore, #tpu.memory_space<semaphore_mem>>) attributes {dimension_semantics = [#tpu.dimension_semantics<core_parallel>, #tpu.dimension_semantics<subcore_parallel>], iteration_bounds = array<i64: 2, 16>, scalar_prefetch = 0 : i64, scratch_operands = 8 : i64, tpu.core_type = #tpu.core_type<sc_vector_subcore>, window_params = [{transform_indices = #map}, {transform_indices = #map}, {transform_indices = #map1}]} {
    %mul3A = arith.constant 16 : i32
    %mul3A_0 = arith.muli %arg0, %mul3A : i32
    %add3A = arith.addi %mul3A_0, %arg1 : i32
    %mul3A_1 = arith.constant 128 : i32
    %mul3A_2 = arith.muli %add3A, %mul3A_1 : i32
    %add3A_3 = arith.constant 128 : i32
    %add3A_4 = arith.addi %mul3A_2, %add3A_3 : i32
    %min3A = arith.constant 3840 : i32
    %min3A_5 = arith.minsi %mul3A_2, %min3A : i32
    %dma_start3A = arith.constant 0 : i32
    %dma_start3A_6 = tpu.memref_slice %arg5[%dma_start3A] : memref<4368xi32, #tpu.memory_space<vmem>> -> memref<4096xi32, #tpu.memory_space<vmem>>
    %dma_start3A_7 = arith.constant 0 : i32
    %dma_start3A_8 = tpu.memref_slice %arg5[%dma_start3A_7] : memref<4368xi32, #tpu.memory_space<vmem>> -> memref<4096xi32, #tpu.memory_space<vmem>>
    tpu.enqueue_dma source(%arg3 : memref<4096xi32, #tpu.memory_space<hbm>>) target(%dma_start3A_8 : memref<4096xi32, #tpu.memory_space<vmem>>) target_semaphore(%arg11 : memref<!tpu.dma_semaphore, #tpu.memory_space<semaphore_mem>>)
    %mul3A_9 = arith.constant 256 : i32
    %mul3A_10 = arith.muli %min3A_5, %mul3A_9 : i32
    %dma_start3A_11 = tpu.memref_slice %arg2[%mul3A_10] : memref<1048576xf32, #tpu.memory_space<hbm>> -> memref<65536xf32, #tpu.memory_space<hbm>>
    %dma_start3A_12 = tpu.memref_slice %arg2[%mul3A_10] : memref<1048576xf32, #tpu.memory_space<hbm>> -> memref<65536xf32, #tpu.memory_space<hbm>>
    tpu.enqueue_dma source(%dma_start3A_12 : memref<65536xf32, #tpu.memory_space<hbm>>) target(%arg6 : memref<65536xf32, #tpu.memory_space<vmem>>) target_semaphore(%arg12 : memref<!tpu.dma_semaphore, #tpu.memory_space<semaphore_mem>>)
    %broadcast_in_dim3A = arith.constant -1 : i32
    %broadcast_in_dim3A_13 = vector.broadcast %broadcast_in_dim3A : i32 to vector<16xi32>
    %swap3A = arith.constant 4096 : index
    %swap3A_14 = tpu.vector_load %arg5[%swap3A] {strides = array<i32>} : memref<4368xi32, #tpu.memory_space<vmem>>, vector<16xi32>,
    %swap3A_15 = vector.shape_cast %swap3A_14 : vector<16xi32> to vector<16xi32>
    %swap3A_16 = vector.shape_cast %broadcast_in_dim3A_13 : vector<16xi32> to vector<16xi32>
    tpu.vector_store %arg5[%swap3A], %swap3A_16 {strides = array<i32>} : memref<4368xi32, #tpu.memory_space<vmem>>, vector<16xi32>,
    %swap3A_17 = arith.constant 4112 : index
    %swap3A_18 = tpu.vector_load %arg5[%swap3A_17] {strides = array<i32>} : memref<4368xi32, #tpu.memory_space<vmem>>, vector<16xi32>,
    %swap3A_19 = vector.shape_cast %swap3A_18 : vector<16xi32> to vector<16xi32>
    %swap3A_20 = vector.shape_cast %broadcast_in_dim3A_13 : vector<16xi32> to vector<16xi32>
    tpu.vector_store %arg5[%swap3A_17], %swap3A_20 {strides = array<i32>} : memref<4368xi32, #tpu.memory_space<vmem>>, vector<16xi32>,
    %swap3A_21 = arith.constant 4128 : index
    %swap3A_22 = tpu.vector_load %arg5[%swap3A_21] {strides = array<i32>} : memref<4368xi32, #tpu.memory_space<vmem>>, vector<16xi32>,
    %swap3A_23 = vector.shape_cast %swap3A_22 : vector<16xi32> to vector<16xi32>
    %swap3A_24 = vector.shape_cast %broadcast_in_dim3A_13 : vector<16xi32> to vector<16xi32>
    tpu.vector_store %arg5[%swap3A_21], %swap3A_24 {strides = array<i32>} : memref<4368xi32, #tpu.memory_space<vmem>>, vector<16xi32>,
    %swap3A_25 = arith.constant 4144 : index
    %swap3A_26 = tpu.vector_load %arg5[%swap3A_25] {strides = array<i32>} : memref<4368xi32, #tpu.memory_space<vmem>>, vector<16xi32>,
    %swap3A_27 = vector.shape_cast %swap3A_26 : vector<16xi32> to vector<16xi32>
    %swap3A_28 = vector.shape_cast %broadcast_in_dim3A_13 : vector<16xi32> to vector<16xi32>
    tpu.vector_store %arg5[%swap3A_25], %swap3A_28 {strides = array<i32>} : memref<4368xi32, #tpu.memory_space<vmem>>, vector<16xi32>,
    %swap3A_29 = arith.constant 4160 : index
    %swap3A_30 = tpu.vector_load %arg5[%swap3A_29] {strides = array<i32>} : memref<4368xi32, #tpu.memory_space<vmem>>, vector<16xi32>,
    %swap3A_31 = vector.shape_cast %swap3A_30 : vector<16xi32> to vector<16xi32>
    %swap3A_32 = vector.shape_cast %broadcast_in_dim3A_13 : vector<16xi32> to vector<16xi32>
    tpu.vector_store %arg5[%swap3A_29], %swap3A_32 {strides = array<i32>} : memref<4368xi32, #tpu.memory_space<vmem>>, vector<16xi32>,
    %swap3A_33 = arith.constant 4176 : index
    %swap3A_34 = tpu.vector_load %arg5[%swap3A_33] {strides = array<i32>} : memref<4368xi32, #tpu.memory_space<vmem>>, vector<16xi32>,
    %swap3A_35 = vector.shape_cast %swap3A_34 : vector<16xi32> to vector<16xi32>
    %swap3A_36 = vector.shape_cast %broadcast_in_dim3A_13 : vector<16xi32> to vector<16xi32>
    tpu.vector_store %arg5[%swap3A_33], %swap3A_36 {strides = array<i32>} : memref<4368xi32, #tpu.memory_space<vmem>>, vector<16xi32>,
    %swap3A_37 = arith.constant 4192 : index
    %swap3A_38 = tpu.vector_load %arg5[%swap3A_37] {strides = array<i32>} : memref<4368xi32, #tpu.memory_space<vmem>>, vector<16xi32>,
    %swap3A_39 = vector.shape_cast %swap3A_38 : vector<16xi32> to vector<16xi32>
    %swap3A_40 = vector.shape_cast %broadcast_in_dim3A_13 : vector<16xi32> to vector<16xi32>
    tpu.vector_store %arg5[%swap3A_37], %swap3A_40 {strides = array<i32>} : memref<4368xi32, #tpu.memory_space<vmem>>, vector<16xi32>,
    %swap3A_41 = arith.constant 4208 : index
    %swap3A_42 = tpu.vector_load %arg5[%swap3A_41] {strides = array<i32>} : memref<4368xi32, #tpu.memory_space<vmem>>, vector<16xi32>,
    %swap3A_43 = vector.shape_cast %swap3A_42 : vector<16xi32> to vector<16xi32>
    %swap3A_44 = vector.shape_cast %broadcast_in_dim3A_13 : vector<16xi32> to vector<16xi32>
    tpu.vector_store %arg5[%swap3A_41], %swap3A_44 {strides = array<i32>} : memref<4368xi32, #tpu.memory_space<vmem>>, vector<16xi32>,
    %swap3A_45 = arith.constant 4224 : index
    %swap3A_46 = tpu.vector_load %arg5[%swap3A_45] {strides = array<i32>} : memref<4368xi32, #tpu.memory_space<vmem>>, vector<16xi32>,
    %swap3A_47 = vector.shape_cast %swap3A_46 : vector<16xi32> to vector<16xi32>
    %swap3A_48 = vector.shape_cast %broadcast_in_dim3A_13 : vector<16xi32> to vector<16xi32>
    tpu.vector_store %arg5[%swap3A_45], %swap3A_48 {strides = array<i32>} : memref<4368xi32, #tpu.memory_space<vmem>>, vector<16xi32>,
    %swap3A_49 = arith.constant 4240 : index
    %swap3A_50 = tpu.vector_load %arg5[%swap3A_49] {strides = array<i32>} : memref<4368xi32, #tpu.memory_space<vmem>>, vector<16xi32>,
    %swap3A_51 = vector.shape_cast %swap3A_50 : vector<16xi32> to vector<16xi32>
    %swap3A_52 = vector.shape_cast %broadcast_in_dim3A_13 : vector<16xi32> to vector<16xi32>
    tpu.vector_store %arg5[%swap3A_49], %swap3A_52 {strides = array<i32>} : memref<4368xi32, #tpu.memory_space<vmem>>, vector<16xi32>,
    %swap3A_53 = arith.constant 4256 : index
    %swap3A_54 = tpu.vector_load %arg5[%swap3A_53] {strides = array<i32>} : memref<4368xi32, #tpu.memory_space<vmem>>, vector<16xi32>,
    %swap3A_55 = vector.shape_cast %swap3A_54 : vector<16xi32> to vector<16xi32>
    %swap3A_56 = vector.shape_cast %broadcast_in_dim3A_13 : vector<16xi32> to vector<16xi32>
    tpu.vector_store %arg5[%swap3A_53], %swap3A_56 {strides = array<i32>} : memref<4368xi32, #tpu.memory_space<vmem>>, vector<16xi32>,
    %swap3A_57 = arith.constant 4272 : index
    %swap3A_58 = tpu.vector_load %arg5[%swap3A_57] {strides = array<i32>} : memref<4368xi32, #tpu.memory_space<vmem>>, vector<16xi32>,
    %swap3A_59 = vector.shape_cast %swap3A_58 : vector<16xi32> to vector<16xi32>
    %swap3A_60 = vector.shape_cast %broadcast_in_dim3A_13 : vector<16xi32> to vector<16xi32>
    tpu.vector_store %arg5[%swap3A_57], %swap3A_60 {strides = array<i32>} : memref<4368xi32, #tpu.memory_space<vmem>>, vector<16xi32>,
    %swap3A_61 = arith.constant 4288 : index
    %swap3A_62 = tpu.vector_load %arg5[%swap3A_61] {strides = array<i32>} : memref<4368xi32, #tpu.memory_space<vmem>>, vector<16xi32>,
    %swap3A_63 = vector.shape_cast %swap3A_62 : vector<16xi32> to vector<16xi32>
    %swap3A_64 = vector.shape_cast %broadcast_in_dim3A_13 : vector<16xi32> to vector<16xi32>
    tpu.vector_store %arg5[%swap3A_61], %swap3A_64 {strides = array<i32>} : memref<4368xi32, #tpu.memory_space<vmem>>, vector<16xi32>,
    %swap3A_65 = arith.constant 4304 : index
    %swap3A_66 = tpu.vector_load %arg5[%swap3A_65] {strides = array<i32>} : memref<4368xi32, #tpu.memory_space<vmem>>, vector<16xi32>,
    %swap3A_67 = vector.shape_cast %swap3A_66 : vector<16xi32> to vector<16xi32>
    %swap3A_68 = vector.shape_cast %broadcast_in_dim3A_13 : vector<16xi32> to vector<16xi32>
    tpu.vector_store %arg5[%swap3A_65], %swap3A_68 {strides = array<i32>} : memref<4368xi32, #tpu.memory_space<vmem>>, vector<16xi32>,
    %swap3A_69 = arith.constant 4320 : index
    %swap3A_70 = tpu.vector_load %arg5[%swap3A_69] {strides = array<i32>} : memref<4368xi32, #tpu.memory_space<vmem>>, vector<16xi32>,
    %swap3A_71 = vector.shape_cast %swap3A_70 : vector<16xi32> to vector<16xi32>
    %swap3A_72 = vector.shape_cast %broadcast_in_dim3A_13 : vector<16xi32> to vector<16xi32>
    tpu.vector_store %arg5[%swap3A_69], %swap3A_72 {strides = array<i32>} : memref<4368xi32, #tpu.memory_space<vmem>>, vector<16xi32>,
    %swap3A_73 = arith.constant 4336 : index
    %swap3A_74 = tpu.vector_load %arg5[%swap3A_73] {strides = array<i32>} : memref<4368xi32, #tpu.memory_space<vmem>>, vector<16xi32>,
    %swap3A_75 = vector.shape_cast %swap3A_74 : vector<16xi32> to vector<16xi32>
    %swap3A_76 = vector.shape_cast %broadcast_in_dim3A_13 : vector<16xi32> to vector<16xi32>
    tpu.vector_store %arg5[%swap3A_73], %swap3A_76 {strides = array<i32>} : memref<4368xi32, #tpu.memory_space<vmem>>, vector<16xi32>,
    %swap3A_77 = arith.constant 4352 : index
    %swap3A_78 = tpu.vector_load %arg5[%swap3A_77] {strides = array<i32>} : memref<4368xi32, #tpu.memory_space<vmem>>, vector<16xi32>,
    %swap3A_79 = vector.shape_cast %swap3A_78 : vector<16xi32> to vector<16xi32>
    %swap3A_80 = vector.shape_cast %broadcast_in_dim3A_13 : vector<16xi32> to vector<16xi32>
    tpu.vector_store %arg5[%swap3A_77], %swap3A_80 {strides = array<i32>} : memref<4368xi32, #tpu.memory_space<vmem>>, vector<16xi32>,
    %dma_wait3A = arith.constant 0 : i32
    %dma_wait3A_81 = tpu.memref_slice %arg5[%dma_wait3A] : memref<4368xi32, #tpu.memory_space<vmem>> -> memref<4096xi32, #tpu.memory_space<vmem>>
    %dma_wait3A_82 = arith.constant 0 : i32
    %dma_wait3A_83 = tpu.memref_slice %arg5[%dma_wait3A_82] : memref<4368xi32, #tpu.memory_space<vmem>> -> memref<4096xi32, #tpu.memory_space<vmem>>
    tpu.wait_dma2 semaphore(%arg11 : memref<!tpu.dma_semaphore, #tpu.memory_space<semaphore_mem>>) src(%arg3 : memref<4096xi32, #tpu.memory_space<hbm>>) dst(%dma_wait3A_83 : memref<4096xi32, #tpu.memory_space<vmem>>)
    %broadcast_in_dim3A_84 = arith.constant 1024 : i32
    %broadcast_in_dim3A_85 = vector.broadcast %broadcast_in_dim3A_84 : i32 to vector<16xi32>
    %iota3A = tpu.iota {dimensions = array<i32: 0>} : vector<16xi32>
    %add3A_86 = arith.addi %broadcast_in_dim3A_85, %iota3A : vector<16xi32>
    %add3A_87 = vector.broadcast %mul3A_2 : i32 to vector<16xi32>
    %add3A_88 = arith.addi %add3A_86, %add3A_87 : vector<16xi32>
    %add3A_89 = arith.constant 0 : i32
    %add3A_90 = vector.broadcast %add3A_89 : i32 to vector<16xi32>
    %add3A_91 = arith.addi %add3A_88, %add3A_90 : vector<16xi32>
    %swap3A_92 = arith.constant 0 : index
    %swap3A_93 = tpu.vector_load %arg8[%swap3A_92] {strides = array<i32>} : memref<128xi32, #tpu.memory_space<vmem>>, vector<16xi32>,
    %swap3A_94 = vector.shape_cast %swap3A_93 : vector<16xi32> to vector<16xi32>
    %swap3A_95 = vector.shape_cast %add3A_91 : vector<16xi32> to vector<16xi32>
    tpu.vector_store %arg8[%swap3A_92], %swap3A_95 {strides = array<i32>} : memref<128xi32, #tpu.memory_space<vmem>>, vector<16xi32>,
    %add3A_96 = arith.constant 16 : i32
    %add3A_97 = vector.broadcast %add3A_96 : i32 to vector<16xi32>
    %add3A_98 = arith.addi %add3A_88, %add3A_97 : vector<16xi32>
    %swap3A_99 = arith.constant 16 : index
    %swap3A_100 = tpu.vector_load %arg8[%swap3A_99] {strides = array<i32>} : memref<128xi32, #tpu.memory_space<vmem>>, vector<16xi32>,
    %swap3A_101 = vector.shape_cast %swap3A_100 : vector<16xi32> to vector<16xi32>
    %swap3A_102 = vector.shape_cast %add3A_98 : vector<16xi32> to vector<16xi32>
    tpu.vector_store %arg8[%swap3A_99], %swap3A_102 {strides = array<i32>} : memref<128xi32, #tpu.memory_space<vmem>>, vector<16xi32>,
    %add3A_103 = arith.constant 32 : i32
    %add3A_104 = vector.broadcast %add3A_103 : i32 to vector<16xi32>
    %add3A_105 = arith.addi %add3A_88, %add3A_104 : vector<16xi32>
    %swap3A_106 = arith.constant 32 : index
    %swap3A_107 = tpu.vector_load %arg8[%swap3A_106] {strides = array<i32>} : memref<128xi32, #tpu.memory_space<vmem>>, vector<16xi32>,
    %swap3A_108 = vector.shape_cast %swap3A_107 : vector<16xi32> to vector<16xi32>
    %swap3A_109 = vector.shape_cast %add3A_105 : vector<16xi32> to vector<16xi32>
    tpu.vector_store %arg8[%swap3A_106], %swap3A_109 {strides = array<i32>} : memref<128xi32, #tpu.memory_space<vmem>>, vector<16xi32>,
    %add3A_110 = arith.constant 48 : i32
    %add3A_111 = vector.broadcast %add3A_110 : i32 to vector<16xi32>
    %add3A_112 = arith.addi %add3A_88, %add3A_111 : vector<16xi32>
    %swap3A_113 = arith.constant 48 : index
    %swap3A_114 = tpu.vector_load %arg8[%swap3A_113] {strides = array<i32>} : memref<128xi32, #tpu.memory_space<vmem>>, vector<16xi32>,
    %swap3A_115 = vector.shape_cast %swap3A_114 : vector<16xi32> to vector<16xi32>
    %swap3A_116 = vector.shape_cast %add3A_112 : vector<16xi32> to vector<16xi32>
    tpu.vector_store %arg8[%swap3A_113], %swap3A_116 {strides = array<i32>} : memref<128xi32, #tpu.memory_space<vmem>>, vector<16xi32>,
    %add3A_117 = arith.constant 64 : i32
    %add3A_118 = vector.broadcast %add3A_117 : i32 to vector<16xi32>
    %add3A_119 = arith.addi %add3A_88, %add3A_118 : vector<16xi32>
    %swap3A_120 = arith.constant 64 : index
    %swap3A_121 = tpu.vector_load %arg8[%swap3A_120] {strides = array<i32>} : memref<128xi32, #tpu.memory_space<vmem>>, vector<16xi32>,
    %swap3A_122 = vector.shape_cast %swap3A_121 : vector<16xi32> to vector<16xi32>
    %swap3A_123 = vector.shape_cast %add3A_119 : vector<16xi32> to vector<16xi32>
    tpu.vector_store %arg8[%swap3A_120], %swap3A_123 {strides = array<i32>} : memref<128xi32, #tpu.memory_space<vmem>>, vector<16xi32>,
    %add3A_124 = arith.constant 80 : i32
    %add3A_125 = vector.broadcast %add3A_124 : i32 to vector<16xi32>
    %add3A_126 = arith.addi %add3A_88, %add3A_125 : vector<16xi32>
    %swap3A_127 = arith.constant 80 : index
    %swap3A_128 = tpu.vector_load %arg8[%swap3A_127] {strides = array<i32>} : memref<128xi32, #tpu.memory_space<vmem>>, vector<16xi32>,
    %swap3A_129 = vector.shape_cast %swap3A_128 : vector<16xi32> to vector<16xi32>
    %swap3A_130 = vector.shape_cast %add3A_126 : vector<16xi32> to vector<16xi32>
    tpu.vector_store %arg8[%swap3A_127], %swap3A_130 {strides = array<i32>} : memref<128xi32, #tpu.memory_space<vmem>>, vector<16xi32>,
    %add3A_131 = arith.constant 96 : i32
    %add3A_132 = vector.broadcast %add3A_131 : i32 to vector<16xi32>
    %add3A_133 = arith.addi %add3A_88, %add3A_132 : vector<16xi32>
    %swap3A_134 = arith.constant 96 : index
    %swap3A_135 = tpu.vector_load %arg8[%swap3A_134] {strides = array<i32>} : memref<128xi32, #tpu.memory_space<vmem>>, vector<16xi32>,
    %swap3A_136 = vector.shape_cast %swap3A_135 : vector<16xi32> to vector<16xi32>
    %swap3A_137 = vector.shape_cast %add3A_133 : vector<16xi32> to vector<16xi32>
    tpu.vector_store %arg8[%swap3A_134], %swap3A_137 {strides = array<i32>} : memref<128xi32, #tpu.memory_space<vmem>>, vector<16xi32>,
    %add3A_138 = arith.constant 112 : i32
    %add3A_139 = vector.broadcast %add3A_138 : i32 to vector<16xi32>
    %add3A_140 = arith.addi %add3A_88, %add3A_139 : vector<16xi32>
    %swap3A_141 = arith.constant 112 : index
    %swap3A_142 = tpu.vector_load %arg8[%swap3A_141] {strides = array<i32>} : memref<128xi32, #tpu.memory_space<vmem>>, vector<16xi32>,
    %swap3A_143 = vector.shape_cast %swap3A_142 : vector<16xi32> to vector<16xi32>
    %swap3A_144 = vector.shape_cast %add3A_140 : vector<16xi32> to vector<16xi32>
    tpu.vector_store %arg8[%swap3A_141], %swap3A_144 {strides = array<i32>} : memref<128xi32, #tpu.memory_space<vmem>>, vector<16xi32>,
    %gt3A = arith.constant 0 : i32
    %gt3A_145 = arith.cmpi sgt, %add3A, %gt3A : i32
    %sub3A = arith.constant 1 : i32
    %sub3A_146 = arith.subi %mul3A_2, %sub3A : i32
    %max3A = arith.constant 0 : i32
    %max3A_147 = arith.maxsi %sub3A_146, %max3A : i32
    %get3A = arith.index_cast %max3A_147 : i32 to index
    %get3A_148 = tpu.vector_load %arg5[%get3A] {strides = array<i32>} : memref<4368xi32, #tpu.memory_space<vmem>>, vector<16xi32>,
    %get3A_149 = vector.shape_cast %get3A_148 : vector<16xi32> to vector<16xi32>
    %slice3A = vector.extract_strided_slice %get3A_149 {offsets = [0], sizes = [1], strides = [1]} : vector<16xi32> to vector<1xi32>
    %squeeze3A = vector.extract %slice3A[0] : i32 from vector<1xi32>
    %jit3A = arith.constant -2 : i32
    %select_n3A = arith.select %gt3A_145, %squeeze3A, %jit3A : i32
    %scan3A = arith.constant 0 : i32
    %scan3A_150 = arith.constant 128 : i32
    %scan3A_151 = arith.addi %scan3A, %scan3A_150 : i32
    %scan3A_152 = arith.constant 8 : i32
    %scan3A_153 = scf.for %scan3A_217 = %scan3A to %scan3A_151 step %scan3A_152 iter_args(%scan3A_218 = %mul3A_2) -> (i32)  : i32 {
      %add3A_219 = arith.addi %mul3A_2, %scan3A_217 : i32
      %eq3A = arith.cmpi eq, %scan3A_218, %add3A_219 : i32
      %get3A_220 = arith.index_cast %add3A_219 : i32 to index
      %get3A_221 = tpu.vector_load %arg5[%get3A_220] {strides = array<i32>} : memref<4368xi32, #tpu.memory_space<vmem>>, vector<16xi32>,
      %get3A_222 = vector.shape_cast %get3A_221 : vector<16xi32> to vector<16xi32>
      %slice3A_223 = vector.extract_strided_slice %get3A_222 {offsets = [0], sizes = [1], strides = [1]} : vector<16xi32> to vector<1xi32>
      %squeeze3A_224 = vector.extract %slice3A_223[0] : i32 from vector<1xi32>
      %eq3A_225 = arith.cmpi eq, %squeeze3A_224, %select_n3A : i32
      %and3A = arith.andi %eq3A, %eq3A_225 : i1
      %add3A_226 = arith.constant 1 : i32
      %add3A_227 = arith.addi %add3A_219, %add3A_226 : i32
      %select_n3A_228 = arith.select %and3A, %add3A_227, %scan3A_218 : i32
      %scan3A_229 = arith.constant 1 : i32
      %scan3A_230 = arith.addi %scan3A_217, %scan3A_229 : i32
      %add3A_231 = arith.addi %mul3A_2, %scan3A_230 : i32
      %eq3A_232 = arith.cmpi eq, %select_n3A_228, %add3A_231 : i32
      %get3A_233 = arith.index_cast %add3A_231 : i32 to index
      %get3A_234 = tpu.vector_load %arg5[%get3A_233] {strides = array<i32>} : memref<4368xi32, #tpu.memory_space<vmem>>, vector<16xi32>,
      %get3A_235 = vector.shape_cast %get3A_234 : vector<16xi32> to vector<16xi32>
      %slice3A_236 = vector.extract_strided_slice %get3A_235 {offsets = [0], sizes = [1], strides = [1]} : vector<16xi32> to vector<1xi32>
      %squeeze3A_237 = vector.extract %slice3A_236[0] : i32 from vector<1xi32>
      %eq3A_238 = arith.cmpi eq, %squeeze3A_237, %select_n3A : i32
      %and3A_239 = arith.andi %eq3A_232, %eq3A_238 : i1
      %add3A_240 = arith.constant 1 : i32
      %add3A_241 = arith.addi %add3A_231, %add3A_240 : i32
      %select_n3A_242 = arith.select %and3A_239, %add3A_241, %select_n3A_228 : i32
      %scan3A_243 = arith.constant 2 : i32
      %scan3A_244 = arith.addi %scan3A_217, %scan3A_243 : i32
      %add3A_245 = arith.addi %mul3A_2, %scan3A_244 : i32
      %eq3A_246 = arith.cmpi eq, %select_n3A_242, %add3A_245 : i32
      %get3A_247 = arith.index_cast %add3A_245 : i32 to index
      %get3A_248 = tpu.vector_load %arg5[%get3A_247] {strides = array<i32>} : memref<4368xi32, #tpu.memory_space<vmem>>, vector<16xi32>,
      %get3A_249 = vector.shape_cast %get3A_248 : vector<16xi32> to vector<16xi32>
      %slice3A_250 = vector.extract_strided_slice %get3A_249 {offsets = [0], sizes = [1], strides = [1]} : vector<16xi32> to vector<1xi32>
      %squeeze3A_251 = vector.extract %slice3A_250[0] : i32 from vector<1xi32>
      %eq3A_252 = arith.cmpi eq, %squeeze3A_251, %select_n3A : i32
      %and3A_253 = arith.andi %eq3A_246, %eq3A_252 : i1
      %add3A_254 = arith.constant 1 : i32
      %add3A_255 = arith.addi %add3A_245, %add3A_254 : i32
      %select_n3A_256 = arith.select %and3A_253, %add3A_255, %select_n3A_242 : i32
      %scan3A_257 = arith.constant 3 : i32
      %scan3A_258 = arith.addi %scan3A_217, %scan3A_257 : i32
      %add3A_259 = arith.addi %mul3A_2, %scan3A_258 : i32
      %eq3A_260 = arith.cmpi eq, %select_n3A_256, %add3A_259 : i32
      %get3A_261 = arith.index_cast %add3A_259 : i32 to index
      %get3A_262 = tpu.vector_load %arg5[%get3A_261] {strides = array<i32>} : memref<4368xi32, #tpu.memory_space<vmem>>, vector<16xi32>,
      %get3A_263 = vector.shape_cast %get3A_262 : vector<16xi32> to vector<16xi32>
      %slice3A_264 = vector.extract_strided_slice %get3A_263 {offsets = [0], sizes = [1], strides = [1]} : vector<16xi32> to vector<1xi32>
      %squeeze3A_265 = vector.extract %slice3A_264[0] : i32 from vector<1xi32>
      %eq3A_266 = arith.cmpi eq, %squeeze3A_265, %select_n3A : i32
      %and3A_267 = arith.andi %eq3A_260, %eq3A_266 : i1
      %add3A_268 = arith.constant 1 : i32
      %add3A_269 = arith.addi %add3A_259, %add3A_268 : i32
      %select_n3A_270 = arith.select %and3A_267, %add3A_269, %select_n3A_256 : i32
      %scan3A_271 = arith.constant 4 : i32
      %scan3A_272 = arith.addi %scan3A_217, %scan3A_271 : i32
      %add3A_273 = arith.addi %mul3A_2, %scan3A_272 : i32
      %eq3A_274 = arith.cmpi eq, %select_n3A_270, %add3A_273 : i32
      %get3A_275 = arith.index_cast %add3A_273 : i32 to index
      %get3A_276 = tpu.vector_load %arg5[%get3A_275] {strides = array<i32>} : memref<4368xi32, #tpu.memory_space<vmem>>, vector<16xi32>,
      %get3A_277 = vector.shape_cast %get3A_276 : vector<16xi32> to vector<16xi32>
      %slice3A_278 = vector.extract_strided_slice %get3A_277 {offsets = [0], sizes = [1], strides = [1]} : vector<16xi32> to vector<1xi32>
      %squeeze3A_279 = vector.extract %slice3A_278[0] : i32 from vector<1xi32>
      %eq3A_280 = arith.cmpi eq, %squeeze3A_279, %select_n3A : i32
      %and3A_281 = arith.andi %eq3A_274, %eq3A_280 : i1
      %add3A_282 = arith.constant 1 : i32
      %add3A_283 = arith.addi %add3A_273, %add3A_282 : i32
      %select_n3A_284 = arith.select %and3A_281, %add3A_283, %select_n3A_270 : i32
      %scan3A_285 = arith.constant 5 : i32
      %scan3A_286 = arith.addi %scan3A_217, %scan3A_285 : i32
      %add3A_287 = arith.addi %mul3A_2, %scan3A_286 : i32
      %eq3A_288 = arith.cmpi eq, %select_n3A_284, %add3A_287 : i32
      %get3A_289 = arith.index_cast %add3A_287 : i32 to index
      %get3A_290 = tpu.vector_load %arg5[%get3A_289] {strides = array<i32>} : memref<4368xi32, #tpu.memory_space<vmem>>, vector<16xi32>,
      %get3A_291 = vector.shape_cast %get3A_290 : vector<16xi32> to vector<16xi32>
      %slice3A_292 = vector.extract_strided_slice %get3A_291 {offsets = [0], sizes = [1], strides = [1]} : vector<16xi32> to vector<1xi32>
      %squeeze3A_293 = vector.extract %slice3A_292[0] : i32 from vector<1xi32>
      %eq3A_294 = arith.cmpi eq, %squeeze3A_293, %select_n3A : i32
      %and3A_295 = arith.andi %eq3A_288, %eq3A_294 : i1
      %add3A_296 = arith.constant 1 : i32
      %add3A_297 = arith.addi %add3A_287, %add3A_296 : i32
      %select_n3A_298 = arith.select %and3A_295, %add3A_297, %select_n3A_284 : i32
      %scan3A_299 = arith.constant 6 : i32
      %scan3A_300 = arith.addi %scan3A_217, %scan3A_299 : i32
      %add3A_301 = arith.addi %mul3A_2, %scan3A_300 : i32
      %eq3A_302 = arith.cmpi eq, %select_n3A_298, %add3A_301 : i32
      %get3A_303 = arith.index_cast %add3A_301 : i32 to index
      %get3A_304 = tpu.vector_load %arg5[%get3A_303] {strides = array<i32>} : memref<4368xi32, #tpu.memory_space<vmem>>, vector<16xi32>,
      %get3A_305 = vector.shape_cast %get3A_304 : vector<16xi32> to vector<16xi32>
      %slice3A_306 = vector.extract_strided_slice %get3A_305 {offsets = [0], sizes = [1], strides = [1]} : vector<16xi32> to vector<1xi32>
      %squeeze3A_307 = vector.extract %slice3A_306[0] : i32 from vector<1xi32>
      %eq3A_308 = arith.cmpi eq, %squeeze3A_307, %select_n3A : i32
      %and3A_309 = arith.andi %eq3A_302, %eq3A_308 : i1
      %add3A_310 = arith.constant 1 : i32
      %add3A_311 = arith.addi %add3A_301, %add3A_310 : i32
      %select_n3A_312 = arith.select %and3A_309, %add3A_311, %select_n3A_298 : i32
      %scan3A_313 = arith.constant 7 : i32
      %scan3A_314 = arith.addi %scan3A_217, %scan3A_313 : i32
      %add3A_315 = arith.addi %mul3A_2, %scan3A_314 : i32
      %eq3A_316 = arith.cmpi eq, %select_n3A_312, %add3A_315 : i32
      %get3A_317 = arith.index_cast %add3A_315 : i32 to index
      %get3A_318 = tpu.vector_load %arg5[%get3A_317] {strides = array<i32>} : memref<4368xi32, #tpu.memory_space<vmem>>, vector<16xi32>,
      %get3A_319 = vector.shape_cast %get3A_318 : vector<16xi32> to vector<16xi32>
      %slice3A_320 = vector.extract_strided_slice %get3A_319 {offsets = [0], sizes = [1], strides = [1]} : vector<16xi32> to vector<1xi32>
      %squeeze3A_321 = vector.extract %slice3A_320[0] : i32 from vector<1xi32>
      %eq3A_322 = arith.cmpi eq, %squeeze3A_321, %select_n3A : i32
      %and3A_323 = arith.andi %eq3A_316, %eq3A_322 : i1
      %add3A_324 = arith.constant 1 : i32
      %add3A_325 = arith.addi %add3A_315, %add3A_324 : i32
      %select_n3A_326 = arith.select %and3A_323, %add3A_325, %select_n3A_312 : i32
      scf.yield %select_n3A_326 : i32
    }
    %scan3A_154 = arith.constant 128 : i32
    %iota3A_155 = tpu.iota {dimensions = array<i32: 0>} : vector<16xi32>
    %broadcast_in_dim3A_156 = arith.constant 0 : i32
    %broadcast_in_dim3A_157 = vector.broadcast %broadcast_in_dim3A_156 : i32 to vector<16xi32>
    %swap3A_158 = arith.constant 0 : index
    %swap3A_159 = tpu.vector_load %arg10[%swap3A_158] {strides = array<i32>} : memref<144xi32, #tpu.memory_space<vmem>>, vector<16xi32>,
    %swap3A_160 = vector.shape_cast %swap3A_159 : vector<16xi32> to vector<16xi32>
    %swap3A_161 = vector.shape_cast %broadcast_in_dim3A_157 : vector<16xi32> to vector<16xi32>
    tpu.vector_store %arg10[%swap3A_158], %swap3A_161 {strides = array<i32>} : memref<144xi32, #tpu.memory_space<vmem>>, vector<16xi32>,
    %swap3A_162 = arith.constant 16 : index
    %swap3A_163 = tpu.vector_load %arg10[%swap3A_162] {strides = array<i32>} : memref<144xi32, #tpu.memory_space<vmem>>, vector<16xi32>,
    %swap3A_164 = vector.shape_cast %swap3A_163 : vector<16xi32> to vector<16xi32>
    %swap3A_165 = vector.shape_cast %broadcast_in_dim3A_157 : vector<16xi32> to vector<16xi32>
    tpu.vector_store %arg10[%swap3A_162], %swap3A_165 {strides = array<i32>} : memref<144xi32, #tpu.memory_space<vmem>>, vector<16xi32>,
    %swap3A_166 = arith.constant 32 : index
    %swap3A_167 = tpu.vector_load %arg10[%swap3A_166] {strides = array<i32>} : memref<144xi32, #tpu.memory_space<vmem>>, vector<16xi32>,
    %swap3A_168 = vector.shape_cast %swap3A_167 : vector<16xi32> to vector<16xi32>
    %swap3A_169 = vector.shape_cast %broadcast_in_dim3A_157 : vector<16xi32> to vector<16xi32>
    tpu.vector_store %arg10[%swap3A_166], %swap3A_169 {strides = array<i32>} : memref<144xi32, #tpu.memory_space<vmem>>, vector<16xi32>,
    %swap3A_170 = arith.constant 48 : index
    %swap3A_171 = tpu.vector_load %arg10[%swap3A_170] {strides = array<i32>} : memref<144xi32, #tpu.memory_space<vmem>>, vector<16xi32>,
    %swap3A_172 = vector.shape_cast %swap3A_171 : vector<16xi32> to vector<16xi32>
    %swap3A_173 = vector.shape_cast %broadcast_in_dim3A_157 : vector<16xi32> to vector<16xi32>
    tpu.vector_store %arg10[%swap3A_170], %swap3A_173 {strides = array<i32>} : memref<144xi32, #tpu.memory_space<vmem>>, vector<16xi32>,
    %swap3A_174 = arith.constant 64 : index
    %swap3A_175 = tpu.vector_load %arg10[%swap3A_174] {strides = array<i32>} : memref<144xi32, #tpu.memory_space<vmem>>, vector<16xi32>,
    %swap3A_176 = vector.shape_cast %swap3A_175 : vector<16xi32> to vector<16xi32>
    %swap3A_177 = vector.shape_cast %broadcast_in_dim3A_157 : vector<16xi32> to vector<16xi32>
    tpu.vector_store %arg10[%swap3A_174], %swap3A_177 {strides = array<i32>} : memref<144xi32, #tpu.memory_space<vmem>>, vector<16xi32>,
    %swap3A_178 = arith.constant 80 : index
    %swap3A_179 = tpu.vector_load %arg10[%swap3A_178] {strides = array<i32>} : memref<144xi32, #tpu.memory_space<vmem>>, vector<16xi32>,
    %swap3A_180 = vector.shape_cast %swap3A_179 : vector<16xi32> to vector<16xi32>
    %swap3A_181 = vector.shape_cast %broadcast_in_dim3A_157 : vector<16xi32> to vector<16xi32>
    tpu.vector_store %arg10[%swap3A_178], %swap3A_181 {strides = array<i32>} : memref<144xi32, #tpu.memory_space<vmem>>, vector<16xi32>,
    %swap3A_182 = arith.constant 96 : index
    %swap3A_183 = tpu.vector_load %arg10[%swap3A_182] {strides = array<i32>} : memref<144xi32, #tpu.memory_space<vmem>>, vector<16xi32>,
    %swap3A_184 = vector.shape_cast %swap3A_183 : vector<16xi32> to vector<16xi32>
    %swap3A_185 = vector.shape_cast %broadcast_in_dim3A_157 : vector<16xi32> to vector<16xi32>
    tpu.vector_store %arg10[%swap3A_182], %swap3A_185 {strides = array<i32>} : memref<144xi32, #tpu.memory_space<vmem>>, vector<16xi32>,
    %swap3A_186 = arith.constant 112 : index
    %swap3A_187 = tpu.vector_load %arg10[%swap3A_186] {strides = array<i32>} : memref<144xi32, #tpu.memory_space<vmem>>, vector<16xi32>,
    %swap3A_188 = vector.shape_cast %swap3A_187 : vector<16xi32> to vector<16xi32>
    %swap3A_189 = vector.shape_cast %broadcast_in_dim3A_157 : vector<16xi32> to vector<16xi32>
    tpu.vector_store %arg10[%swap3A_186], %swap3A_189 {strides = array<i32>} : memref<144xi32, #tpu.memory_space<vmem>>, vector<16xi32>,
    %swap3A_190 = arith.constant 128 : index
    %swap3A_191 = tpu.vector_load %arg10[%swap3A_190] {strides = array<i32>} : memref<144xi32, #tpu.memory_space<vmem>>, vector<16xi32>,
    %swap3A_192 = vector.shape_cast %swap3A_191 : vector<16xi32> to vector<16xi32>
    %swap3A_193 = vector.shape_cast %broadcast_in_dim3A_157 : vector<16xi32> to vector<16xi32>
    tpu.vector_store %arg10[%swap3A_190], %swap3A_193 {strides = array<i32>} : memref<144xi32, #tpu.memory_space<vmem>>, vector<16xi32>,
    %get3A_194 = arith.index_cast %mul3A_2 : i32 to index
    %get3A_195 = tpu.vector_load %arg5[%get3A_194] {strides = array<i32>} : memref<4368xi32, #tpu.memory_space<vmem>>, vector<16xi32>,
    %get3A_196 = vector.shape_cast %get3A_195 : vector<16xi32> to vector<16xi32>
    %slice3A_197 = vector.extract_strided_slice %get3A_196 {offsets = [0], sizes = [1], strides = [1]} : vector<16xi32> to vector<1xi32>
    %squeeze3A_198 = vector.extract %slice3A_197[0] : i32 from vector<1xi32>
    %scan3A_199 = arith.constant 0 : i32
    %scan3A_200 = arith.constant 0 : i32
    %scan3A_201 = arith.constant 256 : i32
    %scan3A_202 = arith.addi %scan3A_200, %scan3A_201 : i32
    %scan3A_203 = arith.constant 4 : i32
    %scan3A_204:3 = scf.for %scan3A_217 = %scan3A_200 to %scan3A_202 step %scan3A_203 iter_args(%scan3A_218 = %mul3A_2, %scan3A_219 = %scan3A_199, %scan3A_220 = %squeeze3A_198) -> (i32, i32, i32)  : i32 {
      %add3A_221 = arith.addi %mul3A_2, %scan3A_217 : i32
      %add3A_222 = arith.constant 1 : i32
      %add3A_223 = arith.addi %add3A_221, %add3A_222 : i32
      %get3A_224 = arith.index_cast %add3A_223 : i32 to index
      %get3A_225 = tpu.vector_load %arg5[%get3A_224] {strides = array<i32>} : memref<4368xi32, #tpu.memory_space<vmem>>, vector<16xi32>,
      %get3A_226 = vector.shape_cast %get3A_225 : vector<16xi32> to vector<16xi32>
      %slice3A_227 = vector.extract_strided_slice %get3A_226 {offsets = [0], sizes = [1], strides = [1]} : vector<16xi32> to vector<1xi32>
      %squeeze3A_228 = vector.extract %slice3A_227[0] : i32 from vector<1xi32>
      %ge3A = arith.cmpi sge, %add3A_221, %scan3A_153 : i32
      %lt3A = arith.cmpi slt, %add3A_221, %add3A_4 : i32
      %and3A = arith.andi %ge3A, %lt3A : i1
      %gt3A_229 = arith.constant 0 : i32
      %gt3A_230 = arith.cmpi sgt, %scan3A_219, %gt3A_229 : i32
      %or3A = arith.ori %and3A, %gt3A_230 : i1
      %eq3A = arith.constant 0 : i32
      %eq3A_231 = arith.cmpi eq, %scan3A_219, %eq3A : i32
      %and3A_232 = arith.andi %or3A, %eq3A_231 : i1
      %select_n3A_233 = arith.select %and3A_232, %add3A_221, %scan3A_218 : i32
      %convert_element_type3A_234 = arith.extui %or3A : i1 to i32
      %add3A_235 = arith.addi %scan3A_219, %convert_element_type3A_234 : i32
      %gt3A_236 = arith.constant 0 : i32
      %gt3A_237 = arith.cmpi sgt, %add3A_235, %gt3A_236 : i32
      %ne3A = arith.cmpi ne, %squeeze3A_228, %scan3A_220 : i32
      %and3A_238 = arith.andi %gt3A_237, %ne3A : i1
      %convert_element_type3A_239 = arith.extui %and3A_238 : i1 to i32
      %cond3A_240 = arith.constant 0 : i32
      %cond3A_241 = arith.cmpi ne, %convert_element_type3A_239, %cond3A_240 : i32
      scf.if %cond3A_241 {
        %sub3A_337 = arith.subi %select_n3A_233, %mul3A_2 : i32
        %add3A_338 = arith.constant 1 : i32
        %add3A_339 = arith.addi %add3A_221, %add3A_338 : i32
        %sub3A_340 = arith.constant 128 : i32
        %sub3A_341 = arith.subi %add3A_339, %sub3A_340 : i32
        %max3A_342 = arith.maxsi %select_n3A_233, %sub3A_341 : i32
        %shift_right_arithmetic3A = arith.constant 4 : i32
        %shift_right_arithmetic3A_343 = arith.shrsi %sub3A_337, %shift_right_arithmetic3A : i32
        %mul3A_344 = arith.constant 16 : i32
        %mul3A_345 = arith.muli %shift_right_arithmetic3A_343, %mul3A_344 : i32
        %and3A_346 = arith.constant 15 : i32
        %and3A_347 = arith.andi %sub3A_337, %and3A_346 : i32
        %get3A_348 = arith.index_cast %mul3A_345 : i32 to index
        %get3A_349 = tpu.vector_load %arg9[%get3A_348] {strides = array<i32>} : memref<144xi32, #tpu.memory_space<vmem>>, vector<16xi32>,
        %get3A_350 = vector.shape_cast %get3A_349 : vector<16xi32> to vector<16xi32>
        %eq3A_351 = vector.broadcast %and3A_347 : i32 to vector<16xi32>
        %eq3A_352 = arith.cmpi eq, %iota3A_155, %eq3A_351 : vector<16xi32>
        %broadcast_in_dim3A_353 = vector.broadcast %max3A_342 : i32 to vector<16xi32>
        %select_n3A_354 = arith.select %eq3A_352, %broadcast_in_dim3A_353, %get3A_350 : vector<16xi1>, vector<16xi32>
        %swap3A_355 = arith.index_cast %mul3A_345 : i32 to index
        %swap3A_356 = tpu.vector_load %arg9[%swap3A_355] {strides = array<i32>} : memref<144xi32, #tpu.memory_space<vmem>>, vector<16xi32>,
        %swap3A_357 = vector.shape_cast %swap3A_356 : vector<16xi32> to vector<16xi32>
        %swap3A_358 = vector.shape_cast %select_n3A_354 : vector<16xi32> to vector<16xi32>
        tpu.vector_store %arg9[%swap3A_355], %swap3A_358 {strides = array<i32>} : memref<144xi32, #tpu.memory_space<vmem>>, vector<16xi32>,
        %shift_right_arithmetic3A_359 = arith.constant 4 : i32
        %shift_right_arithmetic3A_360 = arith.shrsi %sub3A_337, %shift_right_arithmetic3A_359 : i32
        %mul3A_361 = arith.constant 16 : i32
        %mul3A_362 = arith.muli %shift_right_arithmetic3A_360, %mul3A_361 : i32
        %and3A_363 = arith.constant 15 : i32
        %and3A_364 = arith.andi %sub3A_337, %and3A_363 : i32
        %get3A_365 = arith.index_cast %mul3A_362 : i32 to index
        %get3A_366 = tpu.vector_load %arg10[%get3A_365] {strides = array<i32>} : memref<144xi32, #tpu.memory_space<vmem>>, vector<16xi32>,
        %get3A_367 = vector.shape_cast %get3A_366 : vector<16xi32> to vector<16xi32>
        %eq3A_368 = vector.broadcast %and3A_364 : i32 to vector<16xi32>
        %eq3A_369 = arith.cmpi eq, %iota3A_155, %eq3A_368 : vector<16xi32>
        %broadcast_in_dim3A_370 = vector.broadcast %add3A_235 : i32 to vector<16xi32>
        %select_n3A_371 = arith.select %eq3A_369, %broadcast_in_dim3A_370, %get3A_367 : vector<16xi1>, vector<16xi32>
        %swap3A_372 = arith.index_cast %mul3A_362 : i32 to index
        %swap3A_373 = tpu.vector_load %arg10[%swap3A_372] {strides = array<i32>} : memref<144xi32, #tpu.memory_space<vmem>>, vector<16xi32>,
        %swap3A_374 = vector.shape_cast %swap3A_373 : vector<16xi32> to vector<16xi32>
        %swap3A_375 = vector.shape_cast %select_n3A_371 : vector<16xi32> to vector<16xi32>
        tpu.vector_store %arg10[%swap3A_372], %swap3A_375 {strides = array<i32>} : memref<144xi32, #tpu.memory_space<vmem>>, vector<16xi32>,
        %shift_right_arithmetic3A_376 = arith.constant 4 : i32
        %shift_right_arithmetic3A_377 = arith.shrsi %sub3A_337, %shift_right_arithmetic3A_376 : i32
        %mul3A_378 = arith.constant 16 : i32
        %mul3A_379 = arith.muli %shift_right_arithmetic3A_377, %mul3A_378 : i32
        %and3A_380 = arith.constant 15 : i32
        %and3A_381 = arith.andi %sub3A_337, %and3A_380 : i32
        %get3A_382 = arith.index_cast %mul3A_379 : i32 to index
        %get3A_383 = tpu.vector_load %arg8[%get3A_382] {strides = array<i32>} : memref<128xi32, #tpu.memory_space<vmem>>, vector<16xi32>,
        %get3A_384 = vector.shape_cast %get3A_383 : vector<16xi32> to vector<16xi32>
        %eq3A_385 = vector.broadcast %and3A_381 : i32 to vector<16xi32>
        %eq3A_386 = arith.cmpi eq, %iota3A_155, %eq3A_385 : vector<16xi32>
        %broadcast_in_dim3A_387 = vector.broadcast %scan3A_220 : i32 to vector<16xi32>
        %select_n3A_388 = arith.select %eq3A_386, %broadcast_in_dim3A_387, %get3A_384 : vector<16xi1>, vector<16xi32>
        %swap3A_389 = arith.index_cast %mul3A_379 : i32 to index
        %swap3A_390 = tpu.vector_load %arg8[%swap3A_389] {strides = array<i32>} : memref<128xi32, #tpu.memory_space<vmem>>, vector<16xi32>,
        %swap3A_391 = vector.shape_cast %swap3A_390 : vector<16xi32> to vector<16xi32>
        %swap3A_392 = vector.shape_cast %select_n3A_388 : vector<16xi32> to vector<16xi32>
        tpu.vector_store %arg8[%swap3A_389], %swap3A_392 {strides = array<i32>} : memref<128xi32, #tpu.memory_space<vmem>>, vector<16xi32>,
      } else {
      }
      %jit3A_242 = arith.constant 0 : i32
      %select_n3A_243 = arith.select %and3A_238, %jit3A_242, %add3A_235 : i32
      %scan3A_244 = arith.constant 1 : i32
      %scan3A_245 = arith.addi %scan3A_217, %scan3A_244 : i32
      %add3A_246 = arith.addi %mul3A_2, %scan3A_245 : i32
      %add3A_247 = arith.constant 1 : i32
      %add3A_248 = arith.addi %add3A_246, %add3A_247 : i32
      %get3A_249 = arith.index_cast %add3A_248 : i32 to index
      %get3A_250 = tpu.vector_load %arg5[%get3A_249] {strides = array<i32>} : memref<4368xi32, #tpu.memory_space<vmem>>, vector<16xi32>,
      %get3A_251 = vector.shape_cast %get3A_250 : vector<16xi32> to vector<16xi32>
      %slice3A_252 = vector.extract_strided_slice %get3A_251 {offsets = [0], sizes = [1], strides = [1]} : vector<16xi32> to vector<1xi32>
      %squeeze3A_253 = vector.extract %slice3A_252[0] : i32 from vector<1xi32>
      %ge3A_254 = arith.cmpi sge, %add3A_246, %scan3A_153 : i32
      %lt3A_255 = arith.cmpi slt, %add3A_246, %add3A_4 : i32
      %and3A_256 = arith.andi %ge3A_254, %lt3A_255 : i1
      %gt3A_257 = arith.constant 0 : i32
      %gt3A_258 = arith.cmpi sgt, %select_n3A_243, %gt3A_257 : i32
      %or3A_259 = arith.ori %and3A_256, %gt3A_258 : i1
      %eq3A_260 = arith.constant 0 : i32
      %eq3A_261 = arith.cmpi eq, %select_n3A_243, %eq3A_260 : i32
      %and3A_262 = arith.andi %or3A_259, %eq3A_261 : i1
      %select_n3A_263 = arith.select %and3A_262, %add3A_246, %select_n3A_233 : i32
      %convert_element_type3A_264 = arith.extui %or3A_259 : i1 to i32
      %add3A_265 = arith.addi %select_n3A_243, %convert_element_type3A_264 : i32
      %gt3A_266 = arith.constant 0 : i32
      %gt3A_267 = arith.cmpi sgt, %add3A_265, %gt3A_266 : i32
      %ne3A_268 = arith.cmpi ne, %squeeze3A_253, %squeeze3A_228 : i32
      %and3A_269 = arith.andi %gt3A_267, %ne3A_268 : i1
      %convert_element_type3A_270 = arith.extui %and3A_269 : i1 to i32
      %cond3A_271 = arith.constant 0 : i32
      %cond3A_272 = arith.cmpi ne, %convert_element_type3A_270, %cond3A_271 : i32
      scf.if %cond3A_272 {
        %sub3A_337 = arith.subi %select_n3A_263, %mul3A_2 : i32
        %add3A_338 = arith.constant 1 : i32
        %add3A_339 = arith.addi %add3A_246, %add3A_338 : i32
        %sub3A_340 = arith.constant 128 : i32
        %sub3A_341 = arith.subi %add3A_339, %sub3A_340 : i32
        %max3A_342 = arith.maxsi %select_n3A_263, %sub3A_341 : i32
        %shift_right_arithmetic3A = arith.constant 4 : i32
        %shift_right_arithmetic3A_343 = arith.shrsi %sub3A_337, %shift_right_arithmetic3A : i32
        %mul3A_344 = arith.constant 16 : i32
        %mul3A_345 = arith.muli %shift_right_arithmetic3A_343, %mul3A_344 : i32
        %and3A_346 = arith.constant 15 : i32
        %and3A_347 = arith.andi %sub3A_337, %and3A_346 : i32
        %get3A_348 = arith.index_cast %mul3A_345 : i32 to index
        %get3A_349 = tpu.vector_load %arg9[%get3A_348] {strides = array<i32>} : memref<144xi32, #tpu.memory_space<vmem>>, vector<16xi32>,
        %get3A_350 = vector.shape_cast %get3A_349 : vector<16xi32> to vector<16xi32>
        %eq3A_351 = vector.broadcast %and3A_347 : i32 to vector<16xi32>
        %eq3A_352 = arith.cmpi eq, %iota3A_155, %eq3A_351 : vector<16xi32>
        %broadcast_in_dim3A_353 = vector.broadcast %max3A_342 : i32 to vector<16xi32>
        %select_n3A_354 = arith.select %eq3A_352, %broadcast_in_dim3A_353, %get3A_350 : vector<16xi1>, vector<16xi32>
        %swap3A_355 = arith.index_cast %mul3A_345 : i32 to index
        %swap3A_356 = tpu.vector_load %arg9[%swap3A_355] {strides = array<i32>} : memref<144xi32, #tpu.memory_space<vmem>>, vector<16xi32>,
        %swap3A_357 = vector.shape_cast %swap3A_356 : vector<16xi32> to vector<16xi32>
        %swap3A_358 = vector.shape_cast %select_n3A_354 : vector<16xi32> to vector<16xi32>
        tpu.vector_store %arg9[%swap3A_355], %swap3A_358 {strides = array<i32>} : memref<144xi32, #tpu.memory_space<vmem>>, vector<16xi32>,
        %shift_right_arithmetic3A_359 = arith.constant 4 : i32
        %shift_right_arithmetic3A_360 = arith.shrsi %sub3A_337, %shift_right_arithmetic3A_359 : i32
        %mul3A_361 = arith.constant 16 : i32
        %mul3A_362 = arith.muli %shift_right_arithmetic3A_360, %mul3A_361 : i32
        %and3A_363 = arith.constant 15 : i32
        %and3A_364 = arith.andi %sub3A_337, %and3A_363 : i32
        %get3A_365 = arith.index_cast %mul3A_362 : i32 to index
        %get3A_366 = tpu.vector_load %arg10[%get3A_365] {strides = array<i32>} : memref<144xi32, #tpu.memory_space<vmem>>, vector<16xi32>,
        %get3A_367 = vector.shape_cast %get3A_366 : vector<16xi32> to vector<16xi32>
        %eq3A_368 = vector.broadcast %and3A_364 : i32 to vector<16xi32>
        %eq3A_369 = arith.cmpi eq, %iota3A_155, %eq3A_368 : vector<16xi32>
        %broadcast_in_dim3A_370 = vector.broadcast %add3A_265 : i32 to vector<16xi32>
        %select_n3A_371 = arith.select %eq3A_369, %broadcast_in_dim3A_370, %get3A_367 : vector<16xi1>, vector<16xi32>
        %swap3A_372 = arith.index_cast %mul3A_362 : i32 to index
        %swap3A_373 = tpu.vector_load %arg10[%swap3A_372] {strides = array<i32>} : memref<144xi32, #tpu.memory_space<vmem>>, vector<16xi32>,
        %swap3A_374 = vector.shape_cast %swap3A_373 : vector<16xi32> to vector<16xi32>
        %swap3A_375 = vector.shape_cast %select_n3A_371 : vector<16xi32> to vector<16xi32>
        tpu.vector_store %arg10[%swap3A_372], %swap3A_375 {strides = array<i32>} : memref<144xi32, #tpu.memory_space<vmem>>, vector<16xi32>,
        %shift_right_arithmetic3A_376 = arith.constant 4 : i32
        %shift_right_arithmetic3A_377 = arith.shrsi %sub3A_337, %shift_right_arithmetic3A_376 : i32
        %mul3A_378 = arith.constant 16 : i32
        %mul3A_379 = arith.muli %shift_right_arithmetic3A_377, %mul3A_378 : i32
        %and3A_380 = arith.constant 15 : i32
        %and3A_381 = arith.andi %sub3A_337, %and3A_380 : i32
        %get3A_382 = arith.index_cast %mul3A_379 : i32 to index
        %get3A_383 = tpu.vector_load %arg8[%get3A_382] {strides = array<i32>} : memref<128xi32, #tpu.memory_space<vmem>>, vector<16xi32>,
        %get3A_384 = vector.shape_cast %get3A_383 : vector<16xi32> to vector<16xi32>
        %eq3A_385 = vector.broadcast %and3A_381 : i32 to vector<16xi32>
        %eq3A_386 = arith.cmpi eq, %iota3A_155, %eq3A_385 : vector<16xi32>
        %broadcast_in_dim3A_387 = vector.broadcast %squeeze3A_228 : i32 to vector<16xi32>
        %select_n3A_388 = arith.select %eq3A_386, %broadcast_in_dim3A_387, %get3A_384 : vector<16xi1>, vector<16xi32>
        %swap3A_389 = arith.index_cast %mul3A_379 : i32 to index
        %swap3A_390 = tpu.vector_load %arg8[%swap3A_389] {strides = array<i32>} : memref<128xi32, #tpu.memory_space<vmem>>, vector<16xi32>,
        %swap3A_391 = vector.shape_cast %swap3A_390 : vector<16xi32> to vector<16xi32>
        %swap3A_392 = vector.shape_cast %select_n3A_388 : vector<16xi32> to vector<16xi32>
        tpu.vector_store %arg8[%swap3A_389], %swap3A_392 {strides = array<i32>} : memref<128xi32, #tpu.memory_space<vmem>>, vector<16xi32>,
      } else {
      }
      %jit3A_273 = arith.constant 0 : i32
      %select_n3A_274 = arith.select %and3A_269, %jit3A_273, %add3A_265 : i32
      %scan3A_275 = arith.constant 2 : i32
      %scan3A_276 = arith.addi %scan3A_217, %scan3A_275 : i32
      %add3A_277 = arith.addi %mul3A_2, %scan3A_276 : i32
      %add3A_278 = arith.constant 1 : i32
      %add3A_279 = arith.addi %add3A_277, %add3A_278 : i32
      %get3A_280 = arith.index_cast %add3A_279 : i32 to index
      %get3A_281 = tpu.vector_load %arg5[%get3A_280] {strides = array<i32>} : memref<4368xi32, #tpu.memory_space<vmem>>, vector<16xi32>,
      %get3A_282 = vector.shape_cast %get3A_281 : vector<16xi32> to vector<16xi32>
      %slice3A_283 = vector.extract_strided_slice %get3A_282 {offsets = [0], sizes = [1], strides = [1]} : vector<16xi32> to vector<1xi32>
      %squeeze3A_284 = vector.extract %slice3A_283[0] : i32 from vector<1xi32>
      %ge3A_285 = arith.cmpi sge, %add3A_277, %scan3A_153 : i32
      %lt3A_286 = arith.cmpi slt, %add3A_277, %add3A_4 : i32
      %and3A_287 = arith.andi %ge3A_285, %lt3A_286 : i1
      %gt3A_288 = arith.constant 0 : i32
      %gt3A_289 = arith.cmpi sgt, %select_n3A_274, %gt3A_288 : i32
      %or3A_290 = arith.ori %and3A_287, %gt3A_289 : i1
      %eq3A_291 = arith.constant 0 : i32
      %eq3A_292 = arith.cmpi eq, %select_n3A_274, %eq3A_291 : i32
      %and3A_293 = arith.andi %or3A_290, %eq3A_292 : i1
      %select_n3A_294 = arith.select %and3A_293, %add3A_277, %select_n3A_263 : i32
      %convert_element_type3A_295 = arith.extui %or3A_290 : i1 to i32
      %add3A_296 = arith.addi %select_n3A_274, %convert_element_type3A_295 : i32
      %gt3A_297 = arith.constant 0 : i32
      %gt3A_298 = arith.cmpi sgt, %add3A_296, %gt3A_297 : i32
      %ne3A_299 = arith.cmpi ne, %squeeze3A_284, %squeeze3A_253 : i32
      %and3A_300 = arith.andi %gt3A_298, %ne3A_299 : i1
      %convert_element_type3A_301 = arith.extui %and3A_300 : i1 to i32
      %cond3A_302 = arith.constant 0 : i32
      %cond3A_303 = arith.cmpi ne, %convert_element_type3A_301, %cond3A_302 : i32
      scf.if %cond3A_303 {
        %sub3A_337 = arith.subi %select_n3A_294, %mul3A_2 : i32
        %add3A_338 = arith.constant 1 : i32
        %add3A_339 = arith.addi %add3A_277, %add3A_338 : i32
        %sub3A_340 = arith.constant 128 : i32
        %sub3A_341 = arith.subi %add3A_339, %sub3A_340 : i32
        %max3A_342 = arith.maxsi %select_n3A_294, %sub3A_341 : i32
        %shift_right_arithmetic3A = arith.constant 4 : i32
        %shift_right_arithmetic3A_343 = arith.shrsi %sub3A_337, %shift_right_arithmetic3A : i32
        %mul3A_344 = arith.constant 16 : i32
        %mul3A_345 = arith.muli %shift_right_arithmetic3A_343, %mul3A_344 : i32
        %and3A_346 = arith.constant 15 : i32
        %and3A_347 = arith.andi %sub3A_337, %and3A_346 : i32
        %get3A_348 = arith.index_cast %mul3A_345 : i32 to index
        %get3A_349 = tpu.vector_load %arg9[%get3A_348] {strides = array<i32>} : memref<144xi32, #tpu.memory_space<vmem>>, vector<16xi32>,
        %get3A_350 = vector.shape_cast %get3A_349 : vector<16xi32> to vector<16xi32>
        %eq3A_351 = vector.broadcast %and3A_347 : i32 to vector<16xi32>
        %eq3A_352 = arith.cmpi eq, %iota3A_155, %eq3A_351 : vector<16xi32>
        %broadcast_in_dim3A_353 = vector.broadcast %max3A_342 : i32 to vector<16xi32>
        %select_n3A_354 = arith.select %eq3A_352, %broadcast_in_dim3A_353, %get3A_350 : vector<16xi1>, vector<16xi32>
        %swap3A_355 = arith.index_cast %mul3A_345 : i32 to index
        %swap3A_356 = tpu.vector_load %arg9[%swap3A_355] {strides = array<i32>} : memref<144xi32, #tpu.memory_space<vmem>>, vector<16xi32>,
        %swap3A_357 = vector.shape_cast %swap3A_356 : vector<16xi32> to vector<16xi32>
        %swap3A_358 = vector.shape_cast %select_n3A_354 : vector<16xi32> to vector<16xi32>
        tpu.vector_store %arg9[%swap3A_355], %swap3A_358 {strides = array<i32>} : memref<144xi32, #tpu.memory_space<vmem>>, vector<16xi32>,
        %shift_right_arithmetic3A_359 = arith.constant 4 : i32
        %shift_right_arithmetic3A_360 = arith.shrsi %sub3A_337, %shift_right_arithmetic3A_359 : i32
        %mul3A_361 = arith.constant 16 : i32
        %mul3A_362 = arith.muli %shift_right_arithmetic3A_360, %mul3A_361 : i32
        %and3A_363 = arith.constant 15 : i32
        %and3A_364 = arith.andi %sub3A_337, %and3A_363 : i32
        %get3A_365 = arith.index_cast %mul3A_362 : i32 to index
        %get3A_366 = tpu.vector_load %arg10[%get3A_365] {strides = array<i32>} : memref<144xi32, #tpu.memory_space<vmem>>, vector<16xi32>,
        %get3A_367 = vector.shape_cast %get3A_366 : vector<16xi32> to vector<16xi32>
        %eq3A_368 = vector.broadcast %and3A_364 : i32 to vector<16xi32>
        %eq3A_369 = arith.cmpi eq, %iota3A_155, %eq3A_368 : vector<16xi32>
        %broadcast_in_dim3A_370 = vector.broadcast %add3A_296 : i32 to vector<16xi32>
        %select_n3A_371 = arith.select %eq3A_369, %broadcast_in_dim3A_370, %get3A_367 : vector<16xi1>, vector<16xi32>
        %swap3A_372 = arith.index_cast %mul3A_362 : i32 to index
        %swap3A_373 = tpu.vector_load %arg10[%swap3A_372] {strides = array<i32>} : memref<144xi32, #tpu.memory_space<vmem>>, vector<16xi32>,
        %swap3A_374 = vector.shape_cast %swap3A_373 : vector<16xi32> to vector<16xi32>
        %swap3A_375 = vector.shape_cast %select_n3A_371 : vector<16xi32> to vector<16xi32>
        tpu.vector_store %arg10[%swap3A_372], %swap3A_375 {strides = array<i32>} : memref<144xi32, #tpu.memory_space<vmem>>, vector<16xi32>,
        %shift_right_arithmetic3A_376 = arith.constant 4 : i32
        %shift_right_arithmetic3A_377 = arith.shrsi %sub3A_337, %shift_right_arithmetic3A_376 : i32
        %mul3A_378 = arith.constant 16 : i32
        %mul3A_379 = arith.muli %shift_right_arithmetic3A_377, %mul3A_378 : i32
        %and3A_380 = arith.constant 15 : i32
        %and3A_381 = arith.andi %sub3A_337, %and3A_380 : i32
        %get3A_382 = arith.index_cast %mul3A_379 : i32 to index
        %get3A_383 = tpu.vector_load %arg8[%get3A_382] {strides = array<i32>} : memref<128xi32, #tpu.memory_space<vmem>>, vector<16xi32>,
        %get3A_384 = vector.shape_cast %get3A_383 : vector<16xi32> to vector<16xi32>
        %eq3A_385 = vector.broadcast %and3A_381 : i32 to vector<16xi32>
        %eq3A_386 = arith.cmpi eq, %iota3A_155, %eq3A_385 : vector<16xi32>
        %broadcast_in_dim3A_387 = vector.broadcast %squeeze3A_253 : i32 to vector<16xi32>
        %select_n3A_388 = arith.select %eq3A_386, %broadcast_in_dim3A_387, %get3A_384 : vector<16xi1>, vector<16xi32>
        %swap3A_389 = arith.index_cast %mul3A_379 : i32 to index
        %swap3A_390 = tpu.vector_load %arg8[%swap3A_389] {strides = array<i32>} : memref<128xi32, #tpu.memory_space<vmem>>, vector<16xi32>,
        %swap3A_391 = vector.shape_cast %swap3A_390 : vector<16xi32> to vector<16xi32>
        %swap3A_392 = vector.shape_cast %select_n3A_388 : vector<16xi32> to vector<16xi32>
        tpu.vector_store %arg8[%swap3A_389], %swap3A_392 {strides = array<i32>} : memref<128xi32, #tpu.memory_space<vmem>>, vector<16xi32>,
      } else {
      }
      %jit3A_304 = arith.constant 0 : i32
      %select_n3A_305 = arith.select %and3A_300, %jit3A_304, %add3A_296 : i32
      %scan3A_306 = arith.constant 3 : i32
      %scan3A_307 = arith.addi %scan3A_217, %scan3A_306 : i32
      %add3A_308 = arith.addi %mul3A_2, %scan3A_307 : i32
      %add3A_309 = arith.constant 1 : i32
      %add3A_310 = arith.addi %add3A_308, %add3A_309 : i32
      %get3A_311 = arith.index_cast %add3A_310 : i32 to index
      %get3A_312 = tpu.vector_load %arg5[%get3A_311] {strides = array<i32>} : memref<4368xi32, #tpu.memory_space<vmem>>, vector<16xi32>,
      %get3A_313 = vector.shape_cast %get3A_312 : vector<16xi32> to vector<16xi32>
      %slice3A_314 = vector.extract_strided_slice %get3A_313 {offsets = [0], sizes = [1], strides = [1]} : vector<16xi32> to vector<1xi32>
      %squeeze3A_315 = vector.extract %slice3A_314[0] : i32 from vector<1xi32>
      %ge3A_316 = arith.cmpi sge, %add3A_308, %scan3A_153 : i32
      %lt3A_317 = arith.cmpi slt, %add3A_308, %add3A_4 : i32
      %and3A_318 = arith.andi %ge3A_316, %lt3A_317 : i1
      %gt3A_319 = arith.constant 0 : i32
      %gt3A_320 = arith.cmpi sgt, %select_n3A_305, %gt3A_319 : i32
      %or3A_321 = arith.ori %and3A_318, %gt3A_320 : i1
      %eq3A_322 = arith.constant 0 : i32
      %eq3A_323 = arith.cmpi eq, %select_n3A_305, %eq3A_322 : i32
      %and3A_324 = arith.andi %or3A_321, %eq3A_323 : i1
      %select_n3A_325 = arith.select %and3A_324, %add3A_308, %select_n3A_294 : i32
      %convert_element_type3A_326 = arith.extui %or3A_321 : i1 to i32
      %add3A_327 = arith.addi %select_n3A_305, %convert_element_type3A_326 : i32
      %gt3A_328 = arith.constant 0 : i32
      %gt3A_329 = arith.cmpi sgt, %add3A_327, %gt3A_328 : i32
      %ne3A_330 = arith.cmpi ne, %squeeze3A_315, %squeeze3A_284 : i32
      %and3A_331 = arith.andi %gt3A_329, %ne3A_330 : i1
      %convert_element_type3A_332 = arith.extui %and3A_331 : i1 to i32
      %cond3A_333 = arith.constant 0 : i32
      %cond3A_334 = arith.cmpi ne, %convert_element_type3A_332, %cond3A_333 : i32
      scf.if %cond3A_334 {
        %sub3A_337 = arith.subi %select_n3A_325, %mul3A_2 : i32
        %add3A_338 = arith.constant 1 : i32
        %add3A_339 = arith.addi %add3A_308, %add3A_338 : i32
        %sub3A_340 = arith.constant 128 : i32
        %sub3A_341 = arith.subi %add3A_339, %sub3A_340 : i32
        %max3A_342 = arith.maxsi %select_n3A_325, %sub3A_341 : i32
        %shift_right_arithmetic3A = arith.constant 4 : i32
        %shift_right_arithmetic3A_343 = arith.shrsi %sub3A_337, %shift_right_arithmetic3A : i32
        %mul3A_344 = arith.constant 16 : i32
        %mul3A_345 = arith.muli %shift_right_arithmetic3A_343, %mul3A_344 : i32
        %and3A_346 = arith.constant 15 : i32
        %and3A_347 = arith.andi %sub3A_337, %and3A_346 : i32
        %get3A_348 = arith.index_cast %mul3A_345 : i32 to index
        %get3A_349 = tpu.vector_load %arg9[%get3A_348] {strides = array<i32>} : memref<144xi32, #tpu.memory_space<vmem>>, vector<16xi32>,
        %get3A_350 = vector.shape_cast %get3A_349 : vector<16xi32> to vector<16xi32>
        %eq3A_351 = vector.broadcast %and3A_347 : i32 to vector<16xi32>
        %eq3A_352 = arith.cmpi eq, %iota3A_155, %eq3A_351 : vector<16xi32>
        %broadcast_in_dim3A_353 = vector.broadcast %max3A_342 : i32 to vector<16xi32>
        %select_n3A_354 = arith.select %eq3A_352, %broadcast_in_dim3A_353, %get3A_350 : vector<16xi1>, vector<16xi32>
        %swap3A_355 = arith.index_cast %mul3A_345 : i32 to index
        %swap3A_356 = tpu.vector_load %arg9[%swap3A_355] {strides = array<i32>} : memref<144xi32, #tpu.memory_space<vmem>>, vector<16xi32>,
        %swap3A_357 = vector.shape_cast %swap3A_356 : vector<16xi32> to vector<16xi32>
        %swap3A_358 = vector.shape_cast %select_n3A_354 : vector<16xi32> to vector<16xi32>
        tpu.vector_store %arg9[%swap3A_355], %swap3A_358 {strides = array<i32>} : memref<144xi32, #tpu.memory_space<vmem>>, vector<16xi32>,
        %shift_right_arithmetic3A_359 = arith.constant 4 : i32
        %shift_right_arithmetic3A_360 = arith.shrsi %sub3A_337, %shift_right_arithmetic3A_359 : i32
        %mul3A_361 = arith.constant 16 : i32
        %mul3A_362 = arith.muli %shift_right_arithmetic3A_360, %mul3A_361 : i32
        %and3A_363 = arith.constant 15 : i32
        %and3A_364 = arith.andi %sub3A_337, %and3A_363 : i32
        %get3A_365 = arith.index_cast %mul3A_362 : i32 to index
        %get3A_366 = tpu.vector_load %arg10[%get3A_365] {strides = array<i32>} : memref<144xi32, #tpu.memory_space<vmem>>, vector<16xi32>,
        %get3A_367 = vector.shape_cast %get3A_366 : vector<16xi32> to vector<16xi32>
        %eq3A_368 = vector.broadcast %and3A_364 : i32 to vector<16xi32>
        %eq3A_369 = arith.cmpi eq, %iota3A_155, %eq3A_368 : vector<16xi32>
        %broadcast_in_dim3A_370 = vector.broadcast %add3A_327 : i32 to vector<16xi32>
        %select_n3A_371 = arith.select %eq3A_369, %broadcast_in_dim3A_370, %get3A_367 : vector<16xi1>, vector<16xi32>
        %swap3A_372 = arith.index_cast %mul3A_362 : i32 to index
        %swap3A_373 = tpu.vector_load %arg10[%swap3A_372] {strides = array<i32>} : memref<144xi32, #tpu.memory_space<vmem>>, vector<16xi32>,
        %swap3A_374 = vector.shape_cast %swap3A_373 : vector<16xi32> to vector<16xi32>
        %swap3A_375 = vector.shape_cast %select_n3A_371 : vector<16xi32> to vector<16xi32>
        tpu.vector_store %arg10[%swap3A_372], %swap3A_375 {strides = array<i32>} : memref<144xi32, #tpu.memory_space<vmem>>, vector<16xi32>,
        %shift_right_arithmetic3A_376 = arith.constant 4 : i32
        %shift_right_arithmetic3A_377 = arith.shrsi %sub3A_337, %shift_right_arithmetic3A_376 : i32
        %mul3A_378 = arith.constant 16 : i32
        %mul3A_379 = arith.muli %shift_right_arithmetic3A_377, %mul3A_378 : i32
        %and3A_380 = arith.constant 15 : i32
        %and3A_381 = arith.andi %sub3A_337, %and3A_380 : i32
        %get3A_382 = arith.index_cast %mul3A_379 : i32 to index
        %get3A_383 = tpu.vector_load %arg8[%get3A_382] {strides = array<i32>} : memref<128xi32, #tpu.memory_space<vmem>>, vector<16xi32>,
        %get3A_384 = vector.shape_cast %get3A_383 : vector<16xi32> to vector<16xi32>
        %eq3A_385 = vector.broadcast %and3A_381 : i32 to vector<16xi32>
        %eq3A_386 = arith.cmpi eq, %iota3A_155, %eq3A_385 : vector<16xi32>
        %broadcast_in_dim3A_387 = vector.broadcast %squeeze3A_284 : i32 to vector<16xi32>
        %select_n3A_388 = arith.select %eq3A_386, %broadcast_in_dim3A_387, %get3A_384 : vector<16xi1>, vector<16xi32>
        %swap3A_389 = arith.index_cast %mul3A_379 : i32 to index
        %swap3A_390 = tpu.vector_load %arg8[%swap3A_389] {strides = array<i32>} : memref<128xi32, #tpu.memory_space<vmem>>, vector<16xi32>,
        %swap3A_391 = vector.shape_cast %swap3A_390 : vector<16xi32> to vector<16xi32>
        %swap3A_392 = vector.shape_cast %select_n3A_388 : vector<16xi32> to vector<16xi32>
        tpu.vector_store %arg8[%swap3A_389], %swap3A_392 {strides = array<i32>} : memref<128xi32, #tpu.memory_space<vmem>>, vector<16xi32>,
      } else {
      }
      %jit3A_335 = arith.constant 0 : i32
      %select_n3A_336 = arith.select %and3A_331, %jit3A_335, %add3A_327 : i32
      scf.yield %select_n3A_325, %select_n3A_336, %squeeze3A_315 : i32, i32, i32
    }
    %scan3A_205 = arith.constant 256 : i32
    %dma_wait3A_206 = tpu.memref_slice %arg2[%mul3A_10] : memref<1048576xf32, #tpu.memory_space<hbm>> -> memref<65536xf32, #tpu.memory_space<hbm>>
    %dma_wait3A_207 = tpu.memref_slice %arg2[%mul3A_10] : memref<1048576xf32, #tpu.memory_space<hbm>> -> memref<65536xf32, #tpu.memory_space<hbm>>
    tpu.wait_dma2 semaphore(%arg12 : memref<!tpu.dma_semaphore, #tpu.memory_space<semaphore_mem>>) src(%dma_wait3A_207 : memref<65536xf32, #tpu.memory_space<hbm>>) dst(%arg6 : memref<65536xf32, #tpu.memory_space<vmem>>)
    %scan3A_208 = arith.constant 0 : i32
    %scan3A_209 = arith.constant 0 : i32
    %scan3A_210 = arith.constant 128 : i32
    %scan3A_211 = arith.addi %scan3A_209, %scan3A_210 : i32
    %scan3A_212 = arith.constant 2 : i32
    scf.for %scan3A_217 = %scan3A_209 to %scan3A_211 step %scan3A_212  : i32 {
      %get3A_218 = arith.index_cast %scan3A_217 : i32 to index
      %get3A_219 = tpu.vector_load %arg10[%get3A_218] {strides = array<i32>} : memref<144xi32, #tpu.memory_space<vmem>>, vector<16xi32>,
      %get3A_220 = vector.shape_cast %get3A_219 : vector<16xi32> to vector<16xi32>
      %slice3A_221 = vector.extract_strided_slice %get3A_220 {offsets = [0], sizes = [1], strides = [1]} : vector<16xi32> to vector<1xi32>
      %squeeze3A_222 = vector.extract %slice3A_221[0] : i32 from vector<1xi32>
      %gt3A_223 = arith.constant 0 : i32
      %gt3A_224 = arith.cmpi sgt, %squeeze3A_222, %gt3A_223 : i32
      %convert_element_type3A_225 = arith.extui %gt3A_224 : i1 to i32
      %cond3A_226 = arith.constant 0 : i32
      %cond3A_227 = arith.cmpi ne, %convert_element_type3A_225, %cond3A_226 : i32
      scf.if %cond3A_227 {
        %get3A_240 = arith.index_cast %scan3A_217 : i32 to index
        %get3A_241 = tpu.vector_load %arg9[%get3A_240] {strides = array<i32>} : memref<144xi32, #tpu.memory_space<vmem>>, vector<16xi32>,
        %get3A_242 = vector.shape_cast %get3A_241 : vector<16xi32> to vector<16xi32>
        %slice3A_243 = vector.extract_strided_slice %get3A_242 {offsets = [0], sizes = [1], strides = [1]} : vector<16xi32> to vector<1xi32>
        %squeeze3A_244 = vector.extract %slice3A_243[0] : i32 from vector<1xi32>
        %min3A_245 = arith.constant 128 : i32
        %min3A_246 = arith.minsi %squeeze3A_222, %min3A_245 : i32
        %add3A_247 = arith.addi %squeeze3A_244, %min3A_246 : i32
        %broadcast_in_dim3A_248 = arith.constant 0.000000e+00 : f32
        %broadcast_in_dim3A_249 = vector.broadcast %broadcast_in_dim3A_248 : f32 to vector<16xf32>
        %broadcast_in_dim3A_250 = arith.constant 0.000000e+00 : f32
        %broadcast_in_dim3A_251 = vector.broadcast %broadcast_in_dim3A_250 : f32 to vector<16xf32>
        %broadcast_in_dim3A_252 = arith.constant 0.000000e+00 : f32
        %broadcast_in_dim3A_253 = vector.broadcast %broadcast_in_dim3A_252 : f32 to vector<16xf32>
        %broadcast_in_dim3A_254 = arith.constant 0.000000e+00 : f32
        %broadcast_in_dim3A_255 = vector.broadcast %broadcast_in_dim3A_254 : f32 to vector<16xf32>
        %broadcast_in_dim3A_256 = arith.constant 0.000000e+00 : f32
        %broadcast_in_dim3A_257 = vector.broadcast %broadcast_in_dim3A_256 : f32 to vector<16xf32>
        %broadcast_in_dim3A_258 = arith.constant 0.000000e+00 : f32
        %broadcast_in_dim3A_259 = vector.broadcast %broadcast_in_dim3A_258 : f32 to vector<16xf32>
        %broadcast_in_dim3A_260 = arith.constant 0.000000e+00 : f32
        %broadcast_in_dim3A_261 = vector.broadcast %broadcast_in_dim3A_260 : f32 to vector<16xf32>
        %broadcast_in_dim3A_262 = arith.constant 0.000000e+00 : f32
        %broadcast_in_dim3A_263 = vector.broadcast %broadcast_in_dim3A_262 : f32 to vector<16xf32>
        %broadcast_in_dim3A_264 = arith.constant 0.000000e+00 : f32
        %broadcast_in_dim3A_265 = vector.broadcast %broadcast_in_dim3A_264 : f32 to vector<16xf32>
        %broadcast_in_dim3A_266 = arith.constant 0.000000e+00 : f32
        %broadcast_in_dim3A_267 = vector.broadcast %broadcast_in_dim3A_266 : f32 to vector<16xf32>
        %broadcast_in_dim3A_268 = arith.constant 0.000000e+00 : f32
        %broadcast_in_dim3A_269 = vector.broadcast %broadcast_in_dim3A_268 : f32 to vector<16xf32>
        %broadcast_in_dim3A_270 = arith.constant 0.000000e+00 : f32
        %broadcast_in_dim3A_271 = vector.broadcast %broadcast_in_dim3A_270 : f32 to vector<16xf32>
        %broadcast_in_dim3A_272 = arith.constant 0.000000e+00 : f32
        %broadcast_in_dim3A_273 = vector.broadcast %broadcast_in_dim3A_272 : f32 to vector<16xf32>
        %broadcast_in_dim3A_274 = arith.constant 0.000000e+00 : f32
        %broadcast_in_dim3A_275 = vector.broadcast %broadcast_in_dim3A_274 : f32 to vector<16xf32>
        %broadcast_in_dim3A_276 = arith.constant 0.000000e+00 : f32
        %broadcast_in_dim3A_277 = vector.broadcast %broadcast_in_dim3A_276 : f32 to vector<16xf32>
        %broadcast_in_dim3A_278 = arith.constant 0.000000e+00 : f32
        %broadcast_in_dim3A_279 = vector.broadcast %broadcast_in_dim3A_278 : f32 to vector<16xf32>
        %while3A = arith.subi %add3A_247, %squeeze3A_244 : i32
        %while3A_280 = arith.addi %squeeze3A_244, %while3A : i32
        %while3A_281 = arith.constant 1 : i32
        %while3A_282 = arith.divsi %while3A, %while3A_281 : i32
        %while3A_283 = arith.muli %while3A_282, %while3A_281 : i32
        %while3A_284 = arith.addi %squeeze3A_244, %while3A_283 : i32
        %while3A_285 = arith.constant 1 : i32
        %while3A_286:16 = scf.for %while3A_389 = %squeeze3A_244 to %while3A_284 step %while3A_285 iter_args(%while3A_390 = %broadcast_in_dim3A_249, %while3A_391 = %broadcast_in_dim3A_251, %while3A_392 = %broadcast_in_dim3A_253, %while3A_393 = %broadcast_in_dim3A_255, %while3A_394 = %broadcast_in_dim3A_257, %while3A_395 = %broadcast_in_dim3A_259, %while3A_396 = %broadcast_in_dim3A_261, %while3A_397 = %broadcast_in_dim3A_263, %while3A_398 = %broadcast_in_dim3A_265, %while3A_399 = %broadcast_in_dim3A_267, %while3A_400 = %broadcast_in_dim3A_269, %while3A_401 = %broadcast_in_dim3A_271, %while3A_402 = %broadcast_in_dim3A_273, %while3A_403 = %broadcast_in_dim3A_275, %while3A_404 = %broadcast_in_dim3A_277, %while3A_405 = %broadcast_in_dim3A_279) -> (vector<16xf32>, vector<16xf32>, vector<16xf32>, vector<16xf32>, vector<16xf32>, vector<16xf32>, vector<16xf32>, vector<16xf32>, vector<16xf32>, vector<16xf32>, vector<16xf32>, vector<16xf32>, vector<16xf32>, vector<16xf32>, vector<16xf32>, vector<16xf32>)  : i32 {
          %sub3A_406 = arith.subi %while3A_389, %min3A_5 : i32
          %mul3A_407 = arith.constant 256 : i32
          %mul3A_408 = arith.muli %sub3A_406, %mul3A_407 : i32
          %add3A_409 = arith.constant 0 : i32
          %add3A_410 = arith.addi %mul3A_408, %add3A_409 : i32
          %get3A_411 = arith.index_cast %add3A_410 : i32 to index
          %get3A_412 = tpu.vector_load %arg6[%get3A_411] {strides = array<i32>} : memref<65536xf32, #tpu.memory_space<vmem>>, vector<16xf32>,
          %get3A_413 = vector.shape_cast %get3A_412 : vector<16xf32> to vector<16xf32>
          %add3A_414 = arith.addf %while3A_390, %get3A_413 : vector<16xf32>
          %add3A_415 = arith.constant 16 : i32
          %add3A_416 = arith.addi %mul3A_408, %add3A_415 : i32
          %get3A_417 = arith.index_cast %add3A_416 : i32 to index
          %get3A_418 = tpu.vector_load %arg6[%get3A_417] {strides = array<i32>} : memref<65536xf32, #tpu.memory_space<vmem>>, vector<16xf32>,
          %get3A_419 = vector.shape_cast %get3A_418 : vector<16xf32> to vector<16xf32>
          %add3A_420 = arith.addf %while3A_391, %get3A_419 : vector<16xf32>
          %add3A_421 = arith.constant 32 : i32
          %add3A_422 = arith.addi %mul3A_408, %add3A_421 : i32
          %get3A_423 = arith.index_cast %add3A_422 : i32 to index
          %get3A_424 = tpu.vector_load %arg6[%get3A_423] {strides = array<i32>} : memref<65536xf32, #tpu.memory_space<vmem>>, vector<16xf32>,
          %get3A_425 = vector.shape_cast %get3A_424 : vector<16xf32> to vector<16xf32>
          %add3A_426 = arith.addf %while3A_392, %get3A_425 : vector<16xf32>
          %add3A_427 = arith.constant 48 : i32
          %add3A_428 = arith.addi %mul3A_408, %add3A_427 : i32
          %get3A_429 = arith.index_cast %add3A_428 : i32 to index
          %get3A_430 = tpu.vector_load %arg6[%get3A_429] {strides = array<i32>} : memref<65536xf32, #tpu.memory_space<vmem>>, vector<16xf32>,
          %get3A_431 = vector.shape_cast %get3A_430 : vector<16xf32> to vector<16xf32>
          %add3A_432 = arith.addf %while3A_393, %get3A_431 : vector<16xf32>
          %add3A_433 = arith.constant 64 : i32
          %add3A_434 = arith.addi %mul3A_408, %add3A_433 : i32
          %get3A_435 = arith.index_cast %add3A_434 : i32 to index
          %get3A_436 = tpu.vector_load %arg6[%get3A_435] {strides = array<i32>} : memref<65536xf32, #tpu.memory_space<vmem>>, vector<16xf32>,
          %get3A_437 = vector.shape_cast %get3A_436 : vector<16xf32> to vector<16xf32>
          %add3A_438 = arith.addf %while3A_394, %get3A_437 : vector<16xf32>
          %add3A_439 = arith.constant 80 : i32
          %add3A_440 = arith.addi %mul3A_408, %add3A_439 : i32
          %get3A_441 = arith.index_cast %add3A_440 : i32 to index
          %get3A_442 = tpu.vector_load %arg6[%get3A_441] {strides = array<i32>} : memref<65536xf32, #tpu.memory_space<vmem>>, vector<16xf32>,
          %get3A_443 = vector.shape_cast %get3A_442 : vector<16xf32> to vector<16xf32>
          %add3A_444 = arith.addf %while3A_395, %get3A_443 : vector<16xf32>
          %add3A_445 = arith.constant 96 : i32
          %add3A_446 = arith.addi %mul3A_408, %add3A_445 : i32
          %get3A_447 = arith.index_cast %add3A_446 : i32 to index
          %get3A_448 = tpu.vector_load %arg6[%get3A_447] {strides = array<i32>} : memref<65536xf32, #tpu.memory_space<vmem>>, vector<16xf32>,
          %get3A_449 = vector.shape_cast %get3A_448 : vector<16xf32> to vector<16xf32>
          %add3A_450 = arith.addf %while3A_396, %get3A_449 : vector<16xf32>
          %add3A_451 = arith.constant 112 : i32
          %add3A_452 = arith.addi %mul3A_408, %add3A_451 : i32
          %get3A_453 = arith.index_cast %add3A_452 : i32 to index
          %get3A_454 = tpu.vector_load %arg6[%get3A_453] {strides = array<i32>} : memref<65536xf32, #tpu.memory_space<vmem>>, vector<16xf32>,
          %get3A_455 = vector.shape_cast %get3A_454 : vector<16xf32> to vector<16xf32>
          %add3A_456 = arith.addf %while3A_397, %get3A_455 : vector<16xf32>
          %add3A_457 = arith.constant 128 : i32
          %add3A_458 = arith.addi %mul3A_408, %add3A_457 : i32
          %get3A_459 = arith.index_cast %add3A_458 : i32 to index
          %get3A_460 = tpu.vector_load %arg6[%get3A_459] {strides = array<i32>} : memref<65536xf32, #tpu.memory_space<vmem>>, vector<16xf32>,
          %get3A_461 = vector.shape_cast %get3A_460 : vector<16xf32> to vector<16xf32>
          %add3A_462 = arith.addf %while3A_398, %get3A_461 : vector<16xf32>
          %add3A_463 = arith.constant 144 : i32
          %add3A_464 = arith.addi %mul3A_408, %add3A_463 : i32
          %get3A_465 = arith.index_cast %add3A_464 : i32 to index
          %get3A_466 = tpu.vector_load %arg6[%get3A_465] {strides = array<i32>} : memref<65536xf32, #tpu.memory_space<vmem>>, vector<16xf32>,
          %get3A_467 = vector.shape_cast %get3A_466 : vector<16xf32> to vector<16xf32>
          %add3A_468 = arith.addf %while3A_399, %get3A_467 : vector<16xf32>
          %add3A_469 = arith.constant 160 : i32
          %add3A_470 = arith.addi %mul3A_408, %add3A_469 : i32
          %get3A_471 = arith.index_cast %add3A_470 : i32 to index
          %get3A_472 = tpu.vector_load %arg6[%get3A_471] {strides = array<i32>} : memref<65536xf32, #tpu.memory_space<vmem>>, vector<16xf32>,
          %get3A_473 = vector.shape_cast %get3A_472 : vector<16xf32> to vector<16xf32>
          %add3A_474 = arith.addf %while3A_400, %get3A_473 : vector<16xf32>
          %add3A_475 = arith.constant 176 : i32
          %add3A_476 = arith.addi %mul3A_408, %add3A_475 : i32
          %get3A_477 = arith.index_cast %add3A_476 : i32 to index
          %get3A_478 = tpu.vector_load %arg6[%get3A_477] {strides = array<i32>} : memref<65536xf32, #tpu.memory_space<vmem>>, vector<16xf32>,
          %get3A_479 = vector.shape_cast %get3A_478 : vector<16xf32> to vector<16xf32>
          %add3A_480 = arith.addf %while3A_401, %get3A_479 : vector<16xf32>
          %add3A_481 = arith.constant 192 : i32
          %add3A_482 = arith.addi %mul3A_408, %add3A_481 : i32
          %get3A_483 = arith.index_cast %add3A_482 : i32 to index
          %get3A_484 = tpu.vector_load %arg6[%get3A_483] {strides = array<i32>} : memref<65536xf32, #tpu.memory_space<vmem>>, vector<16xf32>,
          %get3A_485 = vector.shape_cast %get3A_484 : vector<16xf32> to vector<16xf32>
          %add3A_486 = arith.addf %while3A_402, %get3A_485 : vector<16xf32>
          %add3A_487 = arith.constant 208 : i32
          %add3A_488 = arith.addi %mul3A_408, %add3A_487 : i32
          %get3A_489 = arith.index_cast %add3A_488 : i32 to index
          %get3A_490 = tpu.vector_load %arg6[%get3A_489] {strides = array<i32>} : memref<65536xf32, #tpu.memory_space<vmem>>, vector<16xf32>,
          %get3A_491 = vector.shape_cast %get3A_490 : vector<16xf32> to vector<16xf32>
          %add3A_492 = arith.addf %while3A_403, %get3A_491 : vector<16xf32>
          %add3A_493 = arith.constant 224 : i32
          %add3A_494 = arith.addi %mul3A_408, %add3A_493 : i32
          %get3A_495 = arith.index_cast %add3A_494 : i32 to index
          %get3A_496 = tpu.vector_load %arg6[%get3A_495] {strides = array<i32>} : memref<65536xf32, #tpu.memory_space<vmem>>, vector<16xf32>,
          %get3A_497 = vector.shape_cast %get3A_496 : vector<16xf32> to vector<16xf32>
          %add3A_498 = arith.addf %while3A_404, %get3A_497 : vector<16xf32>
          %add3A_499 = arith.constant 240 : i32
          %add3A_500 = arith.addi %mul3A_408, %add3A_499 : i32
          %get3A_501 = arith.index_cast %add3A_500 : i32 to index
          %get3A_502 = tpu.vector_load %arg6[%get3A_501] {strides = array<i32>} : memref<65536xf32, #tpu.memory_space<vmem>>, vector<16xf32>,
          %get3A_503 = vector.shape_cast %get3A_502 : vector<16xf32> to vector<16xf32>
          %add3A_504 = arith.addf %while3A_405, %get3A_503 : vector<16xf32>
          scf.yield %add3A_414, %add3A_420, %add3A_426, %add3A_432, %add3A_438, %add3A_444, %add3A_450, %add3A_456, %add3A_462, %add3A_468, %add3A_474, %add3A_480, %add3A_486, %add3A_492, %add3A_498, %add3A_504 : vector<16xf32>, vector<16xf32>, vector<16xf32>, vector<16xf32>, vector<16xf32>, vector<16xf32>, vector<16xf32>, vector<16xf32>, vector<16xf32>, vector<16xf32>, vector<16xf32>, vector<16xf32>, vector<16xf32>, vector<16xf32>, vector<16xf32>, vector<16xf32>
        }
        %while3A_287 = arith.constant 1 : i32
        %while3A_288:16 = scf.for %while3A_389 = %while3A_284 to %while3A_280 step %while3A_287 iter_args(%while3A_390 = %while3A_286#0, %while3A_391 = %while3A_286#1, %while3A_392 = %while3A_286#2, %while3A_393 = %while3A_286#3, %while3A_394 = %while3A_286#4, %while3A_395 = %while3A_286#5, %while3A_396 = %while3A_286#6, %while3A_397 = %while3A_286#7, %while3A_398 = %while3A_286#8, %while3A_399 = %while3A_286#9, %while3A_400 = %while3A_286#10, %while3A_401 = %while3A_286#11, %while3A_402 = %while3A_286#12, %while3A_403 = %while3A_286#13, %while3A_404 = %while3A_286#14, %while3A_405 = %while3A_286#15) -> (vector<16xf32>, vector<16xf32>, vector<16xf32>, vector<16xf32>, vector<16xf32>, vector<16xf32>, vector<16xf32>, vector<16xf32>, vector<16xf32>, vector<16xf32>, vector<16xf32>, vector<16xf32>, vector<16xf32>, vector<16xf32>, vector<16xf32>, vector<16xf32>)  : i32 {
          %sub3A_406 = arith.subi %while3A_389, %min3A_5 : i32
          %mul3A_407 = arith.constant 256 : i32
          %mul3A_408 = arith.muli %sub3A_406, %mul3A_407 : i32
          %add3A_409 = arith.constant 0 : i32
          %add3A_410 = arith.addi %mul3A_408, %add3A_409 : i32
          %get3A_411 = arith.index_cast %add3A_410 : i32 to index
          %get3A_412 = tpu.vector_load %arg6[%get3A_411] {strides = array<i32>} : memref<65536xf32, #tpu.memory_space<vmem>>, vector<16xf32>,
          %get3A_413 = vector.shape_cast %get3A_412 : vector<16xf32> to vector<16xf32>
          %add3A_414 = arith.addf %while3A_390, %get3A_413 : vector<16xf32>
          %add3A_415 = arith.constant 16 : i32
          %add3A_416 = arith.addi %mul3A_408, %add3A_415 : i32
          %get3A_417 = arith.index_cast %add3A_416 : i32 to index
          %get3A_418 = tpu.vector_load %arg6[%get3A_417] {strides = array<i32>} : memref<65536xf32, #tpu.memory_space<vmem>>, vector<16xf32>,
          %get3A_419 = vector.shape_cast %get3A_418 : vector<16xf32> to vector<16xf32>
          %add3A_420 = arith.addf %while3A_391, %get3A_419 : vector<16xf32>
          %add3A_421 = arith.constant 32 : i32
          %add3A_422 = arith.addi %mul3A_408, %add3A_421 : i32
          %get3A_423 = arith.index_cast %add3A_422 : i32 to index
          %get3A_424 = tpu.vector_load %arg6[%get3A_423] {strides = array<i32>} : memref<65536xf32, #tpu.memory_space<vmem>>, vector<16xf32>,
          %get3A_425 = vector.shape_cast %get3A_424 : vector<16xf32> to vector<16xf32>
          %add3A_426 = arith.addf %while3A_392, %get3A_425 : vector<16xf32>
          %add3A_427 = arith.constant 48 : i32
          %add3A_428 = arith.addi %mul3A_408, %add3A_427 : i32
          %get3A_429 = arith.index_cast %add3A_428 : i32 to index
          %get3A_430 = tpu.vector_load %arg6[%get3A_429] {strides = array<i32>} : memref<65536xf32, #tpu.memory_space<vmem>>, vector<16xf32>,
          %get3A_431 = vector.shape_cast %get3A_430 : vector<16xf32> to vector<16xf32>
          %add3A_432 = arith.addf %while3A_393, %get3A_431 : vector<16xf32>
          %add3A_433 = arith.constant 64 : i32
          %add3A_434 = arith.addi %mul3A_408, %add3A_433 : i32
          %get3A_435 = arith.index_cast %add3A_434 : i32 to index
          %get3A_436 = tpu.vector_load %arg6[%get3A_435] {strides = array<i32>} : memref<65536xf32, #tpu.memory_space<vmem>>, vector<16xf32>,
          %get3A_437 = vector.shape_cast %get3A_436 : vector<16xf32> to vector<16xf32>
          %add3A_438 = arith.addf %while3A_394, %get3A_437 : vector<16xf32>
          %add3A_439 = arith.constant 80 : i32
          %add3A_440 = arith.addi %mul3A_408, %add3A_439 : i32
          %get3A_441 = arith.index_cast %add3A_440 : i32 to index
          %get3A_442 = tpu.vector_load %arg6[%get3A_441] {strides = array<i32>} : memref<65536xf32, #tpu.memory_space<vmem>>, vector<16xf32>,
          %get3A_443 = vector.shape_cast %get3A_442 : vector<16xf32> to vector<16xf32>
          %add3A_444 = arith.addf %while3A_395, %get3A_443 : vector<16xf32>
          %add3A_445 = arith.constant 96 : i32
          %add3A_446 = arith.addi %mul3A_408, %add3A_445 : i32
          %get3A_447 = arith.index_cast %add3A_446 : i32 to index
          %get3A_448 = tpu.vector_load %arg6[%get3A_447] {strides = array<i32>} : memref<65536xf32, #tpu.memory_space<vmem>>, vector<16xf32>,
          %get3A_449 = vector.shape_cast %get3A_448 : vector<16xf32> to vector<16xf32>
          %add3A_450 = arith.addf %while3A_396, %get3A_449 : vector<16xf32>
          %add3A_451 = arith.constant 112 : i32
          %add3A_452 = arith.addi %mul3A_408, %add3A_451 : i32
          %get3A_453 = arith.index_cast %add3A_452 : i32 to index
          %get3A_454 = tpu.vector_load %arg6[%get3A_453] {strides = array<i32>} : memref<65536xf32, #tpu.memory_space<vmem>>, vector<16xf32>,
          %get3A_455 = vector.shape_cast %get3A_454 : vector<16xf32> to vector<16xf32>
          %add3A_456 = arith.addf %while3A_397, %get3A_455 : vector<16xf32>
          %add3A_457 = arith.constant 128 : i32
          %add3A_458 = arith.addi %mul3A_408, %add3A_457 : i32
          %get3A_459 = arith.index_cast %add3A_458 : i32 to index
          %get3A_460 = tpu.vector_load %arg6[%get3A_459] {strides = array<i32>} : memref<65536xf32, #tpu.memory_space<vmem>>, vector<16xf32>,
          %get3A_461 = vector.shape_cast %get3A_460 : vector<16xf32> to vector<16xf32>
          %add3A_462 = arith.addf %while3A_398, %get3A_461 : vector<16xf32>
          %add3A_463 = arith.constant 144 : i32
          %add3A_464 = arith.addi %mul3A_408, %add3A_463 : i32
          %get3A_465 = arith.index_cast %add3A_464 : i32 to index
          %get3A_466 = tpu.vector_load %arg6[%get3A_465] {strides = array<i32>} : memref<65536xf32, #tpu.memory_space<vmem>>, vector<16xf32>,
          %get3A_467 = vector.shape_cast %get3A_466 : vector<16xf32> to vector<16xf32>
          %add3A_468 = arith.addf %while3A_399, %get3A_467 : vector<16xf32>
          %add3A_469 = arith.constant 160 : i32
          %add3A_470 = arith.addi %mul3A_408, %add3A_469 : i32
          %get3A_471 = arith.index_cast %add3A_470 : i32 to index
          %get3A_472 = tpu.vector_load %arg6[%get3A_471] {strides = array<i32>} : memref<65536xf32, #tpu.memory_space<vmem>>, vector<16xf32>,
          %get3A_473 = vector.shape_cast %get3A_472 : vector<16xf32> to vector<16xf32>
          %add3A_474 = arith.addf %while3A_400, %get3A_473 : vector<16xf32>
          %add3A_475 = arith.constant 176 : i32
          %add3A_476 = arith.addi %mul3A_408, %add3A_475 : i32
          %get3A_477 = arith.index_cast %add3A_476 : i32 to index
          %get3A_478 = tpu.vector_load %arg6[%get3A_477] {strides = array<i32>} : memref<65536xf32, #tpu.memory_space<vmem>>, vector<16xf32>,
          %get3A_479 = vector.shape_cast %get3A_478 : vector<16xf32> to vector<16xf32>
          %add3A_480 = arith.addf %while3A_401, %get3A_479 : vector<16xf32>
          %add3A_481 = arith.constant 192 : i32
          %add3A_482 = arith.addi %mul3A_408, %add3A_481 : i32
          %get3A_483 = arith.index_cast %add3A_482 : i32 to index
          %get3A_484 = tpu.vector_load %arg6[%get3A_483] {strides = array<i32>} : memref<65536xf32, #tpu.memory_space<vmem>>, vector<16xf32>,
          %get3A_485 = vector.shape_cast %get3A_484 : vector<16xf32> to vector<16xf32>
          %add3A_486 = arith.addf %while3A_402, %get3A_485 : vector<16xf32>
          %add3A_487 = arith.constant 208 : i32
          %add3A_488 = arith.addi %mul3A_408, %add3A_487 : i32
          %get3A_489 = arith.index_cast %add3A_488 : i32 to index
          %get3A_490 = tpu.vector_load %arg6[%get3A_489] {strides = array<i32>} : memref<65536xf32, #tpu.memory_space<vmem>>, vector<16xf32>,
          %get3A_491 = vector.shape_cast %get3A_490 : vector<16xf32> to vector<16xf32>
          %add3A_492 = arith.addf %while3A_403, %get3A_491 : vector<16xf32>
          %add3A_493 = arith.constant 224 : i32
          %add3A_494 = arith.addi %mul3A_408, %add3A_493 : i32
          %get3A_495 = arith.index_cast %add3A_494 : i32 to index
          %get3A_496 = tpu.vector_load %arg6[%get3A_495] {strides = array<i32>} : memref<65536xf32, #tpu.memory_space<vmem>>, vector<16xf32>,
          %get3A_497 = vector.shape_cast %get3A_496 : vector<16xf32> to vector<16xf32>
          %add3A_498 = arith.addf %while3A_404, %get3A_497 : vector<16xf32>
          %add3A_499 = arith.constant 240 : i32
          %add3A_500 = arith.addi %mul3A_408, %add3A_499 : i32
          %get3A_501 = arith.index_cast %add3A_500 : i32 to index
          %get3A_502 = tpu.vector_load %arg6[%get3A_501] {strides = array<i32>} : memref<65536xf32, #tpu.memory_space<vmem>>, vector<16xf32>,
          %get3A_503 = vector.shape_cast %get3A_502 : vector<16xf32> to vector<16xf32>
          %add3A_504 = arith.addf %while3A_405, %get3A_503 : vector<16xf32>
          scf.yield %add3A_414, %add3A_420, %add3A_426, %add3A_432, %add3A_438, %add3A_444, %add3A_450, %add3A_456, %add3A_462, %add3A_468, %add3A_474, %add3A_480, %add3A_486, %add3A_492, %add3A_498, %add3A_504 : vector<16xf32>, vector<16xf32>, vector<16xf32>, vector<16xf32>, vector<16xf32>, vector<16xf32>, vector<16xf32>, vector<16xf32>, vector<16xf32>, vector<16xf32>, vector<16xf32>, vector<16xf32>, vector<16xf32>, vector<16xf32>, vector<16xf32>, vector<16xf32>
        }
        %convert_element_type3A_289 = arith.sitofp %min3A_246 : i32 to f32
        %broadcast_in_dim3A_290 = vector.broadcast %convert_element_type3A_289 : f32 to vector<16xf32>
        %div3A = arith.constant 1.000000e+00 : f32
        %div3A_291 = vector.broadcast %div3A : f32 to vector<16xf32>
        %div3A_292 = arith.divf %div3A_291, %broadcast_in_dim3A_290 : vector<16xf32>
        %mul3A_293 = arith.mulf %while3A_288#0, %div3A_292 : vector<16xf32>
        %swap3A_294 = arith.index_cast %scan3A_217 : i32 to index
        %swap3A_295 = arith.constant 0 : index
        %swap3A_296 = tpu.vector_load %arg7[%swap3A_294, %swap3A_295] {strides = array<i32>} : memref<128x256xf32, #tpu.memory_space<vmem>>, vector<1x16xf32>,
        %swap3A_297 = vector.shape_cast %swap3A_296 : vector<1x16xf32> to vector<16xf32>
        %swap3A_298 = vector.shape_cast %mul3A_293 : vector<16xf32> to vector<1x16xf32>
        tpu.vector_store %arg7[%swap3A_294, %swap3A_295], %swap3A_298 {strides = array<i32>} : memref<128x256xf32, #tpu.memory_space<vmem>>, vector<1x16xf32>,
        %mul3A_299 = arith.mulf %while3A_288#1, %div3A_292 : vector<16xf32>
        %swap3A_300 = arith.index_cast %scan3A_217 : i32 to index
        %swap3A_301 = arith.constant 16 : index
        %swap3A_302 = tpu.vector_load %arg7[%swap3A_300, %swap3A_301] {strides = array<i32>} : memref<128x256xf32, #tpu.memory_space<vmem>>, vector<1x16xf32>,
        %swap3A_303 = vector.shape_cast %swap3A_302 : vector<1x16xf32> to vector<16xf32>
        %swap3A_304 = vector.shape_cast %mul3A_299 : vector<16xf32> to vector<1x16xf32>
        tpu.vector_store %arg7[%swap3A_300, %swap3A_301], %swap3A_304 {strides = array<i32>} : memref<128x256xf32, #tpu.memory_space<vmem>>, vector<1x16xf32>,
        %mul3A_305 = arith.mulf %while3A_288#2, %div3A_292 : vector<16xf32>
        %swap3A_306 = arith.index_cast %scan3A_217 : i32 to index
        %swap3A_307 = arith.constant 32 : index
        %swap3A_308 = tpu.vector_load %arg7[%swap3A_306, %swap3A_307] {strides = array<i32>} : memref<128x256xf32, #tpu.memory_space<vmem>>, vector<1x16xf32>,
        %swap3A_309 = vector.shape_cast %swap3A_308 : vector<1x16xf32> to vector<16xf32>
        %swap3A_310 = vector.shape_cast %mul3A_305 : vector<16xf32> to vector<1x16xf32>
        tpu.vector_store %arg7[%swap3A_306, %swap3A_307], %swap3A_310 {strides = array<i32>} : memref<128x256xf32, #tpu.memory_space<vmem>>, vector<1x16xf32>,
        %mul3A_311 = arith.mulf %while3A_288#3, %div3A_292 : vector<16xf32>
        %swap3A_312 = arith.index_cast %scan3A_217 : i32 to index
        %swap3A_313 = arith.constant 48 : index
        %swap3A_314 = tpu.vector_load %arg7[%swap3A_312, %swap3A_313] {strides = array<i32>} : memref<128x256xf32, #tpu.memory_space<vmem>>, vector<1x16xf32>,
        %swap3A_315 = vector.shape_cast %swap3A_314 : vector<1x16xf32> to vector<16xf32>
        %swap3A_316 = vector.shape_cast %mul3A_311 : vector<16xf32> to vector<1x16xf32>
        tpu.vector_store %arg7[%swap3A_312, %swap3A_313], %swap3A_316 {strides = array<i32>} : memref<128x256xf32, #tpu.memory_space<vmem>>, vector<1x16xf32>,
        %mul3A_317 = arith.mulf %while3A_288#4, %div3A_292 : vector<16xf32>
        %swap3A_318 = arith.index_cast %scan3A_217 : i32 to index
        %swap3A_319 = arith.constant 64 : index
        %swap3A_320 = tpu.vector_load %arg7[%swap3A_318, %swap3A_319] {strides = array<i32>} : memref<128x256xf32, #tpu.memory_space<vmem>>, vector<1x16xf32>,
        %swap3A_321 = vector.shape_cast %swap3A_320 : vector<1x16xf32> to vector<16xf32>
        %swap3A_322 = vector.shape_cast %mul3A_317 : vector<16xf32> to vector<1x16xf32>
        tpu.vector_store %arg7[%swap3A_318, %swap3A_319], %swap3A_322 {strides = array<i32>} : memref<128x256xf32, #tpu.memory_space<vmem>>, vector<1x16xf32>,
        %mul3A_323 = arith.mulf %while3A_288#5, %div3A_292 : vector<16xf32>
        %swap3A_324 = arith.index_cast %scan3A_217 : i32 to index
        %swap3A_325 = arith.constant 80 : index
        %swap3A_326 = tpu.vector_load %arg7[%swap3A_324, %swap3A_325] {strides = array<i32>} : memref<128x256xf32, #tpu.memory_space<vmem>>, vector<1x16xf32>,
        %swap3A_327 = vector.shape_cast %swap3A_326 : vector<1x16xf32> to vector<16xf32>
        %swap3A_328 = vector.shape_cast %mul3A_323 : vector<16xf32> to vector<1x16xf32>
        tpu.vector_store %arg7[%swap3A_324, %swap3A_325], %swap3A_328 {strides = array<i32>} : memref<128x256xf32, #tpu.memory_space<vmem>>, vector<1x16xf32>,
        %mul3A_329 = arith.mulf %while3A_288#6, %div3A_292 : vector<16xf32>
        %swap3A_330 = arith.index_cast %scan3A_217 : i32 to index
        %swap3A_331 = arith.constant 96 : index
        %swap3A_332 = tpu.vector_load %arg7[%swap3A_330, %swap3A_331] {strides = array<i32>} : memref<128x256xf32, #tpu.memory_space<vmem>>, vector<1x16xf32>,
        %swap3A_333 = vector.shape_cast %swap3A_332 : vector<1x16xf32> to vector<16xf32>
        %swap3A_334 = vector.shape_cast %mul3A_329 : vector<16xf32> to vector<1x16xf32>
        tpu.vector_store %arg7[%swap3A_330, %swap3A_331], %swap3A_334 {strides = array<i32>} : memref<128x256xf32, #tpu.memory_space<vmem>>, vector<1x16xf32>,
        %mul3A_335 = arith.mulf %while3A_288#7, %div3A_292 : vector<16xf32>
        %swap3A_336 = arith.index_cast %scan3A_217 : i32 to index
        %swap3A_337 = arith.constant 112 : index
        %swap3A_338 = tpu.vector_load %arg7[%swap3A_336, %swap3A_337] {strides = array<i32>} : memref<128x256xf32, #tpu.memory_space<vmem>>, vector<1x16xf32>,
        %swap3A_339 = vector.shape_cast %swap3A_338 : vector<1x16xf32> to vector<16xf32>
        %swap3A_340 = vector.shape_cast %mul3A_335 : vector<16xf32> to vector<1x16xf32>
        tpu.vector_store %arg7[%swap3A_336, %swap3A_337], %swap3A_340 {strides = array<i32>} : memref<128x256xf32, #tpu.memory_space<vmem>>, vector<1x16xf32>,
        %mul3A_341 = arith.mulf %while3A_288#8, %div3A_292 : vector<16xf32>
        %swap3A_342 = arith.index_cast %scan3A_217 : i32 to index
        %swap3A_343 = arith.constant 128 : index
        %swap3A_344 = tpu.vector_load %arg7[%swap3A_342, %swap3A_343] {strides = array<i32>} : memref<128x256xf32, #tpu.memory_space<vmem>>, vector<1x16xf32>,
        %swap3A_345 = vector.shape_cast %swap3A_344 : vector<1x16xf32> to vector<16xf32>
        %swap3A_346 = vector.shape_cast %mul3A_341 : vector<16xf32> to vector<1x16xf32>
        tpu.vector_store %arg7[%swap3A_342, %swap3A_343], %swap3A_346 {strides = array<i32>} : memref<128x256xf32, #tpu.memory_space<vmem>>, vector<1x16xf32>,
        %mul3A_347 = arith.mulf %while3A_288#9, %div3A_292 : vector<16xf32>
        %swap3A_348 = arith.index_cast %scan3A_217 : i32 to index
        %swap3A_349 = arith.constant 144 : index
        %swap3A_350 = tpu.vector_load %arg7[%swap3A_348, %swap3A_349] {strides = array<i32>} : memref<128x256xf32, #tpu.memory_space<vmem>>, vector<1x16xf32>,
        %swap3A_351 = vector.shape_cast %swap3A_350 : vector<1x16xf32> to vector<16xf32>
        %swap3A_352 = vector.shape_cast %mul3A_347 : vector<16xf32> to vector<1x16xf32>
        tpu.vector_store %arg7[%swap3A_348, %swap3A_349], %swap3A_352 {strides = array<i32>} : memref<128x256xf32, #tpu.memory_space<vmem>>, vector<1x16xf32>,
        %mul3A_353 = arith.mulf %while3A_288#10, %div3A_292 : vector<16xf32>
        %swap3A_354 = arith.index_cast %scan3A_217 : i32 to index
        %swap3A_355 = arith.constant 160 : index
        %swap3A_356 = tpu.vector_load %arg7[%swap3A_354, %swap3A_355] {strides = array<i32>} : memref<128x256xf32, #tpu.memory_space<vmem>>, vector<1x16xf32>,
        %swap3A_357 = vector.shape_cast %swap3A_356 : vector<1x16xf32> to vector<16xf32>
        %swap3A_358 = vector.shape_cast %mul3A_353 : vector<16xf32> to vector<1x16xf32>
        tpu.vector_store %arg7[%swap3A_354, %swap3A_355], %swap3A_358 {strides = array<i32>} : memref<128x256xf32, #tpu.memory_space<vmem>>, vector<1x16xf32>,
        %mul3A_359 = arith.mulf %while3A_288#11, %div3A_292 : vector<16xf32>
        %swap3A_360 = arith.index_cast %scan3A_217 : i32 to index
        %swap3A_361 = arith.constant 176 : index
        %swap3A_362 = tpu.vector_load %arg7[%swap3A_360, %swap3A_361] {strides = array<i32>} : memref<128x256xf32, #tpu.memory_space<vmem>>, vector<1x16xf32>,
        %swap3A_363 = vector.shape_cast %swap3A_362 : vector<1x16xf32> to vector<16xf32>
        %swap3A_364 = vector.shape_cast %mul3A_359 : vector<16xf32> to vector<1x16xf32>
        tpu.vector_store %arg7[%swap3A_360, %swap3A_361], %swap3A_364 {strides = array<i32>} : memref<128x256xf32, #tpu.memory_space<vmem>>, vector<1x16xf32>,
        %mul3A_365 = arith.mulf %while3A_288#12, %div3A_292 : vector<16xf32>
        %swap3A_366 = arith.index_cast %scan3A_217 : i32 to index
        %swap3A_367 = arith.constant 192 : index
        %swap3A_368 = tpu.vector_load %arg7[%swap3A_366, %swap3A_367] {strides = array<i32>} : memref<128x256xf32, #tpu.memory_space<vmem>>, vector<1x16xf32>,
        %swap3A_369 = vector.shape_cast %swap3A_368 : vector<1x16xf32> to vector<16xf32>
        %swap3A_370 = vector.shape_cast %mul3A_365 : vector<16xf32> to vector<1x16xf32>
        tpu.vector_store %arg7[%swap3A_366, %swap3A_367], %swap3A_370 {strides = array<i32>} : memref<128x256xf32, #tpu.memory_space<vmem>>, vector<1x16xf32>,
        %mul3A_371 = arith.mulf %while3A_288#13, %div3A_292 : vector<16xf32>
        %swap3A_372 = arith.index_cast %scan3A_217 : i32 to index
        %swap3A_373 = arith.constant 208 : index
        %swap3A_374 = tpu.vector_load %arg7[%swap3A_372, %swap3A_373] {strides = array<i32>} : memref<128x256xf32, #tpu.memory_space<vmem>>, vector<1x16xf32>,
        %swap3A_375 = vector.shape_cast %swap3A_374 : vector<1x16xf32> to vector<16xf32>
        %swap3A_376 = vector.shape_cast %mul3A_371 : vector<16xf32> to vector<1x16xf32>
        tpu.vector_store %arg7[%swap3A_372, %swap3A_373], %swap3A_376 {strides = array<i32>} : memref<128x256xf32, #tpu.memory_space<vmem>>, vector<1x16xf32>,
        %mul3A_377 = arith.mulf %while3A_288#14, %div3A_292 : vector<16xf32>
        %swap3A_378 = arith.index_cast %scan3A_217 : i32 to index
        %swap3A_379 = arith.constant 224 : index
        %swap3A_380 = tpu.vector_load %arg7[%swap3A_378, %swap3A_379] {strides = array<i32>} : memref<128x256xf32, #tpu.memory_space<vmem>>, vector<1x16xf32>,
        %swap3A_381 = vector.shape_cast %swap3A_380 : vector<1x16xf32> to vector<16xf32>
        %swap3A_382 = vector.shape_cast %mul3A_377 : vector<16xf32> to vector<1x16xf32>
        tpu.vector_store %arg7[%swap3A_378, %swap3A_379], %swap3A_382 {strides = array<i32>} : memref<128x256xf32, #tpu.memory_space<vmem>>, vector<1x16xf32>,
        %mul3A_383 = arith.mulf %while3A_288#15, %div3A_292 : vector<16xf32>
        %swap3A_384 = arith.index_cast %scan3A_217 : i32 to index
        %swap3A_385 = arith.constant 240 : index
        %swap3A_386 = tpu.vector_load %arg7[%swap3A_384, %swap3A_385] {strides = array<i32>} : memref<128x256xf32, #tpu.memory_space<vmem>>, vector<1x16xf32>,
        %swap3A_387 = vector.shape_cast %swap3A_386 : vector<1x16xf32> to vector<16xf32>
        %swap3A_388 = vector.shape_cast %mul3A_383 : vector<16xf32> to vector<1x16xf32>
        tpu.vector_store %arg7[%swap3A_384, %swap3A_385], %swap3A_388 {strides = array<i32>} : memref<128x256xf32, #tpu.memory_space<vmem>>, vector<1x16xf32>,
      } else {
      }
      %scan3A_228 = arith.constant 1 : i32
      %scan3A_229 = arith.addi %scan3A_217, %scan3A_228 : i32
      %get3A_230 = arith.index_cast %scan3A_229 : i32 to index
      %get3A_231 = tpu.vector_load %arg10[%get3A_230] {strides = array<i32>} : memref<144xi32, #tpu.memory_space<vmem>>, vector<16xi32>,
      %get3A_232 = vector.shape_cast %get3A_231 : vector<16xi32> to vector<16xi32>
      %slice3A_233 = vector.extract_strided_slice %get3A_232 {offsets = [0], sizes = [1], strides = [1]} : vector<16xi32> to vector<1xi32>
      %squeeze3A_234 = vector.extract %slice3A_233[0] : i32 from vector<1xi32>
      %gt3A_235 = arith.constant 0 : i32
      %gt3A_236 = arith.cmpi sgt, %squeeze3A_234, %gt3A_235 : i32
      %convert_element_type3A_237 = arith.extui %gt3A_236 : i1 to i32
      %cond3A_238 = arith.constant 0 : i32
      %cond3A_239 = arith.cmpi ne, %convert_element_type3A_237, %cond3A_238 : i32
      scf.if %cond3A_239 {
        %get3A_240 = arith.index_cast %scan3A_229 : i32 to index
        %get3A_241 = tpu.vector_load %arg9[%get3A_240] {strides = array<i32>} : memref<144xi32, #tpu.memory_space<vmem>>, vector<16xi32>,
        %get3A_242 = vector.shape_cast %get3A_241 : vector<16xi32> to vector<16xi32>
        %slice3A_243 = vector.extract_strided_slice %get3A_242 {offsets = [0], sizes = [1], strides = [1]} : vector<16xi32> to vector<1xi32>
        %squeeze3A_244 = vector.extract %slice3A_243[0] : i32 from vector<1xi32>
        %min3A_245 = arith.constant 128 : i32
        %min3A_246 = arith.minsi %squeeze3A_234, %min3A_245 : i32
        %add3A_247 = arith.addi %squeeze3A_244, %min3A_246 : i32
        %broadcast_in_dim3A_248 = arith.constant 0.000000e+00 : f32
        %broadcast_in_dim3A_249 = vector.broadcast %broadcast_in_dim3A_248 : f32 to vector<16xf32>
        %broadcast_in_dim3A_250 = arith.constant 0.000000e+00 : f32
        %broadcast_in_dim3A_251 = vector.broadcast %broadcast_in_dim3A_250 : f32 to vector<16xf32>
        %broadcast_in_dim3A_252 = arith.constant 0.000000e+00 : f32
        %broadcast_in_dim3A_253 = vector.broadcast %broadcast_in_dim3A_252 : f32 to vector<16xf32>
        %broadcast_in_dim3A_254 = arith.constant 0.000000e+00 : f32
        %broadcast_in_dim3A_255 = vector.broadcast %broadcast_in_dim3A_254 : f32 to vector<16xf32>
        %broadcast_in_dim3A_256 = arith.constant 0.000000e+00 : f32
        %broadcast_in_dim3A_257 = vector.broadcast %broadcast_in_dim3A_256 : f32 to vector<16xf32>
        %broadcast_in_dim3A_258 = arith.constant 0.000000e+00 : f32
        %broadcast_in_dim3A_259 = vector.broadcast %broadcast_in_dim3A_258 : f32 to vector<16xf32>
        %broadcast_in_dim3A_260 = arith.constant 0.000000e+00 : f32
        %broadcast_in_dim3A_261 = vector.broadcast %broadcast_in_dim3A_260 : f32 to vector<16xf32>
        %broadcast_in_dim3A_262 = arith.constant 0.000000e+00 : f32
        %broadcast_in_dim3A_263 = vector.broadcast %broadcast_in_dim3A_262 : f32 to vector<16xf32>
        %broadcast_in_dim3A_264 = arith.constant 0.000000e+00 : f32
        %broadcast_in_dim3A_265 = vector.broadcast %broadcast_in_dim3A_264 : f32 to vector<16xf32>
        %broadcast_in_dim3A_266 = arith.constant 0.000000e+00 : f32
        %broadcast_in_dim3A_267 = vector.broadcast %broadcast_in_dim3A_266 : f32 to vector<16xf32>
        %broadcast_in_dim3A_268 = arith.constant 0.000000e+00 : f32
        %broadcast_in_dim3A_269 = vector.broadcast %broadcast_in_dim3A_268 : f32 to vector<16xf32>
        %broadcast_in_dim3A_270 = arith.constant 0.000000e+00 : f32
        %broadcast_in_dim3A_271 = vector.broadcast %broadcast_in_dim3A_270 : f32 to vector<16xf32>
        %broadcast_in_dim3A_272 = arith.constant 0.000000e+00 : f32
        %broadcast_in_dim3A_273 = vector.broadcast %broadcast_in_dim3A_272 : f32 to vector<16xf32>
        %broadcast_in_dim3A_274 = arith.constant 0.000000e+00 : f32
        %broadcast_in_dim3A_275 = vector.broadcast %broadcast_in_dim3A_274 : f32 to vector<16xf32>
        %broadcast_in_dim3A_276 = arith.constant 0.000000e+00 : f32
        %broadcast_in_dim3A_277 = vector.broadcast %broadcast_in_dim3A_276 : f32 to vector<16xf32>
        %broadcast_in_dim3A_278 = arith.constant 0.000000e+00 : f32
        %broadcast_in_dim3A_279 = vector.broadcast %broadcast_in_dim3A_278 : f32 to vector<16xf32>
        %while3A = arith.subi %add3A_247, %squeeze3A_244 : i32
        %while3A_280 = arith.addi %squeeze3A_244, %while3A : i32
        %while3A_281 = arith.constant 1 : i32
        %while3A_282 = arith.divsi %while3A, %while3A_281 : i32
        %while3A_283 = arith.muli %while3A_282, %while3A_281 : i32
        %while3A_284 = arith.addi %squeeze3A_244, %while3A_283 : i32
        %while3A_285 = arith.constant 1 : i32
        %while3A_286:16 = scf.for %while3A_389 = %squeeze3A_244 to %while3A_284 step %while3A_285 iter_args(%while3A_390 = %broadcast_in_dim3A_249, %while3A_391 = %broadcast_in_dim3A_251, %while3A_392 = %broadcast_in_dim3A_253, %while3A_393 = %broadcast_in_dim3A_255, %while3A_394 = %broadcast_in_dim3A_257, %while3A_395 = %broadcast_in_dim3A_259, %while3A_396 = %broadcast_in_dim3A_261, %while3A_397 = %broadcast_in_dim3A_263, %while3A_398 = %broadcast_in_dim3A_265, %while3A_399 = %broadcast_in_dim3A_267, %while3A_400 = %broadcast_in_dim3A_269, %while3A_401 = %broadcast_in_dim3A_271, %while3A_402 = %broadcast_in_dim3A_273, %while3A_403 = %broadcast_in_dim3A_275, %while3A_404 = %broadcast_in_dim3A_277, %while3A_405 = %broadcast_in_dim3A_279) -> (vector<16xf32>, vector<16xf32>, vector<16xf32>, vector<16xf32>, vector<16xf32>, vector<16xf32>, vector<16xf32>, vector<16xf32>, vector<16xf32>, vector<16xf32>, vector<16xf32>, vector<16xf32>, vector<16xf32>, vector<16xf32>, vector<16xf32>, vector<16xf32>)  : i32 {
          %sub3A_406 = arith.subi %while3A_389, %min3A_5 : i32
          %mul3A_407 = arith.constant 256 : i32
          %mul3A_408 = arith.muli %sub3A_406, %mul3A_407 : i32
          %add3A_409 = arith.constant 0 : i32
          %add3A_410 = arith.addi %mul3A_408, %add3A_409 : i32
          %get3A_411 = arith.index_cast %add3A_410 : i32 to index
          %get3A_412 = tpu.vector_load %arg6[%get3A_411] {strides = array<i32>} : memref<65536xf32, #tpu.memory_space<vmem>>, vector<16xf32>,
          %get3A_413 = vector.shape_cast %get3A_412 : vector<16xf32> to vector<16xf32>
          %add3A_414 = arith.addf %while3A_390, %get3A_413 : vector<16xf32>
          %add3A_415 = arith.constant 16 : i32
          %add3A_416 = arith.addi %mul3A_408, %add3A_415 : i32
          %get3A_417 = arith.index_cast %add3A_416 : i32 to index
          %get3A_418 = tpu.vector_load %arg6[%get3A_417] {strides = array<i32>} : memref<65536xf32, #tpu.memory_space<vmem>>, vector<16xf32>,
          %get3A_419 = vector.shape_cast %get3A_418 : vector<16xf32> to vector<16xf32>
          %add3A_420 = arith.addf %while3A_391, %get3A_419 : vector<16xf32>
          %add3A_421 = arith.constant 32 : i32
          %add3A_422 = arith.addi %mul3A_408, %add3A_421 : i32
          %get3A_423 = arith.index_cast %add3A_422 : i32 to index
          %get3A_424 = tpu.vector_load %arg6[%get3A_423] {strides = array<i32>} : memref<65536xf32, #tpu.memory_space<vmem>>, vector<16xf32>,
          %get3A_425 = vector.shape_cast %get3A_424 : vector<16xf32> to vector<16xf32>
          %add3A_426 = arith.addf %while3A_392, %get3A_425 : vector<16xf32>
          %add3A_427 = arith.constant 48 : i32
          %add3A_428 = arith.addi %mul3A_408, %add3A_427 : i32
          %get3A_429 = arith.index_cast %add3A_428 : i32 to index
          %get3A_430 = tpu.vector_load %arg6[%get3A_429] {strides = array<i32>} : memref<65536xf32, #tpu.memory_space<vmem>>, vector<16xf32>,
          %get3A_431 = vector.shape_cast %get3A_430 : vector<16xf32> to vector<16xf32>
          %add3A_432 = arith.addf %while3A_393, %get3A_431 : vector<16xf32>
          %add3A_433 = arith.constant 64 : i32
          %add3A_434 = arith.addi %mul3A_408, %add3A_433 : i32
          %get3A_435 = arith.index_cast %add3A_434 : i32 to index
          %get3A_436 = tpu.vector_load %arg6[%get3A_435] {strides = array<i32>} : memref<65536xf32, #tpu.memory_space<vmem>>, vector<16xf32>,
          %get3A_437 = vector.shape_cast %get3A_436 : vector<16xf32> to vector<16xf32>
          %add3A_438 = arith.addf %while3A_394, %get3A_437 : vector<16xf32>
          %add3A_439 = arith.constant 80 : i32
          %add3A_440 = arith.addi %mul3A_408, %add3A_439 : i32
          %get3A_441 = arith.index_cast %add3A_440 : i32 to index
          %get3A_442 = tpu.vector_load %arg6[%get3A_441] {strides = array<i32>} : memref<65536xf32, #tpu.memory_space<vmem>>, vector<16xf32>,
          %get3A_443 = vector.shape_cast %get3A_442 : vector<16xf32> to vector<16xf32>
          %add3A_444 = arith.addf %while3A_395, %get3A_443 : vector<16xf32>
          %add3A_445 = arith.constant 96 : i32
          %add3A_446 = arith.addi %mul3A_408, %add3A_445 : i32
          %get3A_447 = arith.index_cast %add3A_446 : i32 to index
          %get3A_448 = tpu.vector_load %arg6[%get3A_447] {strides = array<i32>} : memref<65536xf32, #tpu.memory_space<vmem>>, vector<16xf32>,
          %get3A_449 = vector.shape_cast %get3A_448 : vector<16xf32> to vector<16xf32>
          %add3A_450 = arith.addf %while3A_396, %get3A_449 : vector<16xf32>
          %add3A_451 = arith.constant 112 : i32
          %add3A_452 = arith.addi %mul3A_408, %add3A_451 : i32
          %get3A_453 = arith.index_cast %add3A_452 : i32 to index
          %get3A_454 = tpu.vector_load %arg6[%get3A_453] {strides = array<i32>} : memref<65536xf32, #tpu.memory_space<vmem>>, vector<16xf32>,
          %get3A_455 = vector.shape_cast %get3A_454 : vector<16xf32> to vector<16xf32>
          %add3A_456 = arith.addf %while3A_397, %get3A_455 : vector<16xf32>
          %add3A_457 = arith.constant 128 : i32
          %add3A_458 = arith.addi %mul3A_408, %add3A_457 : i32
          %get3A_459 = arith.index_cast %add3A_458 : i32 to index
          %get3A_460 = tpu.vector_load %arg6[%get3A_459] {strides = array<i32>} : memref<65536xf32, #tpu.memory_space<vmem>>, vector<16xf32>,
          %get3A_461 = vector.shape_cast %get3A_460 : vector<16xf32> to vector<16xf32>
          %add3A_462 = arith.addf %while3A_398, %get3A_461 : vector<16xf32>
          %add3A_463 = arith.constant 144 : i32
          %add3A_464 = arith.addi %mul3A_408, %add3A_463 : i32
          %get3A_465 = arith.index_cast %add3A_464 : i32 to index
          %get3A_466 = tpu.vector_load %arg6[%get3A_465] {strides = array<i32>} : memref<65536xf32, #tpu.memory_space<vmem>>, vector<16xf32>,
          %get3A_467 = vector.shape_cast %get3A_466 : vector<16xf32> to vector<16xf32>
          %add3A_468 = arith.addf %while3A_399, %get3A_467 : vector<16xf32>
          %add3A_469 = arith.constant 160 : i32
          %add3A_470 = arith.addi %mul3A_408, %add3A_469 : i32
          %get3A_471 = arith.index_cast %add3A_470 : i32 to index
          %get3A_472 = tpu.vector_load %arg6[%get3A_471] {strides = array<i32>} : memref<65536xf32, #tpu.memory_space<vmem>>, vector<16xf32>,
          %get3A_473 = vector.shape_cast %get3A_472 : vector<16xf32> to vector<16xf32>
          %add3A_474 = arith.addf %while3A_400, %get3A_473 : vector<16xf32>
          %add3A_475 = arith.constant 176 : i32
          %add3A_476 = arith.addi %mul3A_408, %add3A_475 : i32
          %get3A_477 = arith.index_cast %add3A_476 : i32 to index
          %get3A_478 = tpu.vector_load %arg6[%get3A_477] {strides = array<i32>} : memref<65536xf32, #tpu.memory_space<vmem>>, vector<16xf32>,
          %get3A_479 = vector.shape_cast %get3A_478 : vector<16xf32> to vector<16xf32>
          %add3A_480 = arith.addf %while3A_401, %get3A_479 : vector<16xf32>
          %add3A_481 = arith.constant 192 : i32
          %add3A_482 = arith.addi %mul3A_408, %add3A_481 : i32
          %get3A_483 = arith.index_cast %add3A_482 : i32 to index
          %get3A_484 = tpu.vector_load %arg6[%get3A_483] {strides = array<i32>} : memref<65536xf32, #tpu.memory_space<vmem>>, vector<16xf32>,
          %get3A_485 = vector.shape_cast %get3A_484 : vector<16xf32> to vector<16xf32>
          %add3A_486 = arith.addf %while3A_402, %get3A_485 : vector<16xf32>
          %add3A_487 = arith.constant 208 : i32
          %add3A_488 = arith.addi %mul3A_408, %add3A_487 : i32
          %get3A_489 = arith.index_cast %add3A_488 : i32 to index
          %get3A_490 = tpu.vector_load %arg6[%get3A_489] {strides = array<i32>} : memref<65536xf32, #tpu.memory_space<vmem>>, vector<16xf32>,
          %get3A_491 = vector.shape_cast %get3A_490 : vector<16xf32> to vector<16xf32>
          %add3A_492 = arith.addf %while3A_403, %get3A_491 : vector<16xf32>
          %add3A_493 = arith.constant 224 : i32
          %add3A_494 = arith.addi %mul3A_408, %add3A_493 : i32
          %get3A_495 = arith.index_cast %add3A_494 : i32 to index
          %get3A_496 = tpu.vector_load %arg6[%get3A_495] {strides = array<i32>} : memref<65536xf32, #tpu.memory_space<vmem>>, vector<16xf32>,
          %get3A_497 = vector.shape_cast %get3A_496 : vector<16xf32> to vector<16xf32>
          %add3A_498 = arith.addf %while3A_404, %get3A_497 : vector<16xf32>
          %add3A_499 = arith.constant 240 : i32
          %add3A_500 = arith.addi %mul3A_408, %add3A_499 : i32
          %get3A_501 = arith.index_cast %add3A_500 : i32 to index
          %get3A_502 = tpu.vector_load %arg6[%get3A_501] {strides = array<i32>} : memref<65536xf32, #tpu.memory_space<vmem>>, vector<16xf32>,
          %get3A_503 = vector.shape_cast %get3A_502 : vector<16xf32> to vector<16xf32>
          %add3A_504 = arith.addf %while3A_405, %get3A_503 : vector<16xf32>
          scf.yield %add3A_414, %add3A_420, %add3A_426, %add3A_432, %add3A_438, %add3A_444, %add3A_450, %add3A_456, %add3A_462, %add3A_468, %add3A_474, %add3A_480, %add3A_486, %add3A_492, %add3A_498, %add3A_504 : vector<16xf32>, vector<16xf32>, vector<16xf32>, vector<16xf32>, vector<16xf32>, vector<16xf32>, vector<16xf32>, vector<16xf32>, vector<16xf32>, vector<16xf32>, vector<16xf32>, vector<16xf32>, vector<16xf32>, vector<16xf32>, vector<16xf32>, vector<16xf32>
        }
        %while3A_287 = arith.constant 1 : i32
        %while3A_288:16 = scf.for %while3A_389 = %while3A_284 to %while3A_280 step %while3A_287 iter_args(%while3A_390 = %while3A_286#0, %while3A_391 = %while3A_286#1, %while3A_392 = %while3A_286#2, %while3A_393 = %while3A_286#3, %while3A_394 = %while3A_286#4, %while3A_395 = %while3A_286#5, %while3A_396 = %while3A_286#6, %while3A_397 = %while3A_286#7, %while3A_398 = %while3A_286#8, %while3A_399 = %while3A_286#9, %while3A_400 = %while3A_286#10, %while3A_401 = %while3A_286#11, %while3A_402 = %while3A_286#12, %while3A_403 = %while3A_286#13, %while3A_404 = %while3A_286#14, %while3A_405 = %while3A_286#15) -> (vector<16xf32>, vector<16xf32>, vector<16xf32>, vector<16xf32>, vector<16xf32>, vector<16xf32>, vector<16xf32>, vector<16xf32>, vector<16xf32>, vector<16xf32>, vector<16xf32>, vector<16xf32>, vector<16xf32>, vector<16xf32>, vector<16xf32>, vector<16xf32>)  : i32 {
          %sub3A_406 = arith.subi %while3A_389, %min3A_5 : i32
          %mul3A_407 = arith.constant 256 : i32
          %mul3A_408 = arith.muli %sub3A_406, %mul3A_407 : i32
          %add3A_409 = arith.constant 0 : i32
          %add3A_410 = arith.addi %mul3A_408, %add3A_409 : i32
          %get3A_411 = arith.index_cast %add3A_410 : i32 to index
          %get3A_412 = tpu.vector_load %arg6[%get3A_411] {strides = array<i32>} : memref<65536xf32, #tpu.memory_space<vmem>>, vector<16xf32>,
          %get3A_413 = vector.shape_cast %get3A_412 : vector<16xf32> to vector<16xf32>
          %add3A_414 = arith.addf %while3A_390, %get3A_413 : vector<16xf32>
          %add3A_415 = arith.constant 16 : i32
          %add3A_416 = arith.addi %mul3A_408, %add3A_415 : i32
          %get3A_417 = arith.index_cast %add3A_416 : i32 to index
          %get3A_418 = tpu.vector_load %arg6[%get3A_417] {strides = array<i32>} : memref<65536xf32, #tpu.memory_space<vmem>>, vector<16xf32>,
          %get3A_419 = vector.shape_cast %get3A_418 : vector<16xf32> to vector<16xf32>
          %add3A_420 = arith.addf %while3A_391, %get3A_419 : vector<16xf32>
          %add3A_421 = arith.constant 32 : i32
          %add3A_422 = arith.addi %mul3A_408, %add3A_421 : i32
          %get3A_423 = arith.index_cast %add3A_422 : i32 to index
          %get3A_424 = tpu.vector_load %arg6[%get3A_423] {strides = array<i32>} : memref<65536xf32, #tpu.memory_space<vmem>>, vector<16xf32>,
          %get3A_425 = vector.shape_cast %get3A_424 : vector<16xf32> to vector<16xf32>
          %add3A_426 = arith.addf %while3A_392, %get3A_425 : vector<16xf32>
          %add3A_427 = arith.constant 48 : i32
          %add3A_428 = arith.addi %mul3A_408, %add3A_427 : i32
          %get3A_429 = arith.index_cast %add3A_428 : i32 to index
          %get3A_430 = tpu.vector_load %arg6[%get3A_429] {strides = array<i32>} : memref<65536xf32, #tpu.memory_space<vmem>>, vector<16xf32>,
          %get3A_431 = vector.shape_cast %get3A_430 : vector<16xf32> to vector<16xf32>
          %add3A_432 = arith.addf %while3A_393, %get3A_431 : vector<16xf32>
          %add3A_433 = arith.constant 64 : i32
          %add3A_434 = arith.addi %mul3A_408, %add3A_433 : i32
          %get3A_435 = arith.index_cast %add3A_434 : i32 to index
          %get3A_436 = tpu.vector_load %arg6[%get3A_435] {strides = array<i32>} : memref<65536xf32, #tpu.memory_space<vmem>>, vector<16xf32>,
          %get3A_437 = vector.shape_cast %get3A_436 : vector<16xf32> to vector<16xf32>
          %add3A_438 = arith.addf %while3A_394, %get3A_437 : vector<16xf32>
          %add3A_439 = arith.constant 80 : i32
          %add3A_440 = arith.addi %mul3A_408, %add3A_439 : i32
          %get3A_441 = arith.index_cast %add3A_440 : i32 to index
          %get3A_442 = tpu.vector_load %arg6[%get3A_441] {strides = array<i32>} : memref<65536xf32, #tpu.memory_space<vmem>>, vector<16xf32>,
          %get3A_443 = vector.shape_cast %get3A_442 : vector<16xf32> to vector<16xf32>
          %add3A_444 = arith.addf %while3A_395, %get3A_443 : vector<16xf32>
          %add3A_445 = arith.constant 96 : i32
          %add3A_446 = arith.addi %mul3A_408, %add3A_445 : i32
          %get3A_447 = arith.index_cast %add3A_446 : i32 to index
          %get3A_448 = tpu.vector_load %arg6[%get3A_447] {strides = array<i32>} : memref<65536xf32, #tpu.memory_space<vmem>>, vector<16xf32>,
          %get3A_449 = vector.shape_cast %get3A_448 : vector<16xf32> to vector<16xf32>
          %add3A_450 = arith.addf %while3A_396, %get3A_449 : vector<16xf32>
          %add3A_451 = arith.constant 112 : i32
          %add3A_452 = arith.addi %mul3A_408, %add3A_451 : i32
          %get3A_453 = arith.index_cast %add3A_452 : i32 to index
          %get3A_454 = tpu.vector_load %arg6[%get3A_453] {strides = array<i32>} : memref<65536xf32, #tpu.memory_space<vmem>>, vector<16xf32>,
          %get3A_455 = vector.shape_cast %get3A_454 : vector<16xf32> to vector<16xf32>
          %add3A_456 = arith.addf %while3A_397, %get3A_455 : vector<16xf32>
          %add3A_457 = arith.constant 128 : i32
          %add3A_458 = arith.addi %mul3A_408, %add3A_457 : i32
          %get3A_459 = arith.index_cast %add3A_458 : i32 to index
          %get3A_460 = tpu.vector_load %arg6[%get3A_459] {strides = array<i32>} : memref<65536xf32, #tpu.memory_space<vmem>>, vector<16xf32>,
          %get3A_461 = vector.shape_cast %get3A_460 : vector<16xf32> to vector<16xf32>
          %add3A_462 = arith.addf %while3A_398, %get3A_461 : vector<16xf32>
          %add3A_463 = arith.constant 144 : i32
          %add3A_464 = arith.addi %mul3A_408, %add3A_463 : i32
          %get3A_465 = arith.index_cast %add3A_464 : i32 to index
          %get3A_466 = tpu.vector_load %arg6[%get3A_465] {strides = array<i32>} : memref<65536xf32, #tpu.memory_space<vmem>>, vector<16xf32>,
          %get3A_467 = vector.shape_cast %get3A_466 : vector<16xf32> to vector<16xf32>
          %add3A_468 = arith.addf %while3A_399, %get3A_467 : vector<16xf32>
          %add3A_469 = arith.constant 160 : i32
          %add3A_470 = arith.addi %mul3A_408, %add3A_469 : i32
          %get3A_471 = arith.index_cast %add3A_470 : i32 to index
          %get3A_472 = tpu.vector_load %arg6[%get3A_471] {strides = array<i32>} : memref<65536xf32, #tpu.memory_space<vmem>>, vector<16xf32>,
          %get3A_473 = vector.shape_cast %get3A_472 : vector<16xf32> to vector<16xf32>
          %add3A_474 = arith.addf %while3A_400, %get3A_473 : vector<16xf32>
          %add3A_475 = arith.constant 176 : i32
          %add3A_476 = arith.addi %mul3A_408, %add3A_475 : i32
          %get3A_477 = arith.index_cast %add3A_476 : i32 to index
          %get3A_478 = tpu.vector_load %arg6[%get3A_477] {strides = array<i32>} : memref<65536xf32, #tpu.memory_space<vmem>>, vector<16xf32>,
          %get3A_479 = vector.shape_cast %get3A_478 : vector<16xf32> to vector<16xf32>
          %add3A_480 = arith.addf %while3A_401, %get3A_479 : vector<16xf32>
          %add3A_481 = arith.constant 192 : i32
          %add3A_482 = arith.addi %mul3A_408, %add3A_481 : i32
          %get3A_483 = arith.index_cast %add3A_482 : i32 to index
          %get3A_484 = tpu.vector_load %arg6[%get3A_483] {strides = array<i32>} : memref<65536xf32, #tpu.memory_space<vmem>>, vector<16xf32>,
          %get3A_485 = vector.shape_cast %get3A_484 : vector<16xf32> to vector<16xf32>
          %add3A_486 = arith.addf %while3A_402, %get3A_485 : vector<16xf32>
          %add3A_487 = arith.constant 208 : i32
          %add3A_488 = arith.addi %mul3A_408, %add3A_487 : i32
          %get3A_489 = arith.index_cast %add3A_488 : i32 to index
          %get3A_490 = tpu.vector_load %arg6[%get3A_489] {strides = array<i32>} : memref<65536xf32, #tpu.memory_space<vmem>>, vector<16xf32>,
          %get3A_491 = vector.shape_cast %get3A_490 : vector<16xf32> to vector<16xf32>
          %add3A_492 = arith.addf %while3A_403, %get3A_491 : vector<16xf32>
          %add3A_493 = arith.constant 224 : i32
          %add3A_494 = arith.addi %mul3A_408, %add3A_493 : i32
          %get3A_495 = arith.index_cast %add3A_494 : i32 to index
          %get3A_496 = tpu.vector_load %arg6[%get3A_495] {strides = array<i32>} : memref<65536xf32, #tpu.memory_space<vmem>>, vector<16xf32>,
          %get3A_497 = vector.shape_cast %get3A_496 : vector<16xf32> to vector<16xf32>
          %add3A_498 = arith.addf %while3A_404, %get3A_497 : vector<16xf32>
          %add3A_499 = arith.constant 240 : i32
          %add3A_500 = arith.addi %mul3A_408, %add3A_499 : i32
          %get3A_501 = arith.index_cast %add3A_500 : i32 to index
          %get3A_502 = tpu.vector_load %arg6[%get3A_501] {strides = array<i32>} : memref<65536xf32, #tpu.memory_space<vmem>>, vector<16xf32>,
          %get3A_503 = vector.shape_cast %get3A_502 : vector<16xf32> to vector<16xf32>
          %add3A_504 = arith.addf %while3A_405, %get3A_503 : vector<16xf32>
          scf.yield %add3A_414, %add3A_420, %add3A_426, %add3A_432, %add3A_438, %add3A_444, %add3A_450, %add3A_456, %add3A_462, %add3A_468, %add3A_474, %add3A_480, %add3A_486, %add3A_492, %add3A_498, %add3A_504 : vector<16xf32>, vector<16xf32>, vector<16xf32>, vector<16xf32>, vector<16xf32>, vector<16xf32>, vector<16xf32>, vector<16xf32>, vector<16xf32>, vector<16xf32>, vector<16xf32>, vector<16xf32>, vector<16xf32>, vector<16xf32>, vector<16xf32>, vector<16xf32>
        }
        %convert_element_type3A_289 = arith.sitofp %min3A_246 : i32 to f32
        %broadcast_in_dim3A_290 = vector.broadcast %convert_element_type3A_289 : f32 to vector<16xf32>
        %div3A = arith.constant 1.000000e+00 : f32
        %div3A_291 = vector.broadcast %div3A : f32 to vector<16xf32>
        %div3A_292 = arith.divf %div3A_291, %broadcast_in_dim3A_290 : vector<16xf32>
        %mul3A_293 = arith.mulf %while3A_288#0, %div3A_292 : vector<16xf32>
        %swap3A_294 = arith.index_cast %scan3A_229 : i32 to index
        %swap3A_295 = arith.constant 0 : index
        %swap3A_296 = tpu.vector_load %arg7[%swap3A_294, %swap3A_295] {strides = array<i32>} : memref<128x256xf32, #tpu.memory_space<vmem>>, vector<1x16xf32>,
        %swap3A_297 = vector.shape_cast %swap3A_296 : vector<1x16xf32> to vector<16xf32>
        %swap3A_298 = vector.shape_cast %mul3A_293 : vector<16xf32> to vector<1x16xf32>
        tpu.vector_store %arg7[%swap3A_294, %swap3A_295], %swap3A_298 {strides = array<i32>} : memref<128x256xf32, #tpu.memory_space<vmem>>, vector<1x16xf32>,
        %mul3A_299 = arith.mulf %while3A_288#1, %div3A_292 : vector<16xf32>
        %swap3A_300 = arith.index_cast %scan3A_229 : i32 to index
        %swap3A_301 = arith.constant 16 : index
        %swap3A_302 = tpu.vector_load %arg7[%swap3A_300, %swap3A_301] {strides = array<i32>} : memref<128x256xf32, #tpu.memory_space<vmem>>, vector<1x16xf32>,
        %swap3A_303 = vector.shape_cast %swap3A_302 : vector<1x16xf32> to vector<16xf32>
        %swap3A_304 = vector.shape_cast %mul3A_299 : vector<16xf32> to vector<1x16xf32>
        tpu.vector_store %arg7[%swap3A_300, %swap3A_301], %swap3A_304 {strides = array<i32>} : memref<128x256xf32, #tpu.memory_space<vmem>>, vector<1x16xf32>,
        %mul3A_305 = arith.mulf %while3A_288#2, %div3A_292 : vector<16xf32>
        %swap3A_306 = arith.index_cast %scan3A_229 : i32 to index
        %swap3A_307 = arith.constant 32 : index
        %swap3A_308 = tpu.vector_load %arg7[%swap3A_306, %swap3A_307] {strides = array<i32>} : memref<128x256xf32, #tpu.memory_space<vmem>>, vector<1x16xf32>,
        %swap3A_309 = vector.shape_cast %swap3A_308 : vector<1x16xf32> to vector<16xf32>
        %swap3A_310 = vector.shape_cast %mul3A_305 : vector<16xf32> to vector<1x16xf32>
        tpu.vector_store %arg7[%swap3A_306, %swap3A_307], %swap3A_310 {strides = array<i32>} : memref<128x256xf32, #tpu.memory_space<vmem>>, vector<1x16xf32>,
        %mul3A_311 = arith.mulf %while3A_288#3, %div3A_292 : vector<16xf32>
        %swap3A_312 = arith.index_cast %scan3A_229 : i32 to index
        %swap3A_313 = arith.constant 48 : index
        %swap3A_314 = tpu.vector_load %arg7[%swap3A_312, %swap3A_313] {strides = array<i32>} : memref<128x256xf32, #tpu.memory_space<vmem>>, vector<1x16xf32>,
        %swap3A_315 = vector.shape_cast %swap3A_314 : vector<1x16xf32> to vector<16xf32>
        %swap3A_316 = vector.shape_cast %mul3A_311 : vector<16xf32> to vector<1x16xf32>
        tpu.vector_store %arg7[%swap3A_312, %swap3A_313], %swap3A_316 {strides = array<i32>} : memref<128x256xf32, #tpu.memory_space<vmem>>, vector<1x16xf32>,
        %mul3A_317 = arith.mulf %while3A_288#4, %div3A_292 : vector<16xf32>
        %swap3A_318 = arith.index_cast %scan3A_229 : i32 to index
        %swap3A_319 = arith.constant 64 : index
        %swap3A_320 = tpu.vector_load %arg7[%swap3A_318, %swap3A_319] {strides = array<i32>} : memref<128x256xf32, #tpu.memory_space<vmem>>, vector<1x16xf32>,
        %swap3A_321 = vector.shape_cast %swap3A_320 : vector<1x16xf32> to vector<16xf32>
        %swap3A_322 = vector.shape_cast %mul3A_317 : vector<16xf32> to vector<1x16xf32>
        tpu.vector_store %arg7[%swap3A_318, %swap3A_319], %swap3A_322 {strides = array<i32>} : memref<128x256xf32, #tpu.memory_space<vmem>>, vector<1x16xf32>,
        %mul3A_323 = arith.mulf %while3A_288#5, %div3A_292 : vector<16xf32>
        %swap3A_324 = arith.index_cast %scan3A_229 : i32 to index
        %swap3A_325 = arith.constant 80 : index
        %swap3A_326 = tpu.vector_load %arg7[%swap3A_324, %swap3A_325] {strides = array<i32>} : memref<128x256xf32, #tpu.memory_space<vmem>>, vector<1x16xf32>,
        %swap3A_327 = vector.shape_cast %swap3A_326 : vector<1x16xf32> to vector<16xf32>
        %swap3A_328 = vector.shape_cast %mul3A_323 : vector<16xf32> to vector<1x16xf32>
        tpu.vector_store %arg7[%swap3A_324, %swap3A_325], %swap3A_328 {strides = array<i32>} : memref<128x256xf32, #tpu.memory_space<vmem>>, vector<1x16xf32>,
        %mul3A_329 = arith.mulf %while3A_288#6, %div3A_292 : vector<16xf32>
        %swap3A_330 = arith.index_cast %scan3A_229 : i32 to index
        %swap3A_331 = arith.constant 96 : index
        %swap3A_332 = tpu.vector_load %arg7[%swap3A_330, %swap3A_331] {strides = array<i32>} : memref<128x256xf32, #tpu.memory_space<vmem>>, vector<1x16xf32>,
        %swap3A_333 = vector.shape_cast %swap3A_332 : vector<1x16xf32> to vector<16xf32>
        %swap3A_334 = vector.shape_cast %mul3A_329 : vector<16xf32> to vector<1x16xf32>
        tpu.vector_store %arg7[%swap3A_330, %swap3A_331], %swap3A_334 {strides = array<i32>} : memref<128x256xf32, #tpu.memory_space<vmem>>, vector<1x16xf32>,
        %mul3A_335 = arith.mulf %while3A_288#7, %div3A_292 : vector<16xf32>
        %swap3A_336 = arith.index_cast %scan3A_229 : i32 to index
        %swap3A_337 = arith.constant 112 : index
        %swap3A_338 = tpu.vector_load %arg7[%swap3A_336, %swap3A_337] {strides = array<i32>} : memref<128x256xf32, #tpu.memory_space<vmem>>, vector<1x16xf32>,
        %swap3A_339 = vector.shape_cast %swap3A_338 : vector<1x16xf32> to vector<16xf32>
        %swap3A_340 = vector.shape_cast %mul3A_335 : vector<16xf32> to vector<1x16xf32>
        tpu.vector_store %arg7[%swap3A_336, %swap3A_337], %swap3A_340 {strides = array<i32>} : memref<128x256xf32, #tpu.memory_space<vmem>>, vector<1x16xf32>,
        %mul3A_341 = arith.mulf %while3A_288#8, %div3A_292 : vector<16xf32>
        %swap3A_342 = arith.index_cast %scan3A_229 : i32 to index
        %swap3A_343 = arith.constant 128 : index
        %swap3A_344 = tpu.vector_load %arg7[%swap3A_342, %swap3A_343] {strides = array<i32>} : memref<128x256xf32, #tpu.memory_space<vmem>>, vector<1x16xf32>,
        %swap3A_345 = vector.shape_cast %swap3A_344 : vector<1x16xf32> to vector<16xf32>
        %swap3A_346 = vector.shape_cast %mul3A_341 : vector<16xf32> to vector<1x16xf32>
        tpu.vector_store %arg7[%swap3A_342, %swap3A_343], %swap3A_346 {strides = array<i32>} : memref<128x256xf32, #tpu.memory_space<vmem>>, vector<1x16xf32>,
        %mul3A_347 = arith.mulf %while3A_288#9, %div3A_292 : vector<16xf32>
        %swap3A_348 = arith.index_cast %scan3A_229 : i32 to index
        %swap3A_349 = arith.constant 144 : index
        %swap3A_350 = tpu.vector_load %arg7[%swap3A_348, %swap3A_349] {strides = array<i32>} : memref<128x256xf32, #tpu.memory_space<vmem>>, vector<1x16xf32>,
        %swap3A_351 = vector.shape_cast %swap3A_350 : vector<1x16xf32> to vector<16xf32>
        %swap3A_352 = vector.shape_cast %mul3A_347 : vector<16xf32> to vector<1x16xf32>
        tpu.vector_store %arg7[%swap3A_348, %swap3A_349], %swap3A_352 {strides = array<i32>} : memref<128x256xf32, #tpu.memory_space<vmem>>, vector<1x16xf32>,
        %mul3A_353 = arith.mulf %while3A_288#10, %div3A_292 : vector<16xf32>
        %swap3A_354 = arith.index_cast %scan3A_229 : i32 to index
        %swap3A_355 = arith.constant 160 : index
        %swap3A_356 = tpu.vector_load %arg7[%swap3A_354, %swap3A_355] {strides = array<i32>} : memref<128x256xf32, #tpu.memory_space<vmem>>, vector<1x16xf32>,
        %swap3A_357 = vector.shape_cast %swap3A_356 : vector<1x16xf32> to vector<16xf32>
        %swap3A_358 = vector.shape_cast %mul3A_353 : vector<16xf32> to vector<1x16xf32>
        tpu.vector_store %arg7[%swap3A_354, %swap3A_355], %swap3A_358 {strides = array<i32>} : memref<128x256xf32, #tpu.memory_space<vmem>>, vector<1x16xf32>,
        %mul3A_359 = arith.mulf %while3A_288#11, %div3A_292 : vector<16xf32>
        %swap3A_360 = arith.index_cast %scan3A_229 : i32 to index
        %swap3A_361 = arith.constant 176 : index
        %swap3A_362 = tpu.vector_load %arg7[%swap3A_360, %swap3A_361] {strides = array<i32>} : memref<128x256xf32, #tpu.memory_space<vmem>>, vector<1x16xf32>,
        %swap3A_363 = vector.shape_cast %swap3A_362 : vector<1x16xf32> to vector<16xf32>
        %swap3A_364 = vector.shape_cast %mul3A_359 : vector<16xf32> to vector<1x16xf32>
        tpu.vector_store %arg7[%swap3A_360, %swap3A_361], %swap3A_364 {strides = array<i32>} : memref<128x256xf32, #tpu.memory_space<vmem>>, vector<1x16xf32>,
        %mul3A_365 = arith.mulf %while3A_288#12, %div3A_292 : vector<16xf32>
        %swap3A_366 = arith.index_cast %scan3A_229 : i32 to index
        %swap3A_367 = arith.constant 192 : index
        %swap3A_368 = tpu.vector_load %arg7[%swap3A_366, %swap3A_367] {strides = array<i32>} : memref<128x256xf32, #tpu.memory_space<vmem>>, vector<1x16xf32>,
        %swap3A_369 = vector.shape_cast %swap3A_368 : vector<1x16xf32> to vector<16xf32>
        %swap3A_370 = vector.shape_cast %mul3A_365 : vector<16xf32> to vector<1x16xf32>
        tpu.vector_store %arg7[%swap3A_366, %swap3A_367], %swap3A_370 {strides = array<i32>} : memref<128x256xf32, #tpu.memory_space<vmem>>, vector<1x16xf32>,
        %mul3A_371 = arith.mulf %while3A_288#13, %div3A_292 : vector<16xf32>
        %swap3A_372 = arith.index_cast %scan3A_229 : i32 to index
        %swap3A_373 = arith.constant 208 : index
        %swap3A_374 = tpu.vector_load %arg7[%swap3A_372, %swap3A_373] {strides = array<i32>} : memref<128x256xf32, #tpu.memory_space<vmem>>, vector<1x16xf32>,
        %swap3A_375 = vector.shape_cast %swap3A_374 : vector<1x16xf32> to vector<16xf32>
        %swap3A_376 = vector.shape_cast %mul3A_371 : vector<16xf32> to vector<1x16xf32>
        tpu.vector_store %arg7[%swap3A_372, %swap3A_373], %swap3A_376 {strides = array<i32>} : memref<128x256xf32, #tpu.memory_space<vmem>>, vector<1x16xf32>,
        %mul3A_377 = arith.mulf %while3A_288#14, %div3A_292 : vector<16xf32>
        %swap3A_378 = arith.index_cast %scan3A_229 : i32 to index
        %swap3A_379 = arith.constant 224 : index
        %swap3A_380 = tpu.vector_load %arg7[%swap3A_378, %swap3A_379] {strides = array<i32>} : memref<128x256xf32, #tpu.memory_space<vmem>>, vector<1x16xf32>,
        %swap3A_381 = vector.shape_cast %swap3A_380 : vector<1x16xf32> to vector<16xf32>
        %swap3A_382 = vector.shape_cast %mul3A_377 : vector<16xf32> to vector<1x16xf32>
        tpu.vector_store %arg7[%swap3A_378, %swap3A_379], %swap3A_382 {strides = array<i32>} : memref<128x256xf32, #tpu.memory_space<vmem>>, vector<1x16xf32>,
        %mul3A_383 = arith.mulf %while3A_288#15, %div3A_292 : vector<16xf32>
        %swap3A_384 = arith.index_cast %scan3A_229 : i32 to index
        %swap3A_385 = arith.constant 240 : index
        %swap3A_386 = tpu.vector_load %arg7[%swap3A_384, %swap3A_385] {strides = array<i32>} : memref<128x256xf32, #tpu.memory_space<vmem>>, vector<1x16xf32>,
        %swap3A_387 = vector.shape_cast %swap3A_386 : vector<1x16xf32> to vector<16xf32>
        %swap3A_388 = vector.shape_cast %mul3A_383 : vector<16xf32> to vector<1x16xf32>
        tpu.vector_store %arg7[%swap3A_384, %swap3A_385], %swap3A_388 {strides = array<i32>} : memref<128x256xf32, #tpu.memory_space<vmem>>, vector<1x16xf32>,
      } else {
      }
    }
    %scan3A_213 = arith.constant 128 : i32
    %gt3A_214 = arith.constant 0 : i32
    %gt3A_215 = arith.cmpi sgt, %scan3A_204#1, %gt3A_214 : i32
    %convert_element_type3A = arith.extui %gt3A_215 : i1 to i32
    %cond3A = arith.constant 0 : i32
    %cond3A_216 = arith.cmpi ne, %convert_element_type3A, %cond3A : i32
    scf.if %cond3A_216 {
      %add3A_217 = arith.constant 256 : i32
      %add3A_218 = arith.addi %mul3A_2, %add3A_217 : i32
      %add3A_219 = arith.constant 256 : i32
      %add3A_220 = arith.addi %mul3A_2, %add3A_219 : i32
      %while3A = arith.constant 4096 : i32
      %while3A_221 = arith.subi %while3A, %add3A_218 : i32
      %while3A_222 = arith.addi %add3A_218, %while3A_221 : i32
      %while3A_223 = arith.constant 1 : i32
      %while3A_224 = arith.divsi %while3A_221, %while3A_223 : i32
      %while3A_225 = arith.muli %while3A_224, %while3A_223 : i32
      %while3A_226 = arith.addi %add3A_218, %while3A_225 : i32
      %while3A_227 = arith.constant 1 : i32
      %while3A_228 = scf.for %while3A_394 = %add3A_218 to %while3A_226 step %while3A_227 iter_args(%while3A_395 = %add3A_220) -> (i32)  : i32 {
        %eq3A_396 = arith.cmpi eq, %while3A_395, %while3A_394 : i32
        %get3A_397 = arith.index_cast %while3A_394 : i32 to index
        %get3A_398 = tpu.vector_load %arg5[%get3A_397] {strides = array<i32>} : memref<4368xi32, #tpu.memory_space<vmem>>, vector<16xi32>,
        %get3A_399 = vector.shape_cast %get3A_398 : vector<16xi32> to vector<16xi32>
        %slice3A_400 = vector.extract_strided_slice %get3A_399 {offsets = [0], sizes = [1], strides = [1]} : vector<16xi32> to vector<1xi32>
        %squeeze3A_401 = vector.extract %slice3A_400[0] : i32 from vector<1xi32>
        %eq3A_402 = arith.cmpi eq, %squeeze3A_401, %scan3A_204#2 : i32
        %and3A_403 = arith.andi %eq3A_396, %eq3A_402 : i1
        %add3A_404 = arith.constant 1 : i32
        %add3A_405 = arith.addi %while3A_394, %add3A_404 : i32
        %select_n3A_406 = arith.select %and3A_403, %add3A_405, %while3A_395 : i32
        scf.yield %select_n3A_406 : i32
      }
      %while3A_229 = arith.constant 1 : i32
      %while3A_230 = scf.for %while3A_394 = %while3A_226 to %while3A_222 step %while3A_229 iter_args(%while3A_395 = %while3A_228) -> (i32)  : i32 {
        %eq3A_396 = arith.cmpi eq, %while3A_395, %while3A_394 : i32
        %get3A_397 = arith.index_cast %while3A_394 : i32 to index
        %get3A_398 = tpu.vector_load %arg5[%get3A_397] {strides = array<i32>} : memref<4368xi32, #tpu.memory_space<vmem>>, vector<16xi32>,
        %get3A_399 = vector.shape_cast %get3A_398 : vector<16xi32> to vector<16xi32>
        %slice3A_400 = vector.extract_strided_slice %get3A_399 {offsets = [0], sizes = [1], strides = [1]} : vector<16xi32> to vector<1xi32>
        %squeeze3A_401 = vector.extract %slice3A_400[0] : i32 from vector<1xi32>
        %eq3A_402 = arith.cmpi eq, %squeeze3A_401, %scan3A_204#2 : i32
        %and3A_403 = arith.andi %eq3A_396, %eq3A_402 : i1
        %add3A_404 = arith.constant 1 : i32
        %add3A_405 = arith.addi %while3A_394, %add3A_404 : i32
        %select_n3A_406 = arith.select %and3A_403, %add3A_405, %while3A_395 : i32
        scf.yield %select_n3A_406 : i32
      }
      %sub3A_231 = arith.constant 256 : i32
      %sub3A_232 = arith.subi %while3A_230, %sub3A_231 : i32
      %max3A_233 = arith.constant 0 : i32
      %max3A_234 = arith.maxsi %sub3A_232, %max3A_233 : i32
      %mul3A_235 = arith.constant 256 : i32
      %mul3A_236 = arith.muli %max3A_234, %mul3A_235 : i32
      "tpu.region"() ({
        %run_scoped3A = tpu.sem_alloc : memref<!tpu.dma_semaphore, #tpu.memory_space<semaphore_mem>>
        %dma_start3A_394 = tpu.memref_slice %arg2[%mul3A_236] : memref<1048576xf32, #tpu.memory_space<hbm>> -> memref<65536xf32, #tpu.memory_space<hbm>>
        %dma_start3A_395 = tpu.memref_slice %arg2[%mul3A_236] : memref<1048576xf32, #tpu.memory_space<hbm>> -> memref<65536xf32, #tpu.memory_space<hbm>>
        tpu.enqueue_dma source(%dma_start3A_395 : memref<65536xf32, #tpu.memory_space<hbm>>) target(%arg6 : memref<65536xf32, #tpu.memory_space<vmem>>) target_semaphore(%run_scoped3A : memref<!tpu.dma_semaphore, #tpu.memory_space<semaphore_mem>>)
        %dma_wait3A_396 = tpu.memref_slice %arg2[%mul3A_236] : memref<1048576xf32, #tpu.memory_space<hbm>> -> memref<65536xf32, #tpu.memory_space<hbm>>
        %dma_wait3A_397 = tpu.memref_slice %arg2[%mul3A_236] : memref<1048576xf32, #tpu.memory_space<hbm>> -> memref<65536xf32, #tpu.memory_space<hbm>>
        tpu.wait_dma2 semaphore(%run_scoped3A : memref<!tpu.dma_semaphore, #tpu.memory_space<semaphore_mem>>) src(%dma_wait3A_397 : memref<65536xf32, #tpu.memory_space<hbm>>) dst(%arg6 : memref<65536xf32, #tpu.memory_space<vmem>>)
        tpu.yield
      }) : () -> ()
      %sub3A_237 = arith.constant 128 : i32
      %sub3A_238 = arith.subi %while3A_230, %sub3A_237 : i32
      %broadcast_in_dim3A_239 = arith.constant 0.000000e+00 : f32
      %broadcast_in_dim3A_240 = vector.broadcast %broadcast_in_dim3A_239 : f32 to vector<16xf32>
      %broadcast_in_dim3A_241 = arith.constant 0.000000e+00 : f32
      %broadcast_in_dim3A_242 = vector.broadcast %broadcast_in_dim3A_241 : f32 to vector<16xf32>
      %broadcast_in_dim3A_243 = arith.constant 0.000000e+00 : f32
      %broadcast_in_dim3A_244 = vector.broadcast %broadcast_in_dim3A_243 : f32 to vector<16xf32>
      %broadcast_in_dim3A_245 = arith.constant 0.000000e+00 : f32
      %broadcast_in_dim3A_246 = vector.broadcast %broadcast_in_dim3A_245 : f32 to vector<16xf32>
      %broadcast_in_dim3A_247 = arith.constant 0.000000e+00 : f32
      %broadcast_in_dim3A_248 = vector.broadcast %broadcast_in_dim3A_247 : f32 to vector<16xf32>
      %broadcast_in_dim3A_249 = arith.constant 0.000000e+00 : f32
      %broadcast_in_dim3A_250 = vector.broadcast %broadcast_in_dim3A_249 : f32 to vector<16xf32>
      %broadcast_in_dim3A_251 = arith.constant 0.000000e+00 : f32
      %broadcast_in_dim3A_252 = vector.broadcast %broadcast_in_dim3A_251 : f32 to vector<16xf32>
      %broadcast_in_dim3A_253 = arith.constant 0.000000e+00 : f32
      %broadcast_in_dim3A_254 = vector.broadcast %broadcast_in_dim3A_253 : f32 to vector<16xf32>
      %broadcast_in_dim3A_255 = arith.constant 0.000000e+00 : f32
      %broadcast_in_dim3A_256 = vector.broadcast %broadcast_in_dim3A_255 : f32 to vector<16xf32>
      %broadcast_in_dim3A_257 = arith.constant 0.000000e+00 : f32
      %broadcast_in_dim3A_258 = vector.broadcast %broadcast_in_dim3A_257 : f32 to vector<16xf32>
      %broadcast_in_dim3A_259 = arith.constant 0.000000e+00 : f32
      %broadcast_in_dim3A_260 = vector.broadcast %broadcast_in_dim3A_259 : f32 to vector<16xf32>
      %broadcast_in_dim3A_261 = arith.constant 0.000000e+00 : f32
      %broadcast_in_dim3A_262 = vector.broadcast %broadcast_in_dim3A_261 : f32 to vector<16xf32>
      %broadcast_in_dim3A_263 = arith.constant 0.000000e+00 : f32
      %broadcast_in_dim3A_264 = vector.broadcast %broadcast_in_dim3A_263 : f32 to vector<16xf32>
      %broadcast_in_dim3A_265 = arith.constant 0.000000e+00 : f32
      %broadcast_in_dim3A_266 = vector.broadcast %broadcast_in_dim3A_265 : f32 to vector<16xf32>
      %broadcast_in_dim3A_267 = arith.constant 0.000000e+00 : f32
      %broadcast_in_dim3A_268 = vector.broadcast %broadcast_in_dim3A_267 : f32 to vector<16xf32>
      %broadcast_in_dim3A_269 = arith.constant 0.000000e+00 : f32
      %broadcast_in_dim3A_270 = vector.broadcast %broadcast_in_dim3A_269 : f32 to vector<16xf32>
      %while3A_271 = arith.subi %while3A_230, %sub3A_238 : i32
      %while3A_272 = arith.addi %sub3A_238, %while3A_271 : i32
      %while3A_273 = arith.constant 1 : i32
      %while3A_274 = arith.divsi %while3A_271, %while3A_273 : i32
      %while3A_275 = arith.muli %while3A_274, %while3A_273 : i32
      %while3A_276 = arith.addi %sub3A_238, %while3A_275 : i32
      %while3A_277 = arith.constant 1 : i32
      %while3A_278:16 = scf.for %while3A_394 = %sub3A_238 to %while3A_276 step %while3A_277 iter_args(%while3A_395 = %broadcast_in_dim3A_240, %while3A_396 = %broadcast_in_dim3A_242, %while3A_397 = %broadcast_in_dim3A_244, %while3A_398 = %broadcast_in_dim3A_246, %while3A_399 = %broadcast_in_dim3A_248, %while3A_400 = %broadcast_in_dim3A_250, %while3A_401 = %broadcast_in_dim3A_252, %while3A_402 = %broadcast_in_dim3A_254, %while3A_403 = %broadcast_in_dim3A_256, %while3A_404 = %broadcast_in_dim3A_258, %while3A_405 = %broadcast_in_dim3A_260, %while3A_406 = %broadcast_in_dim3A_262, %while3A_407 = %broadcast_in_dim3A_264, %while3A_408 = %broadcast_in_dim3A_266, %while3A_409 = %broadcast_in_dim3A_268, %while3A_410 = %broadcast_in_dim3A_270) -> (vector<16xf32>, vector<16xf32>, vector<16xf32>, vector<16xf32>, vector<16xf32>, vector<16xf32>, vector<16xf32>, vector<16xf32>, vector<16xf32>, vector<16xf32>, vector<16xf32>, vector<16xf32>, vector<16xf32>, vector<16xf32>, vector<16xf32>, vector<16xf32>)  : i32 {
        %sub3A_411 = arith.subi %while3A_394, %max3A_234 : i32
        %mul3A_412 = arith.constant 256 : i32
        %mul3A_413 = arith.muli %sub3A_411, %mul3A_412 : i32
        %add3A_414 = arith.constant 0 : i32
        %add3A_415 = arith.addi %mul3A_413, %add3A_414 : i32
        %get3A_416 = arith.index_cast %add3A_415 : i32 to index
        %get3A_417 = tpu.vector_load %arg6[%get3A_416] {strides = array<i32>} : memref<65536xf32, #tpu.memory_space<vmem>>, vector<16xf32>,
        %get3A_418 = vector.shape_cast %get3A_417 : vector<16xf32> to vector<16xf32>
        %add3A_419 = arith.addf %while3A_395, %get3A_418 : vector<16xf32>
        %add3A_420 = arith.constant 16 : i32
        %add3A_421 = arith.addi %mul3A_413, %add3A_420 : i32
        %get3A_422 = arith.index_cast %add3A_421 : i32 to index
        %get3A_423 = tpu.vector_load %arg6[%get3A_422] {strides = array<i32>} : memref<65536xf32, #tpu.memory_space<vmem>>, vector<16xf32>,
        %get3A_424 = vector.shape_cast %get3A_423 : vector<16xf32> to vector<16xf32>
        %add3A_425 = arith.addf %while3A_396, %get3A_424 : vector<16xf32>
        %add3A_426 = arith.constant 32 : i32
        %add3A_427 = arith.addi %mul3A_413, %add3A_426 : i32
        %get3A_428 = arith.index_cast %add3A_427 : i32 to index
        %get3A_429 = tpu.vector_load %arg6[%get3A_428] {strides = array<i32>} : memref<65536xf32, #tpu.memory_space<vmem>>, vector<16xf32>,
        %get3A_430 = vector.shape_cast %get3A_429 : vector<16xf32> to vector<16xf32>
        %add3A_431 = arith.addf %while3A_397, %get3A_430 : vector<16xf32>
        %add3A_432 = arith.constant 48 : i32
        %add3A_433 = arith.addi %mul3A_413, %add3A_432 : i32
        %get3A_434 = arith.index_cast %add3A_433 : i32 to index
        %get3A_435 = tpu.vector_load %arg6[%get3A_434] {strides = array<i32>} : memref<65536xf32, #tpu.memory_space<vmem>>, vector<16xf32>,
        %get3A_436 = vector.shape_cast %get3A_435 : vector<16xf32> to vector<16xf32>
        %add3A_437 = arith.addf %while3A_398, %get3A_436 : vector<16xf32>
        %add3A_438 = arith.constant 64 : i32
        %add3A_439 = arith.addi %mul3A_413, %add3A_438 : i32
        %get3A_440 = arith.index_cast %add3A_439 : i32 to index
        %get3A_441 = tpu.vector_load %arg6[%get3A_440] {strides = array<i32>} : memref<65536xf32, #tpu.memory_space<vmem>>, vector<16xf32>,
        %get3A_442 = vector.shape_cast %get3A_441 : vector<16xf32> to vector<16xf32>
        %add3A_443 = arith.addf %while3A_399, %get3A_442 : vector<16xf32>
        %add3A_444 = arith.constant 80 : i32
        %add3A_445 = arith.addi %mul3A_413, %add3A_444 : i32
        %get3A_446 = arith.index_cast %add3A_445 : i32 to index
        %get3A_447 = tpu.vector_load %arg6[%get3A_446] {strides = array<i32>} : memref<65536xf32, #tpu.memory_space<vmem>>, vector<16xf32>,
        %get3A_448 = vector.shape_cast %get3A_447 : vector<16xf32> to vector<16xf32>
        %add3A_449 = arith.addf %while3A_400, %get3A_448 : vector<16xf32>
        %add3A_450 = arith.constant 96 : i32
        %add3A_451 = arith.addi %mul3A_413, %add3A_450 : i32
        %get3A_452 = arith.index_cast %add3A_451 : i32 to index
        %get3A_453 = tpu.vector_load %arg6[%get3A_452] {strides = array<i32>} : memref<65536xf32, #tpu.memory_space<vmem>>, vector<16xf32>,
        %get3A_454 = vector.shape_cast %get3A_453 : vector<16xf32> to vector<16xf32>
        %add3A_455 = arith.addf %while3A_401, %get3A_454 : vector<16xf32>
        %add3A_456 = arith.constant 112 : i32
        %add3A_457 = arith.addi %mul3A_413, %add3A_456 : i32
        %get3A_458 = arith.index_cast %add3A_457 : i32 to index
        %get3A_459 = tpu.vector_load %arg6[%get3A_458] {strides = array<i32>} : memref<65536xf32, #tpu.memory_space<vmem>>, vector<16xf32>,
        %get3A_460 = vector.shape_cast %get3A_459 : vector<16xf32> to vector<16xf32>
        %add3A_461 = arith.addf %while3A_402, %get3A_460 : vector<16xf32>
        %add3A_462 = arith.constant 128 : i32
        %add3A_463 = arith.addi %mul3A_413, %add3A_462 : i32
        %get3A_464 = arith.index_cast %add3A_463 : i32 to index
        %get3A_465 = tpu.vector_load %arg6[%get3A_464] {strides = array<i32>} : memref<65536xf32, #tpu.memory_space<vmem>>, vector<16xf32>,
        %get3A_466 = vector.shape_cast %get3A_465 : vector<16xf32> to vector<16xf32>
        %add3A_467 = arith.addf %while3A_403, %get3A_466 : vector<16xf32>
        %add3A_468 = arith.constant 144 : i32
        %add3A_469 = arith.addi %mul3A_413, %add3A_468 : i32
        %get3A_470 = arith.index_cast %add3A_469 : i32 to index
        %get3A_471 = tpu.vector_load %arg6[%get3A_470] {strides = array<i32>} : memref<65536xf32, #tpu.memory_space<vmem>>, vector<16xf32>,
        %get3A_472 = vector.shape_cast %get3A_471 : vector<16xf32> to vector<16xf32>
        %add3A_473 = arith.addf %while3A_404, %get3A_472 : vector<16xf32>
        %add3A_474 = arith.constant 160 : i32
        %add3A_475 = arith.addi %mul3A_413, %add3A_474 : i32
        %get3A_476 = arith.index_cast %add3A_475 : i32 to index
        %get3A_477 = tpu.vector_load %arg6[%get3A_476] {strides = array<i32>} : memref<65536xf32, #tpu.memory_space<vmem>>, vector<16xf32>,
        %get3A_478 = vector.shape_cast %get3A_477 : vector<16xf32> to vector<16xf32>
        %add3A_479 = arith.addf %while3A_405, %get3A_478 : vector<16xf32>
        %add3A_480 = arith.constant 176 : i32
        %add3A_481 = arith.addi %mul3A_413, %add3A_480 : i32
        %get3A_482 = arith.index_cast %add3A_481 : i32 to index
        %get3A_483 = tpu.vector_load %arg6[%get3A_482] {strides = array<i32>} : memref<65536xf32, #tpu.memory_space<vmem>>, vector<16xf32>,
        %get3A_484 = vector.shape_cast %get3A_483 : vector<16xf32> to vector<16xf32>
        %add3A_485 = arith.addf %while3A_406, %get3A_484 : vector<16xf32>
        %add3A_486 = arith.constant 192 : i32
        %add3A_487 = arith.addi %mul3A_413, %add3A_486 : i32
        %get3A_488 = arith.index_cast %add3A_487 : i32 to index
        %get3A_489 = tpu.vector_load %arg6[%get3A_488] {strides = array<i32>} : memref<65536xf32, #tpu.memory_space<vmem>>, vector<16xf32>,
        %get3A_490 = vector.shape_cast %get3A_489 : vector<16xf32> to vector<16xf32>
        %add3A_491 = arith.addf %while3A_407, %get3A_490 : vector<16xf32>
        %add3A_492 = arith.constant 208 : i32
        %add3A_493 = arith.addi %mul3A_413, %add3A_492 : i32
        %get3A_494 = arith.index_cast %add3A_493 : i32 to index
        %get3A_495 = tpu.vector_load %arg6[%get3A_494] {strides = array<i32>} : memref<65536xf32, #tpu.memory_space<vmem>>, vector<16xf32>,
        %get3A_496 = vector.shape_cast %get3A_495 : vector<16xf32> to vector<16xf32>
        %add3A_497 = arith.addf %while3A_408, %get3A_496 : vector<16xf32>
        %add3A_498 = arith.constant 224 : i32
        %add3A_499 = arith.addi %mul3A_413, %add3A_498 : i32
        %get3A_500 = arith.index_cast %add3A_499 : i32 to index
        %get3A_501 = tpu.vector_load %arg6[%get3A_500] {strides = array<i32>} : memref<65536xf32, #tpu.memory_space<vmem>>, vector<16xf32>,
        %get3A_502 = vector.shape_cast %get3A_501 : vector<16xf32> to vector<16xf32>
        %add3A_503 = arith.addf %while3A_409, %get3A_502 : vector<16xf32>
        %add3A_504 = arith.constant 240 : i32
        %add3A_505 = arith.addi %mul3A_413, %add3A_504 : i32
        %get3A_506 = arith.index_cast %add3A_505 : i32 to index
        %get3A_507 = tpu.vector_load %arg6[%get3A_506] {strides = array<i32>} : memref<65536xf32, #tpu.memory_space<vmem>>, vector<16xf32>,
        %get3A_508 = vector.shape_cast %get3A_507 : vector<16xf32> to vector<16xf32>
        %add3A_509 = arith.addf %while3A_410, %get3A_508 : vector<16xf32>
        scf.yield %add3A_419, %add3A_425, %add3A_431, %add3A_437, %add3A_443, %add3A_449, %add3A_455, %add3A_461, %add3A_467, %add3A_473, %add3A_479, %add3A_485, %add3A_491, %add3A_497, %add3A_503, %add3A_509 : vector<16xf32>, vector<16xf32>, vector<16xf32>, vector<16xf32>, vector<16xf32>, vector<16xf32>, vector<16xf32>, vector<16xf32>, vector<16xf32>, vector<16xf32>, vector<16xf32>, vector<16xf32>, vector<16xf32>, vector<16xf32>, vector<16xf32>, vector<16xf32>
      }
      %while3A_279 = arith.constant 1 : i32
      %while3A_280:16 = scf.for %while3A_394 = %while3A_276 to %while3A_272 step %while3A_279 iter_args(%while3A_395 = %while3A_278#0, %while3A_396 = %while3A_278#1, %while3A_397 = %while3A_278#2, %while3A_398 = %while3A_278#3, %while3A_399 = %while3A_278#4, %while3A_400 = %while3A_278#5, %while3A_401 = %while3A_278#6, %while3A_402 = %while3A_278#7, %while3A_403 = %while3A_278#8, %while3A_404 = %while3A_278#9, %while3A_405 = %while3A_278#10, %while3A_406 = %while3A_278#11, %while3A_407 = %while3A_278#12, %while3A_408 = %while3A_278#13, %while3A_409 = %while3A_278#14, %while3A_410 = %while3A_278#15) -> (vector<16xf32>, vector<16xf32>, vector<16xf32>, vector<16xf32>, vector<16xf32>, vector<16xf32>, vector<16xf32>, vector<16xf32>, vector<16xf32>, vector<16xf32>, vector<16xf32>, vector<16xf32>, vector<16xf32>, vector<16xf32>, vector<16xf32>, vector<16xf32>)  : i32 {
        %sub3A_411 = arith.subi %while3A_394, %max3A_234 : i32
        %mul3A_412 = arith.constant 256 : i32
        %mul3A_413 = arith.muli %sub3A_411, %mul3A_412 : i32
        %add3A_414 = arith.constant 0 : i32
        %add3A_415 = arith.addi %mul3A_413, %add3A_414 : i32
        %get3A_416 = arith.index_cast %add3A_415 : i32 to index
        %get3A_417 = tpu.vector_load %arg6[%get3A_416] {strides = array<i32>} : memref<65536xf32, #tpu.memory_space<vmem>>, vector<16xf32>,
        %get3A_418 = vector.shape_cast %get3A_417 : vector<16xf32> to vector<16xf32>
        %add3A_419 = arith.addf %while3A_395, %get3A_418 : vector<16xf32>
        %add3A_420 = arith.constant 16 : i32
        %add3A_421 = arith.addi %mul3A_413, %add3A_420 : i32
        %get3A_422 = arith.index_cast %add3A_421 : i32 to index
        %get3A_423 = tpu.vector_load %arg6[%get3A_422] {strides = array<i32>} : memref<65536xf32, #tpu.memory_space<vmem>>, vector<16xf32>,
        %get3A_424 = vector.shape_cast %get3A_423 : vector<16xf32> to vector<16xf32>
        %add3A_425 = arith.addf %while3A_396, %get3A_424 : vector<16xf32>
        %add3A_426 = arith.constant 32 : i32
        %add3A_427 = arith.addi %mul3A_413, %add3A_426 : i32
        %get3A_428 = arith.index_cast %add3A_427 : i32 to index
        %get3A_429 = tpu.vector_load %arg6[%get3A_428] {strides = array<i32>} : memref<65536xf32, #tpu.memory_space<vmem>>, vector<16xf32>,
        %get3A_430 = vector.shape_cast %get3A_429 : vector<16xf32> to vector<16xf32>
        %add3A_431 = arith.addf %while3A_397, %get3A_430 : vector<16xf32>
        %add3A_432 = arith.constant 48 : i32
        %add3A_433 = arith.addi %mul3A_413, %add3A_432 : i32
        %get3A_434 = arith.index_cast %add3A_433 : i32 to index
        %get3A_435 = tpu.vector_load %arg6[%get3A_434] {strides = array<i32>} : memref<65536xf32, #tpu.memory_space<vmem>>, vector<16xf32>,
        %get3A_436 = vector.shape_cast %get3A_435 : vector<16xf32> to vector<16xf32>
        %add3A_437 = arith.addf %while3A_398, %get3A_436 : vector<16xf32>
        %add3A_438 = arith.constant 64 : i32
        %add3A_439 = arith.addi %mul3A_413, %add3A_438 : i32
        %get3A_440 = arith.index_cast %add3A_439 : i32 to index
        %get3A_441 = tpu.vector_load %arg6[%get3A_440] {strides = array<i32>} : memref<65536xf32, #tpu.memory_space<vmem>>, vector<16xf32>,
        %get3A_442 = vector.shape_cast %get3A_441 : vector<16xf32> to vector<16xf32>
        %add3A_443 = arith.addf %while3A_399, %get3A_442 : vector<16xf32>
        %add3A_444 = arith.constant 80 : i32
        %add3A_445 = arith.addi %mul3A_413, %add3A_444 : i32
        %get3A_446 = arith.index_cast %add3A_445 : i32 to index
        %get3A_447 = tpu.vector_load %arg6[%get3A_446] {strides = array<i32>} : memref<65536xf32, #tpu.memory_space<vmem>>, vector<16xf32>,
        %get3A_448 = vector.shape_cast %get3A_447 : vector<16xf32> to vector<16xf32>
        %add3A_449 = arith.addf %while3A_400, %get3A_448 : vector<16xf32>
        %add3A_450 = arith.constant 96 : i32
        %add3A_451 = arith.addi %mul3A_413, %add3A_450 : i32
        %get3A_452 = arith.index_cast %add3A_451 : i32 to index
        %get3A_453 = tpu.vector_load %arg6[%get3A_452] {strides = array<i32>} : memref<65536xf32, #tpu.memory_space<vmem>>, vector<16xf32>,
        %get3A_454 = vector.shape_cast %get3A_453 : vector<16xf32> to vector<16xf32>
        %add3A_455 = arith.addf %while3A_401, %get3A_454 : vector<16xf32>
        %add3A_456 = arith.constant 112 : i32
        %add3A_457 = arith.addi %mul3A_413, %add3A_456 : i32
        %get3A_458 = arith.index_cast %add3A_457 : i32 to index
        %get3A_459 = tpu.vector_load %arg6[%get3A_458] {strides = array<i32>} : memref<65536xf32, #tpu.memory_space<vmem>>, vector<16xf32>,
        %get3A_460 = vector.shape_cast %get3A_459 : vector<16xf32> to vector<16xf32>
        %add3A_461 = arith.addf %while3A_402, %get3A_460 : vector<16xf32>
        %add3A_462 = arith.constant 128 : i32
        %add3A_463 = arith.addi %mul3A_413, %add3A_462 : i32
        %get3A_464 = arith.index_cast %add3A_463 : i32 to index
        %get3A_465 = tpu.vector_load %arg6[%get3A_464] {strides = array<i32>} : memref<65536xf32, #tpu.memory_space<vmem>>, vector<16xf32>,
        %get3A_466 = vector.shape_cast %get3A_465 : vector<16xf32> to vector<16xf32>
        %add3A_467 = arith.addf %while3A_403, %get3A_466 : vector<16xf32>
        %add3A_468 = arith.constant 144 : i32
        %add3A_469 = arith.addi %mul3A_413, %add3A_468 : i32
        %get3A_470 = arith.index_cast %add3A_469 : i32 to index
        %get3A_471 = tpu.vector_load %arg6[%get3A_470] {strides = array<i32>} : memref<65536xf32, #tpu.memory_space<vmem>>, vector<16xf32>,
        %get3A_472 = vector.shape_cast %get3A_471 : vector<16xf32> to vector<16xf32>
        %add3A_473 = arith.addf %while3A_404, %get3A_472 : vector<16xf32>
        %add3A_474 = arith.constant 160 : i32
        %add3A_475 = arith.addi %mul3A_413, %add3A_474 : i32
        %get3A_476 = arith.index_cast %add3A_475 : i32 to index
        %get3A_477 = tpu.vector_load %arg6[%get3A_476] {strides = array<i32>} : memref<65536xf32, #tpu.memory_space<vmem>>, vector<16xf32>,
        %get3A_478 = vector.shape_cast %get3A_477 : vector<16xf32> to vector<16xf32>
        %add3A_479 = arith.addf %while3A_405, %get3A_478 : vector<16xf32>
        %add3A_480 = arith.constant 176 : i32
        %add3A_481 = arith.addi %mul3A_413, %add3A_480 : i32
        %get3A_482 = arith.index_cast %add3A_481 : i32 to index
        %get3A_483 = tpu.vector_load %arg6[%get3A_482] {strides = array<i32>} : memref<65536xf32, #tpu.memory_space<vmem>>, vector<16xf32>,
        %get3A_484 = vector.shape_cast %get3A_483 : vector<16xf32> to vector<16xf32>
        %add3A_485 = arith.addf %while3A_406, %get3A_484 : vector<16xf32>
        %add3A_486 = arith.constant 192 : i32
        %add3A_487 = arith.addi %mul3A_413, %add3A_486 : i32
        %get3A_488 = arith.index_cast %add3A_487 : i32 to index
        %get3A_489 = tpu.vector_load %arg6[%get3A_488] {strides = array<i32>} : memref<65536xf32, #tpu.memory_space<vmem>>, vector<16xf32>,
        %get3A_490 = vector.shape_cast %get3A_489 : vector<16xf32> to vector<16xf32>
        %add3A_491 = arith.addf %while3A_407, %get3A_490 : vector<16xf32>
        %add3A_492 = arith.constant 208 : i32
        %add3A_493 = arith.addi %mul3A_413, %add3A_492 : i32
        %get3A_494 = arith.index_cast %add3A_493 : i32 to index
        %get3A_495 = tpu.vector_load %arg6[%get3A_494] {strides = array<i32>} : memref<65536xf32, #tpu.memory_space<vmem>>, vector<16xf32>,
        %get3A_496 = vector.shape_cast %get3A_495 : vector<16xf32> to vector<16xf32>
        %add3A_497 = arith.addf %while3A_408, %get3A_496 : vector<16xf32>
        %add3A_498 = arith.constant 224 : i32
        %add3A_499 = arith.addi %mul3A_413, %add3A_498 : i32
        %get3A_500 = arith.index_cast %add3A_499 : i32 to index
        %get3A_501 = tpu.vector_load %arg6[%get3A_500] {strides = array<i32>} : memref<65536xf32, #tpu.memory_space<vmem>>, vector<16xf32>,
        %get3A_502 = vector.shape_cast %get3A_501 : vector<16xf32> to vector<16xf32>
        %add3A_503 = arith.addf %while3A_409, %get3A_502 : vector<16xf32>
        %add3A_504 = arith.constant 240 : i32
        %add3A_505 = arith.addi %mul3A_413, %add3A_504 : i32
        %get3A_506 = arith.index_cast %add3A_505 : i32 to index
        %get3A_507 = tpu.vector_load %arg6[%get3A_506] {strides = array<i32>} : memref<65536xf32, #tpu.memory_space<vmem>>, vector<16xf32>,
        %get3A_508 = vector.shape_cast %get3A_507 : vector<16xf32> to vector<16xf32>
        %add3A_509 = arith.addf %while3A_410, %get3A_508 : vector<16xf32>
        scf.yield %add3A_419, %add3A_425, %add3A_431, %add3A_437, %add3A_443, %add3A_449, %add3A_455, %add3A_461, %add3A_467, %add3A_473, %add3A_479, %add3A_485, %add3A_491, %add3A_497, %add3A_503, %add3A_509 : vector<16xf32>, vector<16xf32>, vector<16xf32>, vector<16xf32>, vector<16xf32>, vector<16xf32>, vector<16xf32>, vector<16xf32>, vector<16xf32>, vector<16xf32>, vector<16xf32>, vector<16xf32>, vector<16xf32>, vector<16xf32>, vector<16xf32>, vector<16xf32>
      }
      %broadcast_in_dim3A_281 = arith.constant 7.812500e-03 : f32
      %broadcast_in_dim3A_282 = vector.broadcast %broadcast_in_dim3A_281 : f32 to vector<16xf32>
      %sub3A_283 = arith.subi %scan3A_204#0, %mul3A_2 : i32
      %mul3A_284 = arith.mulf %while3A_280#0, %broadcast_in_dim3A_282 : vector<16xf32>
      %swap3A_285 = arith.index_cast %sub3A_283 : i32 to index
      %swap3A_286 = arith.constant 0 : index
      %swap3A_287 = tpu.vector_load %arg7[%swap3A_285, %swap3A_286] {strides = array<i32>} : memref<128x256xf32, #tpu.memory_space<vmem>>, vector<1x16xf32>,
      %swap3A_288 = vector.shape_cast %swap3A_287 : vector<1x16xf32> to vector<16xf32>
      %swap3A_289 = vector.shape_cast %mul3A_284 : vector<16xf32> to vector<1x16xf32>
      tpu.vector_store %arg7[%swap3A_285, %swap3A_286], %swap3A_289 {strides = array<i32>} : memref<128x256xf32, #tpu.memory_space<vmem>>, vector<1x16xf32>,
      %mul3A_290 = arith.mulf %while3A_280#1, %broadcast_in_dim3A_282 : vector<16xf32>
      %swap3A_291 = arith.index_cast %sub3A_283 : i32 to index
      %swap3A_292 = arith.constant 16 : index
      %swap3A_293 = tpu.vector_load %arg7[%swap3A_291, %swap3A_292] {strides = array<i32>} : memref<128x256xf32, #tpu.memory_space<vmem>>, vector<1x16xf32>,
      %swap3A_294 = vector.shape_cast %swap3A_293 : vector<1x16xf32> to vector<16xf32>
      %swap3A_295 = vector.shape_cast %mul3A_290 : vector<16xf32> to vector<1x16xf32>
      tpu.vector_store %arg7[%swap3A_291, %swap3A_292], %swap3A_295 {strides = array<i32>} : memref<128x256xf32, #tpu.memory_space<vmem>>, vector<1x16xf32>,
      %mul3A_296 = arith.mulf %while3A_280#2, %broadcast_in_dim3A_282 : vector<16xf32>
      %swap3A_297 = arith.index_cast %sub3A_283 : i32 to index
      %swap3A_298 = arith.constant 32 : index
      %swap3A_299 = tpu.vector_load %arg7[%swap3A_297, %swap3A_298] {strides = array<i32>} : memref<128x256xf32, #tpu.memory_space<vmem>>, vector<1x16xf32>,
      %swap3A_300 = vector.shape_cast %swap3A_299 : vector<1x16xf32> to vector<16xf32>
      %swap3A_301 = vector.shape_cast %mul3A_296 : vector<16xf32> to vector<1x16xf32>
      tpu.vector_store %arg7[%swap3A_297, %swap3A_298], %swap3A_301 {strides = array<i32>} : memref<128x256xf32, #tpu.memory_space<vmem>>, vector<1x16xf32>,
      %mul3A_302 = arith.mulf %while3A_280#3, %broadcast_in_dim3A_282 : vector<16xf32>
      %swap3A_303 = arith.index_cast %sub3A_283 : i32 to index
      %swap3A_304 = arith.constant 48 : index
      %swap3A_305 = tpu.vector_load %arg7[%swap3A_303, %swap3A_304] {strides = array<i32>} : memref<128x256xf32, #tpu.memory_space<vmem>>, vector<1x16xf32>,
      %swap3A_306 = vector.shape_cast %swap3A_305 : vector<1x16xf32> to vector<16xf32>
      %swap3A_307 = vector.shape_cast %mul3A_302 : vector<16xf32> to vector<1x16xf32>
      tpu.vector_store %arg7[%swap3A_303, %swap3A_304], %swap3A_307 {strides = array<i32>} : memref<128x256xf32, #tpu.memory_space<vmem>>, vector<1x16xf32>,
      %mul3A_308 = arith.mulf %while3A_280#4, %broadcast_in_dim3A_282 : vector<16xf32>
      %swap3A_309 = arith.index_cast %sub3A_283 : i32 to index
      %swap3A_310 = arith.constant 64 : index
      %swap3A_311 = tpu.vector_load %arg7[%swap3A_309, %swap3A_310] {strides = array<i32>} : memref<128x256xf32, #tpu.memory_space<vmem>>, vector<1x16xf32>,
      %swap3A_312 = vector.shape_cast %swap3A_311 : vector<1x16xf32> to vector<16xf32>
      %swap3A_313 = vector.shape_cast %mul3A_308 : vector<16xf32> to vector<1x16xf32>
      tpu.vector_store %arg7[%swap3A_309, %swap3A_310], %swap3A_313 {strides = array<i32>} : memref<128x256xf32, #tpu.memory_space<vmem>>, vector<1x16xf32>,
      %mul3A_314 = arith.mulf %while3A_280#5, %broadcast_in_dim3A_282 : vector<16xf32>
      %swap3A_315 = arith.index_cast %sub3A_283 : i32 to index
      %swap3A_316 = arith.constant 80 : index
      %swap3A_317 = tpu.vector_load %arg7[%swap3A_315, %swap3A_316] {strides = array<i32>} : memref<128x256xf32, #tpu.memory_space<vmem>>, vector<1x16xf32>,
      %swap3A_318 = vector.shape_cast %swap3A_317 : vector<1x16xf32> to vector<16xf32>
      %swap3A_319 = vector.shape_cast %mul3A_314 : vector<16xf32> to vector<1x16xf32>
      tpu.vector_store %arg7[%swap3A_315, %swap3A_316], %swap3A_319 {strides = array<i32>} : memref<128x256xf32, #tpu.memory_space<vmem>>, vector<1x16xf32>,
      %mul3A_320 = arith.mulf %while3A_280#6, %broadcast_in_dim3A_282 : vector<16xf32>
      %swap3A_321 = arith.index_cast %sub3A_283 : i32 to index
      %swap3A_322 = arith.constant 96 : index
      %swap3A_323 = tpu.vector_load %arg7[%swap3A_321, %swap3A_322] {strides = array<i32>} : memref<128x256xf32, #tpu.memory_space<vmem>>, vector<1x16xf32>,
      %swap3A_324 = vector.shape_cast %swap3A_323 : vector<1x16xf32> to vector<16xf32>
      %swap3A_325 = vector.shape_cast %mul3A_320 : vector<16xf32> to vector<1x16xf32>
      tpu.vector_store %arg7[%swap3A_321, %swap3A_322], %swap3A_325 {strides = array<i32>} : memref<128x256xf32, #tpu.memory_space<vmem>>, vector<1x16xf32>,
      %mul3A_326 = arith.mulf %while3A_280#7, %broadcast_in_dim3A_282 : vector<16xf32>
      %swap3A_327 = arith.index_cast %sub3A_283 : i32 to index
      %swap3A_328 = arith.constant 112 : index
      %swap3A_329 = tpu.vector_load %arg7[%swap3A_327, %swap3A_328] {strides = array<i32>} : memref<128x256xf32, #tpu.memory_space<vmem>>, vector<1x16xf32>,
      %swap3A_330 = vector.shape_cast %swap3A_329 : vector<1x16xf32> to vector<16xf32>
      %swap3A_331 = vector.shape_cast %mul3A_326 : vector<16xf32> to vector<1x16xf32>
      tpu.vector_store %arg7[%swap3A_327, %swap3A_328], %swap3A_331 {strides = array<i32>} : memref<128x256xf32, #tpu.memory_space<vmem>>, vector<1x16xf32>,
      %mul3A_332 = arith.mulf %while3A_280#8, %broadcast_in_dim3A_282 : vector<16xf32>
      %swap3A_333 = arith.index_cast %sub3A_283 : i32 to index
      %swap3A_334 = arith.constant 128 : index
      %swap3A_335 = tpu.vector_load %arg7[%swap3A_333, %swap3A_334] {strides = array<i32>} : memref<128x256xf32, #tpu.memory_space<vmem>>, vector<1x16xf32>,
      %swap3A_336 = vector.shape_cast %swap3A_335 : vector<1x16xf32> to vector<16xf32>
      %swap3A_337 = vector.shape_cast %mul3A_332 : vector<16xf32> to vector<1x16xf32>
      tpu.vector_store %arg7[%swap3A_333, %swap3A_334], %swap3A_337 {strides = array<i32>} : memref<128x256xf32, #tpu.memory_space<vmem>>, vector<1x16xf32>,
      %mul3A_338 = arith.mulf %while3A_280#9, %broadcast_in_dim3A_282 : vector<16xf32>
      %swap3A_339 = arith.index_cast %sub3A_283 : i32 to index
      %swap3A_340 = arith.constant 144 : index
      %swap3A_341 = tpu.vector_load %arg7[%swap3A_339, %swap3A_340] {strides = array<i32>} : memref<128x256xf32, #tpu.memory_space<vmem>>, vector<1x16xf32>,
      %swap3A_342 = vector.shape_cast %swap3A_341 : vector<1x16xf32> to vector<16xf32>
      %swap3A_343 = vector.shape_cast %mul3A_338 : vector<16xf32> to vector<1x16xf32>
      tpu.vector_store %arg7[%swap3A_339, %swap3A_340], %swap3A_343 {strides = array<i32>} : memref<128x256xf32, #tpu.memory_space<vmem>>, vector<1x16xf32>,
      %mul3A_344 = arith.mulf %while3A_280#10, %broadcast_in_dim3A_282 : vector<16xf32>
      %swap3A_345 = arith.index_cast %sub3A_283 : i32 to index
      %swap3A_346 = arith.constant 160 : index
      %swap3A_347 = tpu.vector_load %arg7[%swap3A_345, %swap3A_346] {strides = array<i32>} : memref<128x256xf32, #tpu.memory_space<vmem>>, vector<1x16xf32>,
      %swap3A_348 = vector.shape_cast %swap3A_347 : vector<1x16xf32> to vector<16xf32>
      %swap3A_349 = vector.shape_cast %mul3A_344 : vector<16xf32> to vector<1x16xf32>
      tpu.vector_store %arg7[%swap3A_345, %swap3A_346], %swap3A_349 {strides = array<i32>} : memref<128x256xf32, #tpu.memory_space<vmem>>, vector<1x16xf32>,
      %mul3A_350 = arith.mulf %while3A_280#11, %broadcast_in_dim3A_282 : vector<16xf32>
      %swap3A_351 = arith.index_cast %sub3A_283 : i32 to index
      %swap3A_352 = arith.constant 176 : index
      %swap3A_353 = tpu.vector_load %arg7[%swap3A_351, %swap3A_352] {strides = array<i32>} : memref<128x256xf32, #tpu.memory_space<vmem>>, vector<1x16xf32>,
      %swap3A_354 = vector.shape_cast %swap3A_353 : vector<1x16xf32> to vector<16xf32>
      %swap3A_355 = vector.shape_cast %mul3A_350 : vector<16xf32> to vector<1x16xf32>
      tpu.vector_store %arg7[%swap3A_351, %swap3A_352], %swap3A_355 {strides = array<i32>} : memref<128x256xf32, #tpu.memory_space<vmem>>, vector<1x16xf32>,
      %mul3A_356 = arith.mulf %while3A_280#12, %broadcast_in_dim3A_282 : vector<16xf32>
      %swap3A_357 = arith.index_cast %sub3A_283 : i32 to index
      %swap3A_358 = arith.constant 192 : index
      %swap3A_359 = tpu.vector_load %arg7[%swap3A_357, %swap3A_358] {strides = array<i32>} : memref<128x256xf32, #tpu.memory_space<vmem>>, vector<1x16xf32>,
      %swap3A_360 = vector.shape_cast %swap3A_359 : vector<1x16xf32> to vector<16xf32>
      %swap3A_361 = vector.shape_cast %mul3A_356 : vector<16xf32> to vector<1x16xf32>
      tpu.vector_store %arg7[%swap3A_357, %swap3A_358], %swap3A_361 {strides = array<i32>} : memref<128x256xf32, #tpu.memory_space<vmem>>, vector<1x16xf32>,
      %mul3A_362 = arith.mulf %while3A_280#13, %broadcast_in_dim3A_282 : vector<16xf32>
      %swap3A_363 = arith.index_cast %sub3A_283 : i32 to index
      %swap3A_364 = arith.constant 208 : index
      %swap3A_365 = tpu.vector_load %arg7[%swap3A_363, %swap3A_364] {strides = array<i32>} : memref<128x256xf32, #tpu.memory_space<vmem>>, vector<1x16xf32>,
      %swap3A_366 = vector.shape_cast %swap3A_365 : vector<1x16xf32> to vector<16xf32>
      %swap3A_367 = vector.shape_cast %mul3A_362 : vector<16xf32> to vector<1x16xf32>
      tpu.vector_store %arg7[%swap3A_363, %swap3A_364], %swap3A_367 {strides = array<i32>} : memref<128x256xf32, #tpu.memory_space<vmem>>, vector<1x16xf32>,
      %mul3A_368 = arith.mulf %while3A_280#14, %broadcast_in_dim3A_282 : vector<16xf32>
      %swap3A_369 = arith.index_cast %sub3A_283 : i32 to index
      %swap3A_370 = arith.constant 224 : index
      %swap3A_371 = tpu.vector_load %arg7[%swap3A_369, %swap3A_370] {strides = array<i32>} : memref<128x256xf32, #tpu.memory_space<vmem>>, vector<1x16xf32>,
      %swap3A_372 = vector.shape_cast %swap3A_371 : vector<1x16xf32> to vector<16xf32>
      %swap3A_373 = vector.shape_cast %mul3A_368 : vector<16xf32> to vector<1x16xf32>
      tpu.vector_store %arg7[%swap3A_369, %swap3A_370], %swap3A_373 {strides = array<i32>} : memref<128x256xf32, #tpu.memory_space<vmem>>, vector<1x16xf32>,
      %mul3A_374 = arith.mulf %while3A_280#15, %broadcast_in_dim3A_282 : vector<16xf32>
      %swap3A_375 = arith.index_cast %sub3A_283 : i32 to index
      %swap3A_376 = arith.constant 240 : index
      %swap3A_377 = tpu.vector_load %arg7[%swap3A_375, %swap3A_376] {strides = array<i32>} : memref<128x256xf32, #tpu.memory_space<vmem>>, vector<1x16xf32>,
      %swap3A_378 = vector.shape_cast %swap3A_377 : vector<1x16xf32> to vector<16xf32>
      %swap3A_379 = vector.shape_cast %mul3A_374 : vector<16xf32> to vector<1x16xf32>
      tpu.vector_store %arg7[%swap3A_375, %swap3A_376], %swap3A_379 {strides = array<i32>} : memref<128x256xf32, #tpu.memory_space<vmem>>, vector<1x16xf32>,
      %shift_right_arithmetic3A = arith.constant 4 : i32
      %shift_right_arithmetic3A_380 = arith.shrsi %sub3A_283, %shift_right_arithmetic3A : i32
      %mul3A_381 = arith.constant 16 : i32
      %mul3A_382 = arith.muli %shift_right_arithmetic3A_380, %mul3A_381 : i32
      %and3A = arith.constant 15 : i32
      %and3A_383 = arith.andi %sub3A_283, %and3A : i32
      %get3A_384 = arith.index_cast %mul3A_382 : i32 to index
      %get3A_385 = tpu.vector_load %arg8[%get3A_384] {strides = array<i32>} : memref<128xi32, #tpu.memory_space<vmem>>, vector<16xi32>,
      %get3A_386 = vector.shape_cast %get3A_385 : vector<16xi32> to vector<16xi32>
      %eq3A = vector.broadcast %and3A_383 : i32 to vector<16xi32>
      %eq3A_387 = arith.cmpi eq, %iota3A_155, %eq3A : vector<16xi32>
      %broadcast_in_dim3A_388 = vector.broadcast %scan3A_204#2 : i32 to vector<16xi32>
      %select_n3A_389 = arith.select %eq3A_387, %broadcast_in_dim3A_388, %get3A_386 : vector<16xi1>, vector<16xi32>
      %swap3A_390 = arith.index_cast %mul3A_382 : i32 to index
      %swap3A_391 = tpu.vector_load %arg8[%swap3A_390] {strides = array<i32>} : memref<128xi32, #tpu.memory_space<vmem>>, vector<16xi32>,
      %swap3A_392 = vector.shape_cast %swap3A_391 : vector<16xi32> to vector<16xi32>
      %swap3A_393 = vector.shape_cast %select_n3A_389 : vector<16xi32> to vector<16xi32>
      tpu.vector_store %arg8[%swap3A_390], %swap3A_393 {strides = array<i32>} : memref<128xi32, #tpu.memory_space<vmem>>, vector<16xi32>,
    } else {
    }
    "tpu.region"() ({
      %run_scoped3A = tpu.sem_alloc : memref<!tpu.dma_semaphore, #tpu.memory_space<semaphore_mem>>
      %dma_start3A_217 = arith.constant 0 : i32
      %dma_start3A_218 = arith.constant 0 : i32
      %dma_start3A_219 = tpu.memref_slice %arg4[%dma_start3A_217, %dma_start3A_218] : memref<5120x256xf32, #tpu.memory_space<hbm>> -> memref<5120x256xf32, #tpu.memory_space<hbm>>
      tpu.enqueue_indirect_dma source(%arg7 : memref<128x256xf32, #tpu.memory_space<vmem>>) target(%dma_start3A_219 : memref<5120x256xf32, #tpu.memory_space<hbm>>) offsets(%arg8 : memref<128xi32, #tpu.memory_space<vmem>>) semaphore(%run_scoped3A : memref<!tpu.dma_semaphore, #tpu.memory_space<semaphore_mem>>)
      %dma_wait3A_220 = arith.constant 0 : i32
      %dma_wait3A_221 = arith.constant 0 : i32
      %dma_wait3A_222 = tpu.memref_slice %arg4[%dma_wait3A_220, %dma_wait3A_221] : memref<5120x256xf32, #tpu.memory_space<hbm>> -> memref<5120x256xf32, #tpu.memory_space<hbm>>
      tpu.wait_indirect_dma semaphore(%run_scoped3A : memref<!tpu.dma_semaphore, #tpu.memory_space<semaphore_mem>>) src(%arg7 : memref<128x256xf32, #tpu.memory_space<vmem>>) dst(%dma_wait3A_222 : memref<5120x256xf32, #tpu.memory_space<hbm>>)
      tpu.yield
    }) : () -> ()
    return
  }
}

module attributes {stable_mosaic.version = 14 : i64} {
  func.func @body(%arg0: i32, %arg1: memref<32x128xi32, #tpu.memory_space<vmem>>, %arg2: memref<128x128xf32, #tpu.memory_space<vmem>>) attributes {dimension_semantics = [#tpu.dimension_semantics<arbitrary>], iteration_bounds = array<i64: 8>, scalar_prefetch = 0 : i64, scratch_operands = 0 : i64, tpu.core_type = #tpu.core_type<tc>, window_params = [{pipeline_mode = #tpu.pipeline_mode<synchronous>, transform_indices = @transform_0, window_bounds = array<i64: 32, 128>}, {transform_indices = @transform_1, window_bounds = array<i64: 128, 128>}]} {
    %get3A = arith.constant 0 : index
    %get3A_0 = arith.constant 0 : index
    %get3A_1 = vector.load %arg1[%get3A, %get3A_0] : memref<32x128xi32, #tpu.memory_space<vmem>>, vector<32x128xi32>
    %reshape3A = vector.shape_cast %get3A_1 : vector<32x128xi32> to vector<1x4096xi32>
    %mul3A = arith.constant 128 : i32
    %mul3A_2 = arith.muli %arg0, %mul3A : i32
    %iota3A = tpu.iota {dimensions = array<i32: 0>} : vector<128x1xi32>
    %add3A = vector.broadcast %mul3A_2 : i32 to vector<128x1xi32>
    %add3A_3 = arith.addi %add3A, %iota3A : vector<128x1xi32>
    %eq3A = vector.broadcast %reshape3A : vector<1x4096xi32> to vector<128x4096xi32>
    %eq3A_4 = vector.broadcast %add3A_3 : vector<128x1xi32> to vector<128x4096xi32>
    %eq3A_5 = arith.cmpi eq, %eq3A, %eq3A_4 : vector<128x4096xi32>
    %convert_element_type3A = arith.extui %eq3A_5 : vector<128x4096xi1> to vector<128x4096xi32>
    %convert_element_type3A_6 = arith.sitofp %convert_element_type3A : vector<128x4096xi32> to vector<128x4096xf32>
    %reduce_sum3A = arith.constant dense<0.000000e+00> : vector<128xf32>
    %reduce_sum3A_7 = vector.multi_reduction <add>, %convert_element_type3A_6, %reduce_sum3A [1] : vector<128x4096xf32> to vector<128xf32>
    %broadcast_in_dim3A = vector.shape_cast %reduce_sum3A_7 : vector<128xf32> to vector<128x1xf32>
    %broadcast_in_dim3A_8 = vector.shape_cast %broadcast_in_dim3A : vector<128x1xf32> to vector<128x1xf32>
    %broadcast_in_dim3A_9 = vector.broadcast %broadcast_in_dim3A_8 : vector<128x1xf32> to vector<128x128xf32>
    %swap3A = arith.constant 0 : index
    %swap3A_10 = arith.constant 0 : index
    %swap3A_11 = vector.load %arg2[%swap3A, %swap3A_10] : memref<128x128xf32, #tpu.memory_space<vmem>>, vector<128x128xf32>
    tpu.vector_store %arg2[%swap3A, %swap3A_10], %broadcast_in_dim3A_9 {strides = array<i32>} : memref<128x128xf32, #tpu.memory_space<vmem>>, vector<128x128xf32>,
    return
  }
  func.func @transform_0(%arg0: i32) -> (i32, i32) {
    %c0_i32 = arith.constant 0 : i32
    %c0_i32_0 = arith.constant 0 : i32
    %c0_i32_1 = arith.constant 0 : i32
    return %c0_i32, %c0_i32_0 : i32, i32
  }
  func.func @transform_1(%arg0: i32) -> (i32, i32) {
    %c0_i32 = arith.constant 0 : i32
    %c0_i32_0 = arith.constant 0 : i32
    return %arg0, %c0_i32 : i32, i32
  }
}

</mosaic_0001>

<sc_bundles>
// kernel: kernel.5.cloned.1.call-start
scs
__scs_entry_jumppad:
0x0: {  	(pc) =	sbr.rel $0x88, $3  }
0x1: {  	(tag) =	ssettag $0x0;
	lr =	simm.s32 $0x1  }
0x2: {  	[smem:$0x3F9E] =	sst lr;
	_ =	strace $0xD0000000  }
0x3: {  	_ = 	snop  }
0x4: {  	_ = 	snop  }
0x5: {  	_ = 	snop  }
0x6: {  	_ = 	snop  }
0x7: {  	_ = 	snop  }
__scs_overlays_trampoline_lowered:
0x8: {  	[smem:$0x3FAD] =	sst s0  }
0x9: {  	[smem:$0x3FAE] =	sst s1  }
0xa: {  	[smem:$0x3FAF] =	sst s2  }
0xb: {  	[smem:$0x3FB0] =	sst s3  }
0xc: {  	[smem:$0x3FB1] =	sst s4  }
0xd: {  	[smem:$0x3FB2] =	sst s5  }
0xe: {  	[smem:$0x3FB3] =	sst s6  }
0xf: {  	[smem:$0x3FB4] =	sst s7  }
0x10: {  	[smem:$0x3FB5] =	sst s8  }
0x11: {  	[smem:$0x3FB6] =	sst s9;
	s0 =	simm.s32 @!p0 $0x0  }
0x12: {  	s1 =	sld [smem:$0x3F9C];
	s0 =	simm.s32 @p0 $0x1  }
0x13: {  	[smem:$0x3FB7] =	sst s0;
	s0 =	simm.s32 @!p1 $0x0  }
0x14: {  	s2 =	sld [smem:$0x3F9B];
	s0 =	simm.s32 @p1 $0x1  }
0x15: {  	[smem:$0x3FB8] =	sst s0;
	s0 =	simm.s32 @!p2 $0x0  }
0x16: {  	s3 =	sld [smem:$0x3FDB];
	s0 =	simm.s32 @p2 $0x1  }
0x17: {  	s4 =	simm.s32 $0x1BF5;
	[smem:$0x3FBA] =	sst s0  }
0x18: {  	s0 =	sld [smem:$0x3F9D];
	_ =	swait.ge [sflag:s4], $0x0  }
0x19: {  	s7 =	sld [smem:$0x3F9E]  }
0x1a: {  	s8 =	sadd.s32 $0xFFFFE003, lr  }
0x1b: {  	s9 =	sadd.s32 $0xFFFFFEF7, lr;
	s5 =	simm.s32 $0xFFFFFFFF;
	p2 =	slt.u32 s8, $0xFFFFF086  }
0x1c: {  	p1 =	slt.u32 s9, $0xF7A;
	s5 =	simm.s32 @!p2 $0x0  }
0x1d: {  	s5 =	simm.s32 @p1 $0x1;
	p0 =	seq.s32 s7, s2  }
0x1e: {  	s7 =	smul.u32 @!p0 $0xF7A, s2;
	p2 =	seq.s32 @!p0 s5, $0x0  }
0x1f: {  	s9 =	smul.u32 $0xF7A, s1;
	s8 =	simm.s32 @!p0 $0x1BF5;
	p2 =	por !p2, p0  }
0x20: {  	[sflag:s8] =	ssyncset.s32 @!p0 $0xFFFFF086;
	s6 =	sadd.s32 @!p0 s3, s7;
	s7 =	simm.s32 @!p0 $0x108  }
0x21: {  	s3 =	sadd.s32 s3, s9;
	s6 =	sadd.s32 @!p0 $0x88, s6;
	s7 =	simm.s32 @p2 $0x1082  }
0x22: {  	[simem:s7], [sflag:s8] =	dma.local @!p0 [hbm:s6], $0xF7A  }
0x23: {  	s9 =	sor.u32 $0xD0000000, s2;
	s6 =	simm.s32 $0x108;
	_ =	swait.ge @!p0 [sflag:s8], $0x0  }
0x24: {  	s3 =	sadd.s32 $0x88, s3;
	s6 =	simm.s32 @!p1 $0x1082;
	[sflag:s4] =	ssyncset.s32 $0xFFFFF086  }
0x25: {  	[simem:s6], [sflag:s4] =	dma.local [hbm:s3], $0xF7A  }
0x26: {  	[smem:$0x3F9E] =	sst s1;
	(tag) =	ssettag s2;
	_ =	strace s9  }
0x27: {  	s1 =	sld [smem:$0x3FAE]  }
0x28: {  	s2 =	sld [smem:$0x3FAF]  }
0x29: {  	s4 =	sld [smem:$0x3FB1]  }
0x2a: {  	p0 =	seq.s32 s5, $0x0;
	s5 =	sld [smem:$0x3FB2]  }
0x2b: {  	s6 =	sld [smem:$0x3FB3]  }
0x2c: {  	s7 =	sld [smem:$0x3FB4]  }
0x2d: {  	s3 =	simm.s32 $0x108;
	s8 =	sld [smem:$0x3FB5]  }
0x2e: {  	s3 =	simm.s32 @!p0 $0x1082;
	s9 =	sld [smem:$0x3FB6]  }
0x2f: {  	lr =	sadd.s32 s0, s3;
	s0 =	sld [smem:$0x3FAD]  }
0x30: {  	s3 =	sld [smem:$0x3FB0]  }
0x31: {  	[smem:$0x3FB9] =	sst s10  }
0x32: {  	s10 =	sld [smem:$0x3FB7];
	_ =	sdelay $0x3  }
0x33: {  	p0 =	seq.s32 s10, $0x1;
	s10 =	sld [smem:$0x3FB9];
	_ =	sdelay $0x3  }
0x34: {  	[smem:$0x3FB9] =	sst s10  }
0x35: {  	s10 =	sld [smem:$0x3FB8];
	_ =	sdelay $0x3  }
0x36: {  	p1 =	seq.s32 s10, $0x1;
	s10 =	sld [smem:$0x3FB9];
	_ =	sdelay $0x3  }
0x37: {  	[smem:$0x3FB9] =	sst s10  }
0x38: {  	s10 =	sld [smem:$0x3FBA]  }
0x39: {  	_ = 	snop;
	(pc) =	sbr.ind lr, $3  }
0x3a: {  	_ = 	snop  }
0x3b: {  	_ = 	snop  }
0x3c: {  	p2 =	seq.s32 s10, $0x1;
	s10 =	sld [smem:$0x3FB9]  }
0x3d: {  	_ =	shalt  }
0x3e: {  	_ =	shalt  }
0x3f: {  	_ =	shalt  }
0x40: {  	_ =	shalt  }
0x41: {  	_ =	shalt  }
0x42: {  	_ =	shalt  }
0x43: {  	_ =	shalt  }
0x44: {  	_ =	shalt  }
0x45: {  	_ =	shalt  }
0x46: {  	_ =	shalt  }
0x47: {  	_ =	shalt  }
0x48: {  	_ =	shalt  }
0x49: {  	_ =	shalt  }
0x4a: {  	_ =	shalt  }
0x4b: {  	_ =	shalt  }
0x4c: {  	_ =	shalt  }
0x4d: {  	_ =	shalt  }
0x4e: {  	_ =	shalt  }
0x4f: {  	_ =	shalt  }
0x50: {  	_ =	shalt  }
0x51: {  	_ =	shalt  }
0x52: {  	_ =	shalt  }
0x53: {  	_ =	shalt  }
0x54: {  	_ =	shalt  }
0x55: {  	_ =	shalt  }
0x56: {  	_ =	shalt  }
0x57: {  	_ =	shalt  }
0x58: {  	_ =	shalt  }
0x59: {  	_ =	shalt  }
0x5a: {  	_ =	shalt  }
0x5b: {  	_ =	shalt  }
0x5c: {  	_ =	shalt  }
0x5d: {  	_ =	shalt  }
0x5e: {  	_ =	shalt  }
0x5f: {  	_ =	shalt  }
0x60: {  	_ =	shalt  }
0x61: {  	_ =	shalt  }
0x62: {  	_ =	shalt  }
0x63: {  	_ =	shalt  }
0x64: {  	_ =	shalt  }
0x65: {  	_ =	shalt  }
0x66: {  	_ =	shalt  }
0x67: {  	_ =	shalt  }
0x68: {  	_ =	shalt  }
0x69: {  	_ =	shalt  }
0x6a: {  	_ =	shalt  }
0x6b: {  	_ =	shalt  }
0x6c: {  	_ =	shalt  }
0x6d: {  	_ =	shalt  }
0x6e: {  	_ =	shalt  }
0x6f: {  	_ =	shalt  }
0x70: {  	_ =	shalt  }
0x71: {  	_ =	shalt  }
0x72: {  	_ =	shalt  }
0x73: {  	_ =	shalt  }
0x74: {  	_ =	shalt  }
0x75: {  	_ =	shalt  }
0x76: {  	_ =	shalt  }
0x77: {  	_ =	shalt  }
0x78: {  	_ =	shalt  }
0x79: {  	_ =	shalt  }
0x7a: {  	_ =	shalt  }
0x7b: {  	_ =	shalt  }
0x7c: {  	_ =	shalt  }
0x7d: {  	_ =	shalt  }
0x7e: {  	_ =	shalt  }
0x7f: {  	_ =	shalt  }
0x80: {  	_ =	shalt  }
0x81: {  	_ =	shalt  }
0x82: {  	_ =	shalt  }
0x83: {  	_ =	shalt  }
0x84: {  	_ =	shalt  }
0x85: {  	_ =	shalt  }
0x86: {  	_ =	shalt  }
0x87: {  	_ =	shalt  }
.Lfunc_end0:
.L_simem_size_0:
called_computation_lowered:
.L_overlay_start_0:
0x88: {  	s2 =	sld [smem:$0x3FD9]  }
0x89: {  	s3 =	sld [smem:$0x3FFE];
	_ =	sdelay $0x1  }
0x8a: {  	s1 =	srdreg.scid  }
0x8b: {  	s0 =	sand.u32 $0x1, s1  }
0x8c: {  	s17 =	sshll.u32 s0, $0xA;
	s2 =	sadd.s32 s3, s2  }
0x8d: {  	s2 =	sadd.s32 s2, s17  }
0x8e: {  	[smem:$0x3FC5] =	sst s2  }
0x8f: {  	_ = 	snop  }
0x90: {  	s2 =	sld [smem:$0x3FC8]  }
0x91: {  	s18 =	sld [smem:$0x3FD0];
	(tm) =	ssettm $0x1  }
0x92: {  	s4 =	sld [smem:$0x3FFB];
	_ =	sdelay $0x3  }
0x93: {  	_ =	strace s4  }
0x94: {  	s4 =	sld [smem:$0x3FFC];
	_ =	sdelay $0x3  }
0x95: {  	_ =	strace s4  }
0x96: {  	s4 =	sld [smem:$0x3FFD];
	_ =	sdelay $0x3  }
0x97: {  	_ =	strace s4  }
0x98: {  	_ =	strace $0x8FFFFFFF  }
0x99: {  	s19 =	sld [smem:$0x3FDB];
	_ =	sdelay $0x1  }
0x9a: {  	s5 =	simm.s32 $_scs_section_size  }
0x9b: {  	s6 =	simm.s32 $_size__tile_overlayer_lowered;
	s7 =	simm.s32 $_tile_overlayer_lowered  }
0x9c: {  	s22 =	simm.s32 $0x1BFF;
	s21 =	sshll.u32 s7, $0x1;
	s4 =	sadd.s32 s5, s19  }
0x9d: {  	s8 =	simm.s32 $0x0;
	s20 =	sshll.u32 s6, $0x1;
	s6 =	sadd.s32 s21, s4  }
0x9e: {  	[timem:s8], [sflag:s22] =	dma.local [hbm:s6], s20  }
0x9f: {  	_ =	swait.ge [sflag:s22], s20  }
0xa0: {  	s5 =	ssub.s32 $0x0, s20;
	[sflag:s22] =	ssyncset.done $0x0  }
0xa1: {  	[sflag:s22] =	ssyncadd.s32 s5;
	_ =	sdelay $0x1  }
0xa2: {  	s23 =	simm.s32 $0x1B8B  }
0xa3: {  	_ =	swait.ge [sflag:s23], $0x1  }
0xa4: {  	[sflag:s23] =	ssyncset.done $0x0  }
0xa5: {  	s25 =	simm.s32 $0x1B8E;
	s24 =	sld [smem:$0x3FFE];
	[sflag:s23] =	ssyncadd.s32 $0xFFFFFFFF  }
0xa6: {  	s26 =	simm.s32 $execute0_lowered;
	[smem:$0x3FD2] =	sst s25  }
0xa7: {  	s6 =	sshll.u32 s26, $0x1;
	_ =	strace $0x80000046;
	[dreg:$0x1] =	wrdreg $0xFFFFFFFF  }
0xa8: {  	s28 =	simm.s32 $_size_execute0_lowered;
	s4 =	sadd.s32 s4, s6;
	[dreg:$0x0] =	wrdreg $0x0  }
0xa9: {  	s6 =	sshll.u32 s28, $0x1;
	[dreg:$0x2] =	wrdreg s4  }
0xaa: {  	[dreg:$0x3] =	wrdreg s6  }
0xab: {  	[dreg:$0x4] =	wrdreg $0xC0  }
0xac: {  	_ =	task [dreg:s8], $0x5FFFF  }
0xad: {  	[dreg:$0x1] =	wrdreg $0xFFFFFFFF  }
0xae: {  	[dreg:$0x0] =	wrdreg $0x60  }
0xaf: {  	[dreg:$0x2] =	wrdreg s18  }
0xb0: {  	[dreg:$0x3] =	wrdreg s2  }
0xb1: {  	[dreg:$0x4] =	wrdreg s24  }
0xb2: {  	[dreg:$0x5] =	wrdreg $0x9  }
0xb3: {  	_ =	task.clear_ibuf [dreg:s8], $0x6FFFF;
	_ =	strace $0x90000046  }
0xb4: {  	s29 =	simm.s32 $0x9;
	_ =	strace $0x80000048  }
0xb5: {  	_ =	swait.ge [sflag:s29], $0x1  }
0xb6: {  	[sflag:s29] =	ssyncadd.s32 $0xFFFFFFFF  }
0xb7: {  	_ =	strace $0x90000048  }
0xb8: {  	_ =	sfence  }
0xb9: {  	s30 =	sld [smem:$0x0];
	_ =	sdelay $0x2  }
0xba: {  	s31 =	sshll.u32 s1, $0xD;
	s1 =	sshrl.u32 s1, $0x2  }
0xbb: {  	s3 =	sand.u32 $0x4000, s31;
	s1 =	sadd.s32 s1, s30  }
0xbc: {  	s0 =	sor.u32 s3, s0;
	s1 =	sshll.u32 s1, $0x11  }
0xbd: {  	s0 =	sor.u32 s1, s0  }
0xbe: {  	s0 =	sadd.s32 $0x8F2B, s0  }
0xbf: {  	[sflag:s0] =	ssyncadd.remote.s32 $0x1  }
0xc0: {  	_ =	sfence.sel $0xFFFF  }
0xc1: {  	[dreg:$0x0] =	wrdreg $0xFFFFFFFF;
	(pc) =	sbr.abs _section_cstart, $3  }
0xc2: {  	[dreg:$0x1] =	wrdreg $0xFFFFFFFF  }
0xc3: {  	_ =	task.clear_ibuf [dreg:s8], $0x2FFFF;
	_ =	strace $0x9FFFFFFF  }
0xc4: {  	(tm) =	ssettm $0x7FFFFFFF  }
0xc5: {  	_ =	shalt  }
tec
execute0_lowered:
.L_overlay_start_1:
0x0: {  	(tag) =	ssettag $0x1  }
0x1: {  	s9 =	rddreg [dreg:$0x0];
	s0 =	srdreg.scid  }
0x2: {  	s1 =	rddreg [dreg:$0x2];
	s10 =	stileid.u32;
	s4 =	simm.s32 $0x0  }
0x3: {  	s17 =	simm.s32 $0x1;
	s19 =	simm.s32 $0x2;
	s0 =	sand.u32 $0x1, s0  }
0x4: {  	[smem:$0x7FF] =	sst s4;
	s6 =	sadd.s32 $0xE00, s1;
	s23 =	sshll.u32 s10, $0x7  }
0x5: {  	s25 =	sshll.u32 s10, $0x9;
	s2 =	sshll.u32 s0, $0x4;
	s3 =	ssub.s32 $0x2, s0  }
0x6: {  	_ =	strace $0x80000047;
	s22 =	sshll.u32 s0, $0xB;
	s0 =	sshll.u32 s0, $0xD  }
0x7: {  	s2 =	sor.u32 s10, s2;
	s5 =	sshrl.u32 s3, $0x1;
	s0 =	sor.u32 s25, s0  }
0x8: {  	s8 =	sshll.u32 s2, $0x7;
	s20 =	ssub.s32 s3, s5;
	s12 =	sshll.u32 s2, $0x9  }
0x9: {  	s28 =	sor.u32 $0x10, s0;
	s0 =	sadd.s32 $0x400, s0;
	p0 =	seq.s32 s2, $0x0  }
0xa: {  	s7 =	smin.u32 s8, $0xF00;
	s24 =	smax.u32 s8, $0x1;
	s10 =	sadd.s32 $0x100, s8  }
0xb: {  	s11 =	smax.u32 s20, $0x1;
	s31 =	sshrl.u32 s28, $0x2;
	s0 =	sshrl.u32 s0, $0x2  }
0xc: {  	v0 =	vlaneseq.u32;
	v9 =	vimm.s32 $0xFFFFFFFF;
	s18 =	sshrl.u32 s12, $0x2;
	s20 =	simm.s32 $0x3;
	[dreg:$0x5] =	wrdreg s24  }
0xd: {  	v10 =	vimm.s32 $0x0;
	vm0 =	vmmov $0xffff;
	v1 =	vor.u32 $0x400, v0;
	s21 =	sshll.u32 s7, $0x5;
	[dreg:$0x7] =	wrdreg s0;
	s0 =	simm.s32 @!p0 $0x0  }
0xe: {  	v2 =	vor.u32 $0x410, v0;
	v3 =	vor.u32 $0x420, v0;
	v4 =	vor.u32 $0x430, v0;
	s3 =	sadd.s32 s9, s21;
	s9 =	sor.u32 s23, s22;
	s0 =	simm.s32 @p0 $0x1  }
.Ltmp0:
0xf: {  	v5 =	vor.u32 $0x440, v0;
	v6 =	vor.u32 $0x450, v0;
	v7 =	vor.u32 $0x460, v0;
	p0 =	sgt.u32 s2, $0x1D;
	s5 =	smin.u32 s9, $0xF00;
	(pc) =	sbr.rel .LBB2_1-.Ltmp0, $4  }
0x10: {  	v8 =	vor.u32 $0x470, v0;
	v12 =	vshrl.u32 v0, $0x3;
	v11 =	vand.u32 $0x7, v0;
	[dreg:$0x4] =	wrdreg s3;
	s30 =	sadd.s32 $0xFF, s9;
	s26 =	sshll.u32 s5, $0xA  }
0x11: {  	v12 =	vmul.u32 $0x8, v12;
	v1 =	vadd.s32 s8, v1;
	v2 =	vadd.s32 s8, v2;
	[smem:$0x7FC] =	sst s0;
	s0 =	simm.s32 @!p0 $0x0;
	s3 =	ssub.s32 $0x200, s26  }
0x12: {  	v3 =	vadd.s32 s8, v3;
	v4 =	vadd.s32 s8, v4;
	v5 =	vadd.s32 s8, v5;
	[dreg:$0x6] =	wrdreg s30;
	s0 =	simm.s32 @p0 $0x1;
	s29 =	sshra.s32 s3, $0x2  }
0x13: {  	v6 =	vadd.s32 s8, v6;
	v7 =	vadd.s32 s8, v7;
	v8 =	vadd.s32 s8, v8;
	s23 =	simm.s32 $0x0;
	[smem:$0x7FD] =	sst s0;
	s13 =	sadd.s32 $0x1180, s29  }
.LBB2_38:
0x14: {  	v33 =	vadd.f32 v34, v33;
	s0 =	ssub.s32 s25, s8  }
0x15: {  	s2 =	sshll.u32 s25, $0x7;
	s1 =	sshll.u32 s0, $0x8  }
0x16: {  	s2 =	sand.u32 $0x380, s2;
	v33 =	vmul.f32 $7.812500000e-03, v33;
	s1 =	sand.u32 $0xFFFFF800, s1  }
0x17: {  	v28 =	vmul.f32 $7.812500000e-03, v28;
	s1 =	sor.u32 s2, s1  }
0x18: {  	v27 =	vmul.f32 $7.812500000e-03, v27;
	s2 =	sadd.s32 $0x11180, s1;
	[tilespmem:s1+$0x11180] =	vst v33  }
0x19: {  	v22 =	vmul.f32 $7.812500000e-03, v22;
	[tilespmem:s2+$0x10] =	vst v28  }
0x1a: {  	v18 =	vmul.f32 $7.812500000e-03, v18;
	[tilespmem:s2+$0x20] =	vst v27  }
0x1b: {  	v55 =	vmul.f32 $7.812500000e-03, v23;
	[tilespmem:s2+$0x30] =	vst v22  }
0x1c: {  	v56 =	vmul.f32 $7.812500000e-03, v19;
	[tilespmem:s2+$0x40] =	vst v18  }
0x1d: {  	v57 =	vmul.f32 $7.812500000e-03, v24;
	[tilespmem:s2+$0x50] =	vst v55  }
0x1e: {  	v58 =	vmul.f32 $7.812500000e-03, v20;
	[tilespmem:s2+$0x60] =	vst v56  }
0x1f: {  	v15 =	vadd.f32 v29, v15;
	v59 =	vmul.f32 $7.812500000e-03, v21;
	[tilespmem:s2+$0x70] =	vst v57  }
0x20: {  	v60 =	vadd.f32 v30, v25;
	v16 =	vmul.f32 $7.812500000e-03, v16;
	[tilespmem:s2+$0x400] =	vst v58  }
0x21: {  	v17 =	vadd.f32 v32, v17;
	v15 =	vmul.f32 $7.812500000e-03, v15;
	[tilespmem:s2+$0x410] =	vst v59  }
0x22: {  	v62 =	vmul.f32 $7.812500000e-03, v60;
	[tilespmem:s2+$0x420] =	vst v16  }
0x23: {  	v61 =	vadd.f32 v31, v26;
	v63 =	vmul.f32 $7.812500000e-03, v17;
	[tilespmem:s2+$0x430] =	vst v15  }
0x24: {  	v14 =	vmul.f32 $7.812500000e-03, v14;
	[tilespmem:s2+$0x440] =	vst v62  }
0x25: {  	v15 =	vmul.f32 $7.812500000e-03, v61;
	[tilespmem:s2+$0x460] =	vst v63  }
0x26: {  	s29 =	sand.u32 $0x70, s25;
	s0 =	sand.u32 $0xFFFFFF80, s0;
	[tilespmem:s2+$0x470] =	vst v14  }
0x27: {  	s0 =	sor.u32 s29, s0;
	[tilespmem:s2+$0x450] =	vst v15  }
0x28: {  	v14 =	vld [tilespmem:s0+$0x19180];
	_ =	sdelay $0x1  }
0x29: {  	s30 =	sand.u32 $0xF, s25  }
0x2a: {  	v13 =	vbroadcast v13, $0x0;
	v15 =	vmov s30  }
0x2b: {  	vm1 =	veq.s32 v15, v0  }
0x2c: {  	v13 =	vsel vm1, v13, v14  }
0x2d: {  	[tilespmem:s0+$0x19180] =	vst v13  }
.LBB2_39:
0x2e: {  	v13 =	vld [tilespmem:$0x19180];
	_ =	sdelay $0x4  }
0x2f: {  	v14 =	vshll.u32 v13, $0x1  }
0x30: {  	v13 =	vand.u32 $0x7, v13;
	v14 =	vand.u32 $0xFFFFFFF0, v14  }
0x31: {  	v13 =	vor.u32 v13, v14  }
0x32: {  	v14 =	vperm.xlane v13, v11  }
0x33: {  	v15 =	vor.u32 $0x8, v0  }
0x34: {  	v13 =	vperm.xlane v13, v15;
	v14 =	vadd.s32 v12, v14;
	_ =	sdelay $0x1  }
0x35: {  	v13 =	vadd.s32 v12, v13;
	_ =	sdelay $0x1  }
0x36: {  	s0 =	simm.s32 $0x11180  }
0x37: {  	[hbm4b:s6+s4] =	stream.indirect_vreg.scatter [tilespmem:s0], [sflag:$0x3], $0x80, v14, vm0, $0xb8;
	[tilespmem:$0x19400] =	vst v63  }
0x38: {  	s3 =	simm.s32 $0x11980  }
0x39: {  	[hbm4b:s6+s4] =	stream.indirect_vreg.scatter [tilespmem:s3], [sflag:$0x3], $0x80, v13, vm0, $0xb8;
	[tilespmem:$0x19400] =	vst v63  }
0x3a: {  	v13 =	vld [tilespmem:$0x19190];
	_ =	sdelay $0x4  }
0x3b: {  	v14 =	vshll.u32 v13, $0x1  }
0x3c: {  	v13 =	vand.u32 $0x7, v13;
	v14 =	vand.u32 $0xFFFFFFF0, v14  }
0x3d: {  	v13 =	vor.u32 v13, v14  }
0x3e: {  	v14 =	vperm.xlane v13, v11;
	_ =	sdelay $0x1  }
0x3f: {  	v13 =	vperm.xlane v13, v15;
	v14 =	vadd.s32 v12, v14;
	_ =	sdelay $0x1  }
0x40: {  	v13 =	vadd.s32 v12, v13;
	_ =	sdelay $0x1  }
0x41: {  	s5 =	simm.s32 $0x12180  }
0x42: {  	[hbm4b:s6+s4] =	stream.indirect_vreg.scatter [tilespmem:s5], [sflag:$0x3], $0x80, v14, vm0, $0xb8;
	[tilespmem:$0x19400] =	vst v63  }
0x43: {  	s7 =	simm.s32 $0x12980  }
0x44: {  	[hbm4b:s6+s4] =	stream.indirect_vreg.scatter [tilespmem:s7], [sflag:$0x3], $0x80, v13, vm0, $0xb8;
	[tilespmem:$0x19400] =	vst v63  }
0x45: {  	v13 =	vld [tilespmem:$0x191A0];
	_ =	sdelay $0x4  }
0x46: {  	v14 =	vshll.u32 v13, $0x1  }
0x47: {  	v13 =	vand.u32 $0x7, v13;
	v14 =	vand.u32 $0xFFFFFFF0, v14  }
0x48: {  	v13 =	vor.u32 v13, v14  }
0x49: {  	v14 =	vperm.xlane v13, v11;
	_ =	sdelay $0x1  }
0x4a: {  	v13 =	vperm.xlane v13, v15;
	v14 =	vadd.s32 v12, v14;
	_ =	sdelay $0x1  }
0x4b: {  	v13 =	vadd.s32 v12, v13;
	_ =	sdelay $0x1  }
0x4c: {  	s12 =	simm.s32 $0x13180  }
0x4d: {  	[hbm4b:s6+s4] =	stream.indirect_vreg.scatter [tilespmem:s12], [sflag:$0x3], $0x80, v14, vm0, $0xb8;
	[tilespmem:$0x19400] =	vst v63  }
0x4e: {  	s14 =	simm.s32 $0x13980  }
0x4f: {  	[hbm4b:s6+s4] =	stream.indirect_vreg.scatter [tilespmem:s14], [sflag:$0x3], $0x80, v13, vm0, $0xb8;
	[tilespmem:$0x19400] =	vst v63  }
0x50: {  	v13 =	vld [tilespmem:$0x191B0];
	_ =	sdelay $0x4  }
0x51: {  	v14 =	vshll.u32 v13, $0x1  }
0x52: {  	v13 =	vand.u32 $0x7, v13;
	v14 =	vand.u32 $0xFFFFFFF0, v14  }
0x53: {  	v13 =	vor.u32 v13, v14  }
0x54: {  	v14 =	vperm.xlane v13, v11;
	_ =	sdelay $0x1  }
0x55: {  	v13 =	vperm.xlane v13, v15;
	v14 =	vadd.s32 v12, v14;
	_ =	sdelay $0x1  }
0x56: {  	v13 =	vadd.s32 v12, v13;
	_ =	sdelay $0x1  }
0x57: {  	s15 =	simm.s32 $0x14180  }
0x58: {  	[hbm4b:s6+s4] =	stream.indirect_vreg.scatter [tilespmem:s15], [sflag:$0x3], $0x80, v14, vm0, $0xb8;
	[tilespmem:$0x19400] =	vst v63  }
0x59: {  	s16 =	simm.s32 $0x14980  }
0x5a: {  	[hbm4b:s6+s4] =	stream.indirect_vreg.scatter [tilespmem:s16], [sflag:$0x3], $0x80, v13, vm0, $0xb8;
	[tilespmem:$0x19400] =	vst v63  }
0x5b: {  	v13 =	vld [tilespmem:$0x191C0];
	_ =	sdelay $0x4  }
0x5c: {  	v14 =	vshll.u32 v13, $0x1  }
0x5d: {  	v13 =	vand.u32 $0x7, v13;
	v14 =	vand.u32 $0xFFFFFFF0, v14  }
0x5e: {  	v13 =	vor.u32 v13, v14  }
0x5f: {  	v14 =	vperm.xlane v13, v11;
	_ =	sdelay $0x1  }
0x60: {  	v13 =	vperm.xlane v13, v15;
	v14 =	vadd.s32 v12, v14;
	_ =	sdelay $0x1  }
0x61: {  	v13 =	vadd.s32 v12, v13;
	_ =	sdelay $0x1  }
0x62: {  	s21 =	simm.s32 $0x15180  }
0x63: {  	[hbm4b:s6+s4] =	stream.indirect_vreg.scatter [tilespmem:s21], [sflag:$0x3], $0x80, v14, vm0, $0xb8;
	[tilespmem:$0x19400] =	vst v63  }
0x64: {  	s22 =	simm.s32 $0x15980  }
0x65: {  	[hbm4b:s6+s4] =	stream.indirect_vreg.scatter [tilespmem:s22], [sflag:$0x3], $0x80, v13, vm0, $0xb8;
	[tilespmem:$0x19400] =	vst v63  }
0x66: {  	v13 =	vld [tilespmem:$0x191D0];
	_ =	sdelay $0x4  }
0x67: {  	v14 =	vshll.u32 v13, $0x1  }
0x68: {  	v13 =	vand.u32 $0x7, v13;
	v14 =	vand.u32 $0xFFFFFFF0, v14  }
0x69: {  	v13 =	vor.u32 v13, v14  }
0x6a: {  	v14 =	vperm.xlane v13, v11;
	_ =	sdelay $0x1  }
0x6b: {  	v13 =	vperm.xlane v13, v15;
	v14 =	vadd.s32 v12, v14;
	_ =	sdelay $0x1  }
0x6c: {  	v13 =	vadd.s32 v12, v13;
	_ =	sdelay $0x1  }
0x6d: {  	s24 =	simm.s32 $0x16180  }
0x6e: {  	[hbm4b:s6+s4] =	stream.indirect_vreg.scatter [tilespmem:s24], [sflag:$0x3], $0x80, v14, vm0, $0xb8;
	[tilespmem:$0x19400] =	vst v63  }
0x6f: {  	s25 =	simm.s32 $0x16980  }
0x70: {  	[hbm4b:s6+s4] =	stream.indirect_vreg.scatter [tilespmem:s25], [sflag:$0x3], $0x80, v13, vm0, $0xb8;
	[tilespmem:$0x19400] =	vst v63  }
0x71: {  	v13 =	vld [tilespmem:$0x191E0];
	_ =	sdelay $0x4  }
0x72: {  	v14 =	vshll.u32 v13, $0x1  }
0x73: {  	v13 =	vand.u32 $0x7, v13;
	v14 =	vand.u32 $0xFFFFFFF0, v14  }
0x74: {  	v13 =	vor.u32 v13, v14  }
0x75: {  	v14 =	vperm.xlane v13, v11;
	_ =	sdelay $0x1  }
0x76: {  	v13 =	vperm.xlane v13, v15;
	v14 =	vadd.s32 v12, v14;
	_ =	sdelay $0x1  }
0x77: {  	v13 =	vadd.s32 v12, v13;
	_ =	sdelay $0x1  }
0x78: {  	s26 =	simm.s32 $0x17180  }
0x79: {  	[hbm4b:s6+s4] =	stream.indirect_vreg.scatter [tilespmem:s26], [sflag:$0x3], $0x80, v14, vm0, $0xb8;
	[tilespmem:$0x19400] =	vst v63  }
0x7a: {  	s28 =	simm.s32 $0x17980  }
0x7b: {  	[hbm4b:s6+s4] =	stream.indirect_vreg.scatter [tilespmem:s28], [sflag:$0x3], $0x80, v13, vm0, $0xb8;
	[tilespmem:$0x19400] =	vst v63  }
0x7c: {  	v13 =	vld [tilespmem:$0x191F0];
	_ =	sdelay $0x4  }
0x7d: {  	v14 =	vshll.u32 v13, $0x1  }
0x7e: {  	v13 =	vand.u32 $0x7, v13;
	v14 =	vand.u32 $0xFFFFFFF0, v14  }
0x7f: {  	v13 =	vor.u32 v13, v14  }
0x80: {  	v14 =	vperm.xlane v13, v11;
	_ =	sdelay $0x1  }
0x81: {  	v13 =	vperm.xlane v13, v15;
	v14 =	vadd.s32 v12, v14;
	_ =	sdelay $0x1  }
0x82: {  	v13 =	vadd.s32 v12, v13  }
0x83: {  	s23 =	sadd.s32 $0x1, s23  }
0x84: {  	s29 =	simm.s32 $0x18180;
	p0 =	sne.s32 s23, s11  }
0x85: {  	[hbm4b:s6+s4] =	stream.indirect_vreg.scatter [tilespmem:s29], [sflag:$0x3], $0x80, v14, vm0, $0xb8;
	[tilespmem:$0x19400] =	vst v63  }
.Ltmp1:
0x86: {  	s30 =	simm.s32 $0x18980;
	(pc) =	sbr.rel @!p0 .LBB2_40-.Ltmp1, $4  }
0x87: {  	[hbm4b:s6+s4] =	stream.indirect_vreg.scatter [tilespmem:s30], [sflag:$0x3], $0x80, v13, vm0, $0xb8;
	[tilespmem:$0x19400] =	vst v63  }
0x88: {  	_ =	swait.ge [sflag:s20], $0x8000  }
0x89: {  	[sflag:s20] =	ssyncset.done $0x0  }
0x8a: {  	[sflag:s20] =	ssyncadd.s32 $0xFFFF8000  }
.LBB2_1:
0x8b: {  	s0 =	rddreg [dreg:$0x1]  }
0x8c: {  	[tilespmem:s4], [sflag:$0x1] =	stream.linear.gather [hbm4b:s0+s4], $0x1000, $0x38;
	[tilespmem:$0x19400] =	vst v63  }
0x8d: {  	s28 =	rddreg [dreg:$0x4];
	s1 =	simm.s32 $0x1180  }
0x8e: {  	[tilespmem:s1], [sflag:$0x2] =	stream.linear.gather [hbm4b:s28+s4], $0x10000, $0x38;
	[tilespmem:$0x19400] =	vst v63  }
0x8f: {  	[tilespmem:$0x1000] =	vst v9  }
0x90: {  	[tilespmem:$0x1010] =	vst v9  }
0x91: {  	[tilespmem:$0x1020] =	vst v9  }
0x92: {  	[tilespmem:$0x1030] =	vst v9  }
0x93: {  	[tilespmem:$0x1040] =	vst v9  }
0x94: {  	[tilespmem:$0x1050] =	vst v9  }
0x95: {  	[tilespmem:$0x1060] =	vst v9  }
0x96: {  	[tilespmem:$0x1070] =	vst v9  }
0x97: {  	[tilespmem:$0x1080] =	vst v9  }
0x98: {  	[tilespmem:$0x1090] =	vst v9  }
0x99: {  	[tilespmem:$0x10A0] =	vst v9  }
0x9a: {  	[tilespmem:$0x10B0] =	vst v9  }
0x9b: {  	[tilespmem:$0x10C0] =	vst v9  }
0x9c: {  	[tilespmem:$0x10D0] =	vst v9  }
0x9d: {  	[tilespmem:$0x10E0] =	vst v9  }
0x9e: {  	[tilespmem:$0x10F0] =	vst v9  }
0x9f: {  	[tilespmem:$0x1100] =	vst v9  }
0xa0: {  	_ =	swait.ge [sflag:s17], $0x1000  }
0xa1: {  	[sflag:s17] =	ssyncset.done $0x0  }
0xa2: {  	[sflag:s17] =	ssyncadd.s32 $0xFFFFF000  }
0xa3: {  	[tilespmem:$0x19180] =	vst v1  }
0xa4: {  	[tilespmem:$0x19190] =	vst v2  }
0xa5: {  	[tilespmem:$0x191A0] =	vst v3  }
0xa6: {  	[tilespmem:$0x191B0] =	vst v4  }
0xa7: {  	[tilespmem:$0x191C0] =	vst v5  }
0xa8: {  	[tilespmem:$0x191D0] =	vst v6  }
0xa9: {  	[tilespmem:$0x191E0] =	vst v7  }
0xaa: {  	s29 =	rddreg [dreg:$0x5];
	[tilespmem:$0x191F0] =	vst v8  }
0xab: {  	v13 =	vld [tilespmem:s29+$0xFFFFFFFF]  }
0xac: {  	v14 =	vld [tilespmem:s31+$0xFFFFFFFC];
	_ =	sdelay $0x3  }
0xad: {  	(v2sf) =	vpush v13, $0x0  }
0xae: {  	v13 =	vld [tilespmem:s31+$0xFFFFFFFD];
	(v2sf) =	vpush v14, $0x0;
	_ =	sdelay $0x3  }
0xaf: {  	v14 =	vld [tilespmem:s31+$0xFFFFFFFE]  }
0xb0: {  	(v2sf) =	vpush v13, $0x0;
	_ =	sdelay $0x2  }
0xb1: {  	v15 =	vld [tilespmem:s31+$0xFFFFFFFF]  }
0xb2: {  	(v2sf) =	vpush v14, $0x0;
	_ =	sdelay $0x1  }
0xb3: {  	s30 =	sld [smem:$0x7FC];
	v16 =	vld [tilespmem:s31+$0x0]  }
0xb4: {  	v17 =	vld [tilespmem:s31+$0x1]  }
0xb5: {  	s5 =	sadd.s32 $0xFFFFFFF8, s9;
	s3 =	smov.u32 s8;
	(v2sf) =	vpush v15, $0x0  }
0xb6: {  	s24 =	smov.u32 s8;
	p0 =	seq.s32 s30, $0x1;
	s1 =	spop (v2sf)  }
0xb7: {  	s0 =	simm.s32 $0x0;
	s1 =	simm.s32 @p0 $0xFFFFFFFE;
	s2 =	spop (v2sf)  }
0xb8: {  	s14 =	sadd.s32 $0x8, s5;
	s12 =	sadd.s32 $0x9, s5;
	v13 =	vld [tilespmem:s31+$0x2];
	(v2sf) =	vpush v16, $0x0;
	p0 =	seq.s32 s2, s1  }
0xb9: {  	p1 =	seq.s32 s14, s8;
	v14 =	vld [tilespmem:s31+$0x3];
	(v2sf) =	vpush v17, $0x0;
	s2 =	sadd.s32 $0x8, s31;
	s3 =	smov.u32 @p0 s12  }
.LBB2_2:
0xba: {  	s24 =	smov.u32 @p1 s3  }
0xbb: {  	v15 =	vld [tilespmem:s2+$0xFFFFFFFC];
	s14 =	sadd.s32 $0xA, s5;
	s3 =	smov.u32 s0;
	s0 =	sadd.s32 $0x8, s0  }
0xbc: {  	p0 =	seq.s32 s12, s24;
	s12 =	spop (v2sf)  }
0xbd: {  	p2 =	slt.u32 s0, $0x78;
	(v2sf) =	vpush v13, $0x0;
	p1 =	seq.s32 s12, s1;
	s12 =	smov.u32 s24  }
0xbe: {  	s12 =	smov.u32 @p0 s14  }
0xbf: {  	s24 =	smov.u32 @p1 s12  }
0xc0: {  	p0 =	seq.s32 s14, s24;
	s14 =	spop (v2sf)  }
0xc1: {  	s12 =	sadd.s32 $0xB, s5;
	v13 =	vld [tilespmem:s2+$0xFFFFFFFD];
	(v2sf) =	vpush v14, $0x0;
	p1 =	seq.s32 s14, s1;
	s14 =	smov.u32 s24  }
0xc2: {  	(v2sf) =	vpush v15, $0x0;
	s14 =	smov.u32 @p0 s12  }
0xc3: {  	s24 =	smov.u32 @p1 s14  }
0xc4: {  	p0 =	seq.s32 s12, s24;
	s14 =	spop (v2sf)  }
0xc5: {  	v14 =	vld [tilespmem:s2+$0xFFFFFFFE];
	s12 =	sadd.s32 $0xC, s5;
	p1 =	seq.s32 s14, s1;
	s14 =	smov.u32 s24  }
0xc6: {  	s14 =	smov.u32 @p0 s12  }
0xc7: {  	(v2sf) =	vpush v13, $0x0;
	s24 =	smov.u32 @p1 s14  }
0xc8: {  	p0 =	seq.s32 s12, s24;
	s14 =	spop (v2sf)  }
0xc9: {  	v13 =	vld [tilespmem:s2+$0xFFFFFFFF];
	s12 =	sadd.s32 $0xD, s5;
	p1 =	seq.s32 s14, s1;
	s14 =	smov.u32 s24  }
0xca: {  	s14 =	smov.u32 @p0 s12  }
0xcb: {  	(v2sf) =	vpush v14, $0x0;
	s24 =	smov.u32 @p1 s14  }
0xcc: {  	p0 =	seq.s32 s12, s24;
	s14 =	spop (v2sf)  }
0xcd: {  	v14 =	vld [tilespmem:s2+$0x0];
	s12 =	sadd.s32 $0xE, s5;
	p1 =	seq.s32 s14, s1;
	s14 =	smov.u32 s24  }
0xce: {  	s14 =	smov.u32 @p0 s12  }
0xcf: {  	(v2sf) =	vpush v13, $0x0;
	s24 =	smov.u32 @p1 s14  }
0xd0: {  	p0 =	seq.s32 s12, s24;
	s14 =	spop (v2sf)  }
0xd1: {  	s12 =	sadd.s32 $0xF, s5;
	p1 =	seq.s32 s14, s1;
	s14 =	smov.u32 s24  }
0xd2: {  	v15 =	vld [tilespmem:s2+$0x1];
	s14 =	smov.u32 @p0 s12  }
0xd3: {  	s24 =	smov.u32 @p1 s14  }
0xd4: {  	(v2sf) =	vpush v14, $0x0;
	s14 =	sadd.s32 $0x10, s5;
	s5 =	sadd.s32 s3, s9;
	p0 =	seq.s32 s12, s24  }
.Ltmp2:
0xd5: {  	s12 =	spop (v2sf);
	s16 =	smov.u32 s24;
	(pc) =	sbr.rel @p2 .LBB2_2-.Ltmp2, $4  }
0xd6: {  	s3 =	sadd.s32 $0x8, s5;
	v13 =	vld [tilespmem:s2+$0x2];
	p1 =	seq.s32 s12, s1;
	s16 =	smov.u32 @p0 s14  }
0xd7: {  	s15 =	spop (v2sf);
	s12 =	sadd.s32 $0x9, s5;
	s24 =	smov.u32 @p1 s16  }
0xd8: {  	p0 =	seq.s32 s15, s1;
	(v2sf) =	vpush v15, $0x0;
	p1 =	seq.s32 s3, s24;
	s3 =	smov.u32 s24  }
0xd9: {  	v14 =	vld [tilespmem:s2+$0x3];
	s2 =	sadd.s32 $0x8, s2;
	s3 =	smov.u32 @p0 s12  }
0xda: {  	[tilespmem:$0x19300] =	vst v10  }
0xdb: {  	s24 =	smov.u32 @p1 s3;
	[tilespmem:$0x19310] =	vst v10;
	s0 =	sadd.s32 $0xA, s5  }
0xdc: {  	s2 =	spop (v2sf);
	[tilespmem:$0x19320] =	vst v10;
	p0 =	seq.s32 s12, s24;
	s3 =	smov.u32 s24  }
0xdd: {  	[tilespmem:$0x19330] =	vst v10;
	s26 =	simm.s32 $0x0;
	p1 =	seq.s32 s2, s1;
	s3 =	smov.u32 @p0 s0  }
0xde: {  	[tilespmem:$0x19340] =	vst v10;
	(v2sf) =	vpush v13, $0x0;
	s15 =	spop (v2sf);
	s21 =	sand.u32 $0x7C, s26;
	s24 =	smov.u32 @p1 s3  }
0xdf: {  	[tilespmem:$0x19350] =	vst v10;
	p0 =	seq.s32 s0, s24;
	s0 =	sadd.s32 $0xB, s5;
	s3 =	smov.u32 s24  }
0xe0: {  	[tilespmem:$0x19360] =	vst v10;
	s12 =	sadd.s32 $0xC, s5;
	p1 =	seq.s32 s15, s1;
	s3 =	smov.u32 @p0 s0  }
0xe1: {  	[tilespmem:$0x19370] =	vst v10;
	(v2sf) =	vpush v14, $0x0;
	s14 =	spop (v2sf);
	s24 =	smov.u32 @p1 s3;
	s3 =	sadd.s32 $0x0, s9  }
0xe2: {  	[tilespmem:$0x19380] =	vst v10;
	p0 =	seq.s32 s0, s24;
	s16 =	sand.u32 $0x1F80, s3;
	s15 =	smov.u32 s24  }
0xe3: {  	v13 =	vld [tilespmem:s18+$0x0];
	p1 =	seq.s32 s14, s1;
	s0 =	sor.u32 s21, s16;
	s15 =	smov.u32 @p0 s12  }
0xe4: {  	v14 =	vld [tilespmem:s0+$0x1];
	s24 =	smov.u32 @p1 s15;
	s0 =	sadd.s32 $0xD, s5  }
0xe5: {  	s22 =	spop (v2sf);
	p0 =	seq.s32 s12, s24;
	s14 =	smov.u32 s24  }
0xe6: {  	p1 =	seq.s32 s22, s1;
	s14 =	smov.u32 @p0 s0  }
0xe7: {  	s24 =	smov.u32 @p1 s14  }
0xe8: {  	p0 =	seq.s32 s0, s24  }
0xe9: {  	(v2sf) =	vpush v13, $0x0;
	s0 =	sadd.s32 $0xE, s5;
	s25 =	spop (v2sf);
	s14 =	smov.u32 s24  }
0xea: {  	(v2sf) =	vpush v14, $0x0;
	p1 =	seq.s32 s25, s1;
	s14 =	smov.u32 @p0 s0  }
0xeb: {  	s24 =	smov.u32 @p1 s14  }
0xec: {  	p0 =	seq.s32 s0, s24  }
0xed: {  	s0 =	sadd.s32 $0xF, s5;
	s7 =	spop (v2sf);
	s14 =	smov.u32 s24  }
0xee: {  	p1 =	seq.s32 s7, s1;
	s14 =	smov.u32 @p0 s0  }
0xef: {  	s5 =	sadd.s32 $0x10, s5;
	s24 =	smov.u32 @p1 s14  }
0xf0: {  	p0 =	seq.s32 s0, s24;
	s15 =	spop (v2sf);
	s12 =	smov.u32 s24  }
0xf1: {  	p1 =	seq.s32 s15, s1;
	s12 =	smov.u32 @p0 s5  }
0xf2: {  	s24 =	smov.u32 @p1 s12  }
0xf3: {  	p2 =	por $0x1, $0x1;
	p4 =	sge.s32 s3, s24  }
0xf4: {  	p0 =	por !p2, !p4  }
0xf5: {  	p5 =	por $0x0, $0x0;
	p0 =	por !p0, !p0  }
0xf6: {  	s0 =	simm.s32 $0x1;
	p1 =	por p0, p5  }
0xf7: {  	s0 =	simm.s32 @!p1 $0x0  }
0xf8: {  	s12 =	smov.u32 s8;
	s1 =	spop (v2sf);
	s0 =	sadd.s32 $0x0, s0  }
0xf9: {  	p1 =	por $0x1, $0x1;
	p5 =	slt.s32 s0, $0x1;
	s14 =	spop (v2sf)  }
0xfa: {  	s25 =	smov.u32 s8;
	s12 =	smov.u32 @p1 s3;
	p4 =	seq.s32 @!p5 s14, s1  }
0xfb: {  	s25 =	smov.u32 @p0 s12;
	p1 =	por p4, p5  }
0xfc: {  	s3 =	ssub.s32 @!p1 s25, s8  }
0xfd: {  	s12 =	sand.u32 @!p1 $0x70, s25;
	s3 =	sand.u32 @!p1 $0xFFFFFF80, s3  }
0xfe: {  	s3 =	sor.u32 @!p1 s12, s3  }
0xff: {  	v13 =	vld @!p1 [tilespmem:s3+$0x19180]  }
0x100: {  	s12 =	sadd.s32 @!p1 $0xFFFFFFFC, s9;
	v15 =	vld @!p1 [tilespmem:s3+$0x19300]  }
0x101: {  	s15 =	sand.u32 @!p1 $0xF, s25;
	s12 =	sadd.s32 @!p1 $0xFFFFFF85, s12;
	v16 =	vld @!p1 [tilespmem:s3+$0x19200]  }
0x102: {  	v18 =	vlaneseq.u32 @!p1;
	v17 =	vmov @!p1 s15;
	p0 =	sgt.s32 @!p1 s25, s12  }
0x103: {  	vm1 =	veq.s32 @!p1 v17, v18;
	p0 =	por @!p5 !p0, p4  }
0x104: {  	p0 =	por !p0, p5;
	v13 =	vsel @!p1 vm1, s1, v13  }
0x105: {  	s12 =	smov.u32 @p0 s25;
	v15 =	vsel @!p1 vm1, s0, v15;
	[tilespmem:s3+$0x19180] =	vst @!p1 v13  }
0x106: {  	v13 =	vsel @!p1 vm1, s12, v16;
	[tilespmem:s3+$0x19300] =	vst @!p1 v15  }
0x107: {  	[tilespmem:s3+$0x19200] =	vst @!p1 v13  }
0x108: {  	v13 =	vld [tilespmem:s31+$0xFFFFFFFE];
	_ =	sdelay $0x4  }
0x109: {  	(v2sf) =	vpush v13, $0x0;
	_ =	sdelay $0x8  }
0x10a: {  	s28 =	sadd.s32 $0xFFFFFFFC, s9  }
0x10b: {  	p0 =	por !p4, p5;
	s1 =	sadd.s32 $0x5, s28;
	s3 =	smov.u32 s0  }
0x10c: {  	p3 =	por p2, p2;
	p6 =	sge.s32 s1, s24;
	s3 =	simm.s32 @p0 $0x0  }
0x10d: {  	p1 =	por !p3, !p6;
	s3 =	smov.u32 @p5 s0  }
0x10e: {  	p0 =	por !p1, !p1;
	p2 =	sgt.s32 s3, $0x0  }
0x10f: {  	s0 =	simm.s32 $0x1;
	p1 =	por p0, p2  }
0x110: {  	s15 =	smov.u32 s25;
	s0 =	simm.s32 @!p1 $0x0;
	s16 =	spop (v2sf)  }
0x111: {  	p1 =	seq.s32 s3, $0x0;
	s0 =	sadd.s32 s0, s3;
	p2 =	seq.s32 s16, s14  }
0x112: {  	s15 =	smov.u32 @p1 s1;
	p4 =	slt.s32 @!p2 s0, $0x1  }
0x113: {  	s25 =	smov.u32 @p0 s15;
	p1 =	por p4, p2  }
0x114: {  	s1 =	ssub.s32 @!p1 s25, s8  }
0x115: {  	s3 =	sand.u32 @!p1 $0x70, s25;
	s1 =	sand.u32 @!p1 $0xFFFFFF80, s1  }
0x116: {  	s14 =	sadd.s32 @!p1 $0xFFFFFFFC, s9;
	s1 =	sor.u32 @!p1 s3, s1  }
0x117: {  	s3 =	sadd.s32 @!p1 $0xFFFFFF86, s14;
	v15 =	vld @!p1 [tilespmem:s1+$0x19200]  }
0x118: {  	p0 =	sgt.s32 @!p1 s25, s3;
	v17 =	vld @!p1 [tilespmem:s1+$0x19180]  }
0x119: {  	s14 =	sand.u32 @!p1 $0xF, s25;
	v16 =	vld @!p1 [tilespmem:s1+$0x19300];
	p0 =	por @!p2 !p0, p4  }
0x11a: {  	v19 =	vlaneseq.u32 @!p1;
	v18 =	vmov @!p1 s14;
	p0 =	por !p0, p2  }
0x11b: {  	v14 =	vbroadcast @!p1 v14, $0x0;
	vm1 =	veq.s32 @!p1 v18, v19;
	s3 =	smov.u32 @p0 s25  }
0x11c: {  	v15 =	vsel @!p1 vm1, s3, v15  }
0x11d: {  	s3 =	sadd.s32 $0x6, s28;
	v14 =	vsel @!p1 vm1, v14, v17;
	[tilespmem:s1+$0x19200] =	vst @!p1 v15  }
0x11e: {  	v15 =	vsel @!p1 vm1, s0, v16;
	s22 =	sand.u32 $0x1F80, s3;
	[tilespmem:s1+$0x19180] =	vst @!p1 v14  }
0x11f: {  	[tilespmem:s1+$0x19300] =	vst @!p1 v15;
	s2 =	sor.u32 s21, s22  }
0x120: {  	v14 =	vld [tilespmem:s2+$0x3];
	_ =	sdelay $0x4  }
0x121: {  	(v2sf) =	vpush v14, $0x0;
	_ =	sdelay $0x9  }
0x122: {  	p0 =	por !p4, p2;
	s1 =	smov.u32 s0  }
0x123: {  	p4 =	sge.s32 s3, s24;
	s1 =	simm.s32 @p0 $0x0  }
0x124: {  	p5 =	por !p3, !p4;
	s1 =	smov.u32 @p2 s0  }
0x125: {  	p0 =	por !p5, !p5;
	p6 =	sgt.s32 s1, $0x0  }
0x126: {  	s0 =	simm.s32 $0x1;
	p1 =	por p0, p6  }
0x127: {  	s14 =	smov.u32 s25;
	s0 =	simm.s32 @!p1 $0x0;
	s2 =	spop (v2sf)  }
0x128: {  	p1 =	seq.s32 s1, $0x0;
	s21 =	sadd.s32 s0, s1;
	p4 =	seq.s32 s2, s16  }
0x129: {  	s29 =	simm.s32 $0xFFFFFFFC;
	s14 =	smov.u32 @p1 s3;
	p6 =	slt.s32 @!p4 s21, $0x1  }
0x12a: {  	s30 =	smov.u32 s31;
	s25 =	smov.u32 @p0 s14;
	p5 =	por p6, p4  }
0x12b: {  	p0 =	por !p6, p4;
	s0 =	ssub.s32 @!p5 s25, s8;
	s1 =	sadd.s32 @!p5 $0xFFFFFFFC, s9  }
0x12c: {  	s3 =	sand.u32 @!p5 $0xF, s25;
	s12 =	sand.u32 @!p5 $0x70, s25;
	s16 =	sadd.s32 @!p5 $0xFFFFFF87, s1  }
0x12d: {  	s1 =	sand.u32 @!p5 $0xFFFFFF80, s0;
	s0 =	smov.u32 s21;
	p1 =	sgt.s32 @!p5 s25, s16  }
0x12e: {  	v13 =	vbroadcast @!p5 v13, $0x0;
	v15 =	vmov @!p5 s3;
	s14 =	sor.u32 @!p5 s12, s1;
	s0 =	simm.s32 @p0 $0x0;
	s12 =	smov.u32 s31  }
.LBB2_4:
0x12f: {  	s22 =	smov.u32 s26;
	s26 =	sadd.s32 $0x4, s26;
	v18 =	vld @!p5 [tilespmem:s14+$0x19180]  }
0x130: {  	v16 =	vld @!p5 [tilespmem:s14+$0x19200];
	p0 =	slt.u32 s26, $0xFC  }
0x131: {  	v17 =	vld @!p5 [tilespmem:s14+$0x19300];
	s1 =	simm.s32 @!p0 $0x0  }
0x132: {  	v19 =	vlaneseq.u32 @!p5;
	s1 =	simm.s32 @p0 $0x1;
	p0 =	por @!p4 !p1, p6  }
0x133: {  	vm1 =	veq.s32 @!p5 v15, v19;
	p0 =	por !p0, p4  }
0x134: {  	s16 =	smov.u32 @p0 s25;
	v13 =	vsel @!p5 vm1, v13, v18  }
0x135: {  	v15 =	vsel @!p5 vm1, s16, v16;
	[tilespmem:s14+$0x19180] =	vst @!p5 v13  }
0x136: {  	[tilespmem:s14+$0x19200] =	vst @!p5 v15;
	v15 =	vsel @!p5 vm1, s21, v17  }
0x137: {  	[tilespmem:s14+$0x19300] =	vst @!p5 v15  }
0x138: {  	v13 =	vld [tilespmem:s12+$0x0];
	_ =	sdelay $0x4  }
0x139: {  	(v2sf) =	vpush v13, $0x0;
	_ =	sdelay $0x5  }
0x13a: {  	s15 =	sadd.s32 s9, s26  }
0x13b: {  	p2 =	sge.s32 s15, s24;
	p6 =	slt.u32 s26, $0x80  }
0x13c: {  	p1 =	por !p6, !p2  }
0x13d: {  	p5 =	por !p1, !p1;
	s14 =	sadd.s32 $0x7, s28;
	p1 =	por p6, p6  }
0x13e: {  	s0 =	smov.u32 @p4 s21;
	p2 =	sge.s32 s14, s24;
	s5 =	simm.s32 @!p1 $0x0  }
0x13f: {  	s16 =	smov.u32 s25;
	p0 =	por !p3, !p2;
	s5 =	simm.s32 @p1 $0x1  }
0x140: {  	p3 =	sgt.s32 s0, $0x0;
	p1 =	seq.s32 s0, $0x0;
	p4 =	por !p0, !p0  }
0x141: {  	s16 =	smov.u32 @p1 s14;
	s14 =	simm.s32 $0x1;
	p0 =	por p4, p3  }
0x142: {  	s14 =	simm.s32 @!p0 $0x0  }
0x143: {  	s14 =	sadd.s32 s14, s0;
	s0 =	spop (v2sf)  }
0x144: {  	p6 =	seq.s32 s0, s2  }
0x145: {  	s3 =	sand.u32 $0x1F80, s15;
	s25 =	smov.u32 @p4 s16;
	p1 =	slt.s32 @!p6 s14, $0x1  }
0x146: {  	s21 =	smov.u32 s14;
	p4 =	por p1, p6;
	p0 =	por !p1, p6  }
0x147: {  	[smem:$0x7FA] =	sst s5;
	s2 =	ssub.s32 @!p4 s25, s8;
	s21 =	simm.s32 @p0 $0x0  }
0x148: {  	s28 =	sand.u32 @!p4 $0x70, s25;
	s2 =	sand.u32 @!p4 $0xFFFFFF80, s2;
	s21 =	smov.u32 @p6 s14  }
0x149: {  	s5 =	smov.u32 s25;
	s7 =	sor.u32 @!p4 s28, s2;
	p2 =	seq.s32 s21, $0x0  }
0x14a: {  	s16 =	sadd.s32 @!p4 s29, s9;
	s5 =	smov.u32 @p2 s15;
	s15 =	sld [smem:$0x7FA];
	v17 =	vld @!p4 [tilespmem:s7+$0x19180]  }
0x14b: {  	v13 =	vbroadcast @!p4 v14, $0x0;
	s16 =	sadd.s32 @!p4 $0xFFFFFF88, s16;
	p0 =	sgt.s32 s21, $0x0;
	v14 =	vld @!p4 [tilespmem:s7+$0x19200]  }
0x14c: {  	s29 =	sand.u32 @!p4 $0xF, s25;
	p3 =	sgt.s32 @!p4 s25, s16;
	p0 =	por p5, p0;
	v16 =	vld @!p4 [tilespmem:s7+$0x19300]  }
0x14d: {  	v18 =	vlaneseq.u32 @!p4;
	v15 =	vmov @!p4 s29;
	p1 =	por @!p6 !p3, p1;
	p3 =	seq.s32 s15, $0x1;
	s15 =	simm.s32 $0x1  }
0x14e: {  	vm1 =	veq.s32 @!p4 v15, v18;
	s15 =	simm.s32 @!p0 $0x0;
	p0 =	por !p1, p6  }
0x14f: {  	s16 =	smov.u32 @p0 s25;
	v13 =	vsel @!p4 vm1, v13, v17  }
0x150: {  	v14 =	vsel @!p4 vm1, s16, v14;
	[tilespmem:s7+$0x19180] =	vst @!p4 v13  }
0x151: {  	[smem:$0x7FB] =	sst s1;
	s1 =	sand.u32 $0x7C, s26;
	[tilespmem:s7+$0x19200] =	vst @!p4 v14;
	v14 =	vsel @!p4 vm1, s14, v16  }
0x152: {  	s3 =	sor.u32 s1, s3;
	[tilespmem:s7+$0x19300] =	vst @!p4 v14  }
0x153: {  	v14 =	vld [tilespmem:s3+$0x1];
	_ =	sdelay $0x4  }
0x154: {  	(v2sf) =	vpush v14, $0x0;
	_ =	sdelay $0xc  }
0x155: {  	s29 =	smov.u32 s22  }
0x156: {  	s28 =	sadd.s32 s29, s9;
	s25 =	smov.u32 @p5 s5;
	s5 =	sadd.s32 s15, s21  }
0x157: {  	s2 =	sadd.s32 $0x5, s28;
	p5 =	slt.s32 s5, $0x1;
	s3 =	spop (v2sf)  }
0x158: {  	p6 =	sge.s32 s2, s24;
	p1 =	seq.s32 @!p5 s3, s0  }
0x159: {  	p0 =	por !p3, !p6;
	p6 =	por p1, p5  }
0x15a: {  	s7 =	ssub.s32 @!p6 s25, s8  }
0x15b: {  	s15 =	sand.u32 @!p6 $0x70, s25;
	s7 =	sand.u32 @!p6 $0xFFFFFF80, s7  }
0x15c: {  	s7 =	sor.u32 @!p6 s15, s7  }
0x15d: {  	v15 =	vld @!p6 [tilespmem:s7+$0x19180]  }
0x15e: {  	s14 =	sadd.s32 @!p6 s29, s9;
	v16 =	vld @!p6 [tilespmem:s7+$0x19300]  }
0x15f: {  	p4 =	por !p0, !p0;
	s16 =	sand.u32 @!p6 $0xF, s25;
	s14 =	sadd.s32 @!p6 $0xFFFFFF85, s14;
	v17 =	vld @!p6 [tilespmem:s7+$0x19200]  }
0x160: {  	p0 =	por !p1, p5;
	v18 =	vlaneseq.u32 @!p6;
	v13 =	vmov @!p6 s16;
	p2 =	sgt.s32 @!p6 s25, s14;
	s15 =	smov.u32 s5  }
0x161: {  	vm1 =	veq.s32 @!p6 v13, v18;
	s15 =	simm.s32 @p0 $0x0;
	p0 =	por @!p5 !p2, p1  }
0x162: {  	p0 =	por !p0, p5;
	v13 =	vsel @!p6 vm1, s0, v15  }
0x163: {  	s14 =	smov.u32 @p0 s25;
	v15 =	vsel @!p6 vm1, s5, v16;
	[tilespmem:s7+$0x19180] =	vst @!p6 v13  }
0x164: {  	v13 =	vsel @!p6 vm1, s14, v17;
	[tilespmem:s7+$0x19300] =	vst @!p6 v15  }
0x165: {  	s30 =	sadd.s32 $0x4, s30;
	[tilespmem:s7+$0x19200] =	vst @!p6 v13  }
0x166: {  	v13 =	vld [tilespmem:s30+$0xFFFFFFFE];
	_ =	sdelay $0x4  }
0x167: {  	(v2sf) =	vpush v13, $0x0;
	_ =	sdelay $0xb  }
0x168: {  	s15 =	smov.u32 @p5 s5  }
0x169: {  	p2 =	sgt.s32 s15, $0x0  }
0x16a: {  	p1 =	seq.s32 s15, $0x0;
	p0 =	por p4, p2;
	s0 =	simm.s32 $0x1  }
0x16b: {  	s5 =	smov.u32 s25;
	s0 =	simm.s32 @!p0 $0x0;
	s16 =	spop (v2sf)  }
0x16c: {  	s5 =	smov.u32 @p1 s2;
	s2 =	sadd.s32 s0, s15;
	p1 =	seq.s32 s16, s3  }
0x16d: {  	p6 =	slt.s32 @!p1 s2, $0x1  }
0x16e: {  	s7 =	sadd.s32 $0x6, s28;
	s25 =	smov.u32 @p4 s5;
	p4 =	por p6, p1  }
0x16f: {  	s15 =	sand.u32 $0x1F80, s7;
	p5 =	sge.s32 s7, s24;
	s3 =	ssub.s32 @!p4 s25, s8  }
0x170: {  	s1 =	sor.u32 s1, s15;
	s15 =	sand.u32 @!p4 $0x70, s25;
	s3 =	sand.u32 @!p4 $0xFFFFFF80, s3  }
0x171: {  	p0 =	por !p3, !p5;
	s5 =	sadd.s32 @!p4 s29, s9;
	s3 =	sor.u32 @!p4 s15, s3  }
0x172: {  	p5 =	por !p0, !p0;
	s14 =	sand.u32 @!p4 $0xF, s25;
	s5 =	sadd.s32 @!p4 $0xFFFFFF86, s5;
	v16 =	vld @!p4 [tilespmem:s3+$0x19200]  }
0x173: {  	p0 =	por !p6, p1;
	v15 =	vmov @!p4 s14;
	s14 =	smov.u32 s2;
	p2 =	sgt.s32 @!p4 s25, s5;
	v18 =	vld @!p4 [tilespmem:s3+$0x19180]  }
0x174: {  	s14 =	simm.s32 @p0 $0x0;
	p0 =	por @!p1 !p2, p6;
	v17 =	vld @!p4 [tilespmem:s3+$0x19300]  }
0x175: {  	v19 =	vlaneseq.u32 @!p4;
	p0 =	por !p0, p1  }
0x176: {  	v14 =	vbroadcast @!p4 v14, $0x0;
	vm1 =	veq.s32 @!p4 v15, v19;
	s5 =	smov.u32 @p0 s25  }
0x177: {  	v15 =	vsel @!p4 vm1, s5, v16  }
0x178: {  	v14 =	vsel @!p4 vm1, v14, v18;
	[tilespmem:s3+$0x19200] =	vst @!p4 v15  }
0x179: {  	v15 =	vsel @!p4 vm1, s2, v17;
	[tilespmem:s3+$0x19180] =	vst @!p4 v14  }
0x17a: {  	[tilespmem:s3+$0x19300] =	vst @!p4 v15  }
0x17b: {  	v14 =	vld [tilespmem:s1+$0x3];
	_ =	sdelay $0x4  }
0x17c: {  	(v2sf) =	vpush v14, $0x0;
	_ =	sdelay $0xb  }
0x17d: {  	s14 =	smov.u32 @p1 s2  }
0x17e: {  	s15 =	smov.u32 s25;
	p6 =	sgt.s32 s14, $0x0;
	p2 =	seq.s32 s14, $0x0  }
0x17f: {  	p0 =	por p5, p6;
	s15 =	smov.u32 @p2 s7;
	s7 =	simm.s32 $0x1  }
0x180: {  	s7 =	simm.s32 @!p0 $0x0;
	s2 =	spop (v2sf)  }
0x181: {  	s21 =	sadd.s32 s7, s14;
	p4 =	seq.s32 s2, s16  }
0x182: {  	p6 =	slt.s32 @!p4 s21, $0x1  }
0x183: {  	s25 =	smov.u32 @p5 s15;
	p5 =	por p6, p4  }
0x184: {  	s22 =	sld [smem:$0x7FB];
	s0 =	ssub.s32 @!p5 s25, s8;
	s1 =	sadd.s32 @!p5 s29, s9  }
0x185: {  	s16 =	sadd.s32 @!p5 $0xFFFFFF87, s1;
	s0 =	sand.u32 @!p5 $0xFFFFFF80, s0;
	s1 =	sand.u32 @!p5 $0x70, s25  }
0x186: {  	p0 =	por !p6, p4;
	s14 =	sor.u32 @!p5 s1, s0;
	s0 =	smov.u32 s21  }
0x187: {  	s0 =	simm.s32 @p0 $0x0;
	p0 =	seq.s32 s22, $0x1  }
.Ltmp3:
0x188: {  	_ = 	snop;
	(pc) =	sbr.rel @p0 .LBB2_4-.Ltmp3, $3  }
0x189: {  	_ =	sdelay $0x1  }
0x18a: {  	s3 =	sand.u32 @!p5 $0xF, s25  }
0x18b: {  	s12 =	smov.u32 s30;
	v13 =	vbroadcast @!p5 v13, $0x0;
	v15 =	vmov @!p5 s3;
	p1 =	sgt.s32 @!p5 s25, s16  }
0x18c: {  	v16 =	vld @!p5 [tilespmem:s14+$0x19200]  }
0x18d: {  	v18 =	vld @!p5 [tilespmem:s14+$0x19180]  }
0x18e: {  	v17 =	vld @!p5 [tilespmem:s14+$0x19300];
	p0 =	por @!p4 !p1, p6  }
0x18f: {  	v19 =	vlaneseq.u32 @!p5;
	p0 =	por !p0, p4  }
0x190: {  	vm1 =	veq.s32 @!p5 v15, v19;
	s16 =	smov.u32 @p0 s25  }
0x191: {  	v15 =	vsel @!p5 vm1, s16, v16  }
0x192: {  	v13 =	vsel @!p5 vm1, v13, v18;
	[tilespmem:s14+$0x19200] =	vst @!p5 v15  }
0x193: {  	v15 =	vsel @!p5 vm1, s21, v17;
	[tilespmem:s14+$0x19180] =	vst @!p5 v13  }
0x194: {  	[tilespmem:s14+$0x19300] =	vst @!p5 v15  }
0x195: {  	v13 =	vld [tilespmem:s12+$0x0];
	_ =	sdelay $0x4  }
0x196: {  	(v2sf) =	vpush v13, $0x0;
	_ =	sdelay $0x9  }
0x197: {  	s1 =	sadd.s32 $0x7, s28  }
0x198: {  	p5 =	sge.s32 s1, s24  }
0x199: {  	s0 =	smov.u32 @p4 s21;
	p0 =	por !p3, !p5  }
0x19a: {  	p6 =	sgt.s32 s0, $0x0;
	p0 =	por !p0, !p0  }
0x19b: {  	s3 =	simm.s32 $0x1;
	p1 =	por p0, p6  }
0x19c: {  	s5 =	smov.u32 s25;
	s3 =	simm.s32 @!p1 $0x0;
	s24 =	spop (v2sf)  }
0x19d: {  	p1 =	seq.s32 s0, $0x0;
	s0 =	sadd.s32 s3, s0;
	p2 =	seq.s32 s24, s2  }
0x19e: {  	s5 =	smov.u32 @p1 s1;
	p1 =	slt.s32 @!p2 s0, $0x1  }
0x19f: {  	s25 =	smov.u32 @p0 s5;
	p3 =	por p1, p2  }
0x1a0: {  	s1 =	ssub.s32 @!p3 s25, s8  }
0x1a1: {  	s2 =	sand.u32 @!p3 $0x70, s25;
	s1 =	sand.u32 @!p3 $0xFFFFFF80, s1  }
0x1a2: {  	s3 =	sadd.s32 @!p3 s29, s9;
	s1 =	sor.u32 @!p3 s2, s1  }
0x1a3: {  	s2 =	sadd.s32 @!p3 $0xFFFFFF88, s3;
	v15 =	vld @!p3 [tilespmem:s1+$0x19200]  }
0x1a4: {  	p0 =	sgt.s32 @!p3 s25, s2;
	v17 =	vld @!p3 [tilespmem:s1+$0x19180]  }
0x1a5: {  	s3 =	sand.u32 @!p3 $0xF, s25;
	v16 =	vld @!p3 [tilespmem:s1+$0x19300];
	p0 =	por @!p2 !p0, p1  }
0x1a6: {  	v19 =	vlaneseq.u32 @!p3;
	v18 =	vmov @!p3 s3;
	p0 =	por !p0, p2  }
0x1a7: {  	v14 =	vbroadcast @!p3 v14, $0x0;
	vm1 =	veq.s32 @!p3 v18, v19;
	s2 =	smov.u32 @p0 s25  }
0x1a8: {  	v15 =	vsel @!p3 vm1, s2, v15  }
0x1a9: {  	v14 =	vsel @!p3 vm1, v14, v17;
	[tilespmem:s1+$0x19200] =	vst @!p3 v15  }
.Ltmp4:
0x1aa: {  	v15 =	vsel @!p3 vm1, s0, v16;
	[tilespmem:s1+$0x19180] =	vst @!p3 v14;
	(pc) =	sbr.rel .LBB2_6-.Ltmp4, $4  }
0x1ab: {  	[tilespmem:s1+$0x19300] =	vst @!p3 v15  }
0x1ac: {  	s26 =	smov.u32 s0;
	p0 =	por !p1, p2;
	_ =	swait.ge [sflag:s19], $0x10000  }
0x1ad: {  	s26 =	simm.s32 @p0 $0x0;
	[sflag:s19] =	ssyncset.done $0x0  }
0x1ae: {  	s28 =	simm.s32 $0x0;
	s26 =	smov.u32 @p2 s0;
	[sflag:s19] =	ssyncadd.s32 $0xFFFF0000  }
.LBB2_18:
0x1af: {  	v27 =	vimm.f32 $0.0e+00  }
0x1b0: {  	v28 =	vimm.f32 $0.0e+00;
	v29 =	vimm.f32 $0.0e+00;
	v30 =	vimm.f32 $0.0e+00  }
0x1b1: {  	v15 =	vimm.f32 $0.0e+00;
	v16 =	vimm.f32 $0.0e+00;
	v17 =	vimm.f32 $0.0e+00  }
0x1b2: {  	v18 =	vimm.f32 $0.0e+00;
	v19 =	vimm.f32 $0.0e+00;
	v20 =	vimm.f32 $0.0e+00  }
0x1b3: {  	v21 =	vimm.f32 $0.0e+00;
	v22 =	vimm.f32 $0.0e+00;
	v23 =	vimm.f32 $0.0e+00  }
0x1b4: {  	v24 =	vimm.f32 $0.0e+00;
	v25 =	vimm.f32 $0.0e+00;
	v26 =	vimm.f32 $0.0e+00  }
.LBB2_22:
0x1b5: {  	v36 =	vld [tilespmem:s2+$0xFFFFFF90]  }
0x1b6: {  	v37 =	vld [tilespmem:s2+$0xFFFFFFA0]  }
0x1b7: {  	v38 =	vld [tilespmem:s2+$0xFFFFFFB0]  }
0x1b8: {  	v39 =	vld [tilespmem:s2+$0xFFFFFFC0]  }
0x1b9: {  	v40 =	vld [tilespmem:s2+$0xFFFFFFD0]  }
0x1ba: {  	v41 =	vld [tilespmem:s2+$0xFFFFFFE0]  }
0x1bb: {  	v42 =	vld [tilespmem:s2+$0xFFFFFFF0]  }
0x1bc: {  	v43 =	vld [tilespmem:s2+$0x0]  }
0x1bd: {  	v44 =	vld [tilespmem:s2+$0x10]  }
0x1be: {  	v59 =	vld [tilespmem:s2+$0x20]  }
0x1bf: {  	v27 =	vadd.f32 @p2 v32, v27;
	v28 =	vadd.f32 @p2 v33, v28;
	v60 =	vld [tilespmem:s2+$0x30]  }
0x1c0: {  	v29 =	vadd.f32 @p2 v34, v29;
	v15 =	vadd.f32 v31, v15;
	v31 =	vld [tilespmem:s2+$0x40]  }
0x1c1: {  	v30 =	vadd.f32 @p2 v35, v30;
	v61 =	vld [tilespmem:s2+$0x50];
	v16 =	vadd.f32 v36, v16  }
0x1c2: {  	v62 =	vld [tilespmem:s2+$0x60];
	v17 =	vadd.f32 v37, v17;
	v18 =	vadd.f32 v38, v18  }
0x1c3: {  	v63 =	vld [tilespmem:s2+$0xFFFFFF80];
	v19 =	vadd.f32 v39, v19;
	v20 =	vadd.f32 v40, v20  }
0x1c4: {  	v27 =	vpsel p2, v27, v14;
	v21 =	vadd.f32 v41, v21;
	v22 =	vadd.f32 v42, v22  }
0x1c5: {  	v28 =	vpsel p2, v28, v14;
	v23 =	vadd.f32 v43, v23;
	v24 =	vadd.f32 v44, v24  }
0x1c6: {  	v29 =	vpsel p2, v29, v14;
	v25 =	vadd.f32 v59, v25;
	v26 =	vadd.f32 v60, v26  }
0x1c7: {  	v30 =	vpsel p2, v30, v14;
	v14 =	vadd.f32 v31, v27;
	v27 =	vadd.f32 v61, v28  }
0x1c8: {  	v28 =	vadd.f32 v62, v29;
	v29 =	vadd.f32 v63, v30  }
.LBB2_23:
0x1c9: {  	s0 =	scvt.s32.f32 s1;
	_ =	sdelay $0x1  }
0x1ca: {  	v30 =	vmov s0  }
0x1cb: {  	(erf) = vrcp.f32 v30;
	_ =	sdelay $0x7  }
0x1cc: {  	s29 =	sshll.u32 s28, $0x8;
	s30 =	sshll.u32 s28, $0x7  }
0x1cd: {  	s1 =	sand.u32 $0x300, s30;
	s0 =	sand.u32 $0x7800, s29;
	v30 =	vpop (erf)  }
0x1ce: {  	s0 =	sor.u32 s1, s0;
	v29 =	vmul.f32 v29, v30  }
0x1cf: {  	s0 =	sadd.s32 $0x11180, s0;
	v16 =	vmul.f32 v16, v30  }
0x1d0: {  	v17 =	vmul.f32 v17, v30;
	[tilespmem:s0+$0x80] =	vst v29  }
0x1d1: {  	v54 =	vmul.f32 v18, v30;
	[tilespmem:s0+$0x90] =	vst v16  }
0x1d2: {  	v55 =	vmul.f32 v19, v30;
	[tilespmem:s0+$0xA0] =	vst v17  }
0x1d3: {  	v56 =	vmul.f32 v20, v30;
	[tilespmem:s0+$0xB0] =	vst v54  }
0x1d4: {  	v57 =	vmul.f32 v21, v30;
	[tilespmem:s0+$0xC0] =	vst v55  }
0x1d5: {  	v58 =	vmul.f32 v22, v30;
	[tilespmem:s0+$0xD0] =	vst v56  }
0x1d6: {  	v59 =	vmul.f32 v23, v30;
	[tilespmem:s0+$0xE0] =	vst v57  }
0x1d7: {  	v60 =	vmul.f32 v24, v30;
	[tilespmem:s0+$0xF0] =	vst v58  }
0x1d8: {  	v61 =	vmul.f32 v25, v30;
	[tilespmem:s0+$0x480] =	vst v59  }
0x1d9: {  	v62 =	vmul.f32 v26, v30;
	[tilespmem:s0+$0x490] =	vst v60  }
0x1da: {  	v14 =	vmul.f32 v14, v30;
	[tilespmem:s0+$0x4A0] =	vst v61  }
0x1db: {  	v63 =	vmul.f32 v27, v30;
	[tilespmem:s0+$0x4B0] =	vst v62  }
0x1dc: {  	v15 =	vmul.f32 v15, v30;
	[tilespmem:s0+$0x4C0] =	vst v14  }
0x1dd: {  	v14 =	vmul.f32 v28, v30;
	[tilespmem:s0+$0x4D0] =	vst v63  }
0x1de: {  	[tilespmem:s0+$0x4F0] =	vst v15  }
0x1df: {  	[tilespmem:s0+$0x4E0] =	vst v14  }
.LBB2_24:
0x1e0: {  	p0 =	slt.u32 s28, $0x7E  }
.Ltmp5:
0x1e1: {  	_ = 	snop;
	(pc) =	sbr.rel @!p0 .LBB2_25-.Ltmp5, $3  }
0x1e2: {  	_ =	sdelay $0x1  }
0x1e3: {  	s0 =	sadd.s32 $0x2, s28  }
0x1e4: {  	s28 =	smov.u32 s0  }
.LBB2_6:
0x1e5: {  	v14 =	vld [tilespmem:s28+$0x19300];
	_ =	sdelay $0x4  }
0x1e6: {  	(v2sf) =	vpush v14, $0x0;
	_ =	sdelay $0xe  }
0x1e7: {  	s1 =	spop (v2sf)  }
0x1e8: {  	p0 =	slt.s32 s1, $0x1  }
.Ltmp6:
0x1e9: {  	_ = 	snop;
	(pc) =	sbr.rel @p0 .LBB2_15-.Ltmp6, $1  }
0x1ea: {  	_ =	sdelay $0x3  }
0x1eb: {  	v14 =	vld [tilespmem:s28+$0x19200];
	_ =	sdelay $0x4  }
0x1ec: {  	(v2sf) =	vpush v14, $0x0;
	_ =	sdelay $0xe  }
0x1ed: {  	s1 =	smin.u32 s1, $0x80;
	s0 =	spop (v2sf)  }
0x1ee: {  	s2 =	sadd.s32 s1, s0  }
0x1ef: {  	v29 =	vimm.f32 $0.0e+00;
	p0 =	sge.s32 s0, s2  }
.Ltmp7:
0x1f0: {  	v16 =	vimm.f32 $0.0e+00;
	v17 =	vimm.f32 $0.0e+00;
	v18 =	vimm.f32 $0.0e+00;
	(pc) =	sbr.rel @p0 .LBB2_14-.Ltmp7, $4  }
0x1f1: {  	v19 =	vimm.f32 $0.0e+00;
	v20 =	vimm.f32 $0.0e+00;
	v21 =	vimm.f32 $0.0e+00  }
0x1f2: {  	v22 =	vimm.f32 $0.0e+00;
	v23 =	vimm.f32 $0.0e+00;
	v24 =	vimm.f32 $0.0e+00  }
0x1f3: {  	v25 =	vimm.f32 $0.0e+00;
	v26 =	vimm.f32 $0.0e+00;
	v27 =	vimm.f32 $0.0e+00  }
0x1f4: {  	v28 =	vimm.f32 $0.0e+00;
	v15 =	vimm.f32 $0.0e+00;
	v14 =	vimm.f32 $0.0e+00  }
0x1f5: {  	p0 =	sne.s32 s1, $0x1  }
.Ltmp8:
0x1f6: {  	_ = 	snop;
	(pc) =	sbr.rel @!p0 .LBB2_9-.Ltmp8, $4  }
0x1f7: {  	s0 =	sshll.u32 s0, $0xA  }
0x1f8: {  	s0 =	sshra.s32 s0, $0x2  }
0x1f9: {  	s2 =	sadd.s32 s0, s13  }
0x1fa: {  	v14 =	vimm.f32 $0.0e+00;
	p2 =	por $0x0, $0x0;
	s0 =	sadd.s32 $0xFFFFFFFF, s1;
	v31 =	vld [tilespmem:s2+$0x70]  }
0x1fb: {  	v16 =	vld [tilespmem:s2+$0xFFFFFF90]  }
0x1fc: {  	v17 =	vld [tilespmem:s2+$0xFFFFFFA0]  }
0x1fd: {  	v18 =	vld [tilespmem:s2+$0xFFFFFFB0]  }
0x1fe: {  	v19 =	vld [tilespmem:s2+$0xFFFFFFC0]  }
0x1ff: {  	v20 =	vld [tilespmem:s2+$0xFFFFFFD0]  }
0x200: {  	v21 =	vld [tilespmem:s2+$0xFFFFFFE0]  }
0x201: {  	v22 =	vld [tilespmem:s2+$0xFFFFFFF0]  }
0x202: {  	v23 =	vld [tilespmem:s2+$0x0]  }
0x203: {  	v24 =	vld [tilespmem:s2+$0x10]  }
0x204: {  	v25 =	vld [tilespmem:s2+$0x20]  }
0x205: {  	v26 =	vld [tilespmem:s2+$0x30];
	p0 =	sne.s32 s0, $0x1;
	v15 =	vadd.f32 v31, v14;
	v16 =	vadd.f32 v16, v14  }
.Ltmp9:
0x206: {  	v32 =	vld [tilespmem:s2+$0x40];
	v17 =	vadd.f32 v17, v14;
	v18 =	vadd.f32 v18, v14;
	(pc) =	sbr.rel @!p0 .LBB2_11-.Ltmp9, $4  }
0x207: {  	v33 =	vld [tilespmem:s2+$0x50];
	v27 =	vimm.f32 $0.0e+00;
	v19 =	vadd.f32 v19, v14;
	v20 =	vadd.f32 v20, v14  }
0x208: {  	v34 =	vld [tilespmem:s2+$0x60];
	v28 =	vimm.f32 $0.0e+00;
	v21 =	vadd.f32 v21, v14;
	v22 =	vadd.f32 v22, v14  }
0x209: {  	v35 =	vld [tilespmem:s2+$0xFFFFFF80];
	s2 =	sadd.s32 $0x100, s2;
	v29 =	vimm.f32 $0.0e+00;
	v23 =	vadd.f32 v23, v14;
	v24 =	vadd.f32 v24, v14  }
0x20a: {  	s0 =	sadd.s32 $0xFFFFFFFF, s0;
	p2 =	por $0x1, $0x1;
	v30 =	vimm.f32 $0.0e+00;
	v31 =	vld [tilespmem:s2+$0x70];
	v25 =	vadd.f32 v25, v14;
	v26 =	vadd.f32 v26, v14  }
.LBB2_12:
0x20b: {  	p3 =	sne.s32 s0, $0x1;
	v36 =	vld [tilespmem:s2+$0xFFFFFF90];
	v27 =	vadd.f32 v32, v27  }
0x20c: {  	v32 =	vld [tilespmem:s2+$0xFFFFFFA0];
	v28 =	vadd.f32 v33, v28  }
0x20d: {  	v33 =	vld [tilespmem:s2+$0xFFFFFFB0];
	v29 =	vadd.f32 v34, v29  }
0x20e: {  	v34 =	vld [tilespmem:s2+$0xFFFFFFC0];
	v30 =	vadd.f32 v35, v30  }
0x20f: {  	v35 =	vld [tilespmem:s2+$0xFFFFFFD0];
	v15 =	vadd.f32 v31, v15  }
0x210: {  	v16 =	vadd.f32 v36, v16;
	v31 =	vld [tilespmem:s2+$0xFFFFFFE0]  }
0x211: {  	v17 =	vadd.f32 v32, v17;
	v32 =	vld [tilespmem:s2+$0xFFFFFFF0]  }
0x212: {  	v18 =	vadd.f32 v33, v18;
	v33 =	vld [tilespmem:s2+$0x0]  }
0x213: {  	v19 =	vadd.f32 v34, v19;
	v34 =	vld [tilespmem:s2+$0x10]  }
0x214: {  	v20 =	vadd.f32 v35, v20;
	v36 =	vld [tilespmem:s2+$0x20]  }
0x215: {  	v21 =	vadd.f32 v31, v21;
	v37 =	vld [tilespmem:s2+$0x30]  }
.Ltmp10:
0x216: {  	v22 =	vadd.f32 v32, v22;
	v32 =	vld [tilespmem:s2+$0x40];
	(pc) =	sbr.rel @p3 .LBB2_12-.Ltmp10, $4  }
0x217: {  	v23 =	vadd.f32 v33, v23;
	v33 =	vld [tilespmem:s2+$0x50]  }
0x218: {  	v24 =	vadd.f32 v34, v24;
	v34 =	vld [tilespmem:s2+$0x60]  }
0x219: {  	v35 =	vld [tilespmem:s2+$0xFFFFFF80];
	v25 =	vadd.f32 v36, v25;
	s2 =	sadd.s32 $0x100, s2  }
0x21a: {  	s0 =	sadd.s32 $0xFFFFFFFF, s0;
	v31 =	vld [tilespmem:s2+$0x70];
	v26 =	vadd.f32 v37, v26  }
.LBB2_13:
0x21b: {  	v36 =	vld [tilespmem:s2+$0xFFFFFF90]  }
0x21c: {  	v37 =	vld [tilespmem:s2+$0xFFFFFFA0]  }
0x21d: {  	v38 =	vld [tilespmem:s2+$0xFFFFFFB0]  }
0x21e: {  	v39 =	vld [tilespmem:s2+$0xFFFFFFC0]  }
0x21f: {  	v40 =	vld [tilespmem:s2+$0xFFFFFFD0]  }
0x220: {  	v41 =	vld [tilespmem:s2+$0xFFFFFFE0]  }
0x221: {  	v42 =	vld [tilespmem:s2+$0xFFFFFFF0]  }
0x222: {  	v43 =	vld [tilespmem:s2+$0x0]  }
0x223: {  	v44 =	vld [tilespmem:s2+$0x10]  }
0x224: {  	v59 =	vld [tilespmem:s2+$0x20]  }
0x225: {  	v27 =	vadd.f32 @p2 v32, v27;
	v60 =	vld [tilespmem:s2+$0x30];
	v28 =	vadd.f32 @p2 v33, v28  }
0x226: {  	v61 =	vld [tilespmem:s2+$0x50];
	v29 =	vadd.f32 @p2 v34, v29;
	v30 =	vadd.f32 @p2 v35, v30  }
0x227: {  	v62 =	vld [tilespmem:s2+$0x60];
	v15 =	vadd.f32 v31, v15;
	v16 =	vadd.f32 v36, v16  }
0x228: {  	v31 =	vld [tilespmem:s2+$0x40];
	v17 =	vadd.f32 v37, v17;
	v18 =	vadd.f32 v38, v18  }
0x229: {  	v63 =	vld [tilespmem:s2+$0xFFFFFF80];
	v19 =	vadd.f32 v39, v19;
	v20 =	vadd.f32 v40, v20  }
0x22a: {  	v27 =	vpsel p2, v27, v14;
	v21 =	vadd.f32 v41, v21;
	v22 =	vadd.f32 v42, v22  }
0x22b: {  	v28 =	vpsel p2, v28, v14;
	v23 =	vadd.f32 v43, v23;
	v24 =	vadd.f32 v44, v24  }
0x22c: {  	v29 =	vpsel p2, v29, v14;
	v25 =	vadd.f32 v59, v25;
	v26 =	vadd.f32 v60, v26  }
0x22d: {  	v30 =	vpsel p2, v30, v14;
	v14 =	vadd.f32 v31, v27;
	v27 =	vadd.f32 v61, v28  }
0x22e: {  	v28 =	vadd.f32 v62, v29;
	v29 =	vadd.f32 v63, v30  }
.LBB2_14:
0x22f: {  	s0 =	scvt.s32.f32 s1;
	_ =	sdelay $0x1  }
0x230: {  	v30 =	vmov s0  }
0x231: {  	(erf) = vrcp.f32 v30;
	_ =	sdelay $0x8  }
0x232: {  	s29 =	sshll.u32 s28, $0x8;
	s30 =	sshll.u32 s28, $0x7;
	v30 =	vpop (erf)  }
0x233: {  	s1 =	sand.u32 $0x300, s30;
	s0 =	sand.u32 $0x7800, s29;
	v29 =	vmul.f32 v29, v30  }
0x234: {  	s0 =	sor.u32 s1, s0;
	v55 =	vmul.f32 v19, v30  }
0x235: {  	s1 =	sadd.s32 $0x11180, s0;
	v56 =	vmul.f32 v20, v30;
	[tilespmem:s0+$0x11180] =	vst v29  }
0x236: {  	v57 =	vmul.f32 v21, v30;
	[tilespmem:s1+$0x40] =	vst v55  }
0x237: {  	v58 =	vmul.f32 v22, v30;
	[tilespmem:s1+$0x50] =	vst v56  }
0x238: {  	v59 =	vmul.f32 v23, v30;
	[tilespmem:s1+$0x60] =	vst v57  }
0x239: {  	v60 =	vmul.f32 v24, v30;
	[tilespmem:s1+$0x70] =	vst v58  }
0x23a: {  	v61 =	vmul.f32 v25, v30;
	[tilespmem:s1+$0x400] =	vst v59  }
0x23b: {  	v62 =	vmul.f32 v26, v30;
	[tilespmem:s1+$0x410] =	vst v60  }
0x23c: {  	v14 =	vmul.f32 v14, v30;
	[tilespmem:s1+$0x420] =	vst v61  }
0x23d: {  	v63 =	vmul.f32 v27, v30;
	[tilespmem:s1+$0x430] =	vst v62  }
0x23e: {  	v15 =	vmul.f32 v15, v30;
	[tilespmem:s1+$0x440] =	vst v14  }
0x23f: {  	v16 =	vmul.f32 v16, v30;
	[tilespmem:s1+$0x450] =	vst v63  }
0x240: {  	v17 =	vmul.f32 v17, v30;
	[tilespmem:s1+$0x470] =	vst v15  }
0x241: {  	v54 =	vmul.f32 v18, v30;
	[tilespmem:s1+$0x10] =	vst v16  }
0x242: {  	v14 =	vmul.f32 v28, v30;
	[tilespmem:s1+$0x20] =	vst v17  }
0x243: {  	[tilespmem:s1+$0x30] =	vst v54  }
0x244: {  	[tilespmem:s1+$0x460] =	vst v14  }
.LBB2_15:
0x245: {  	v14 =	vld [tilespmem:s28+$0x19301];
	_ =	sdelay $0x4  }
0x246: {  	(v2sf) =	vpush v14, $0x0;
	_ =	sdelay $0xe  }
0x247: {  	s1 =	spop (v2sf)  }
0x248: {  	p0 =	slt.s32 s1, $0x1  }
.Ltmp11:
0x249: {  	_ = 	snop;
	(pc) =	sbr.rel @p0 .LBB2_24-.Ltmp11, $1  }
0x24a: {  	_ =	sdelay $0x3  }
0x24b: {  	s0 =	sor.u32 $0x1, s28  }
0x24c: {  	v14 =	vld [tilespmem:s0+$0x19200];
	_ =	sdelay $0x4  }
0x24d: {  	(v2sf) =	vpush v14, $0x0;
	_ =	sdelay $0xe  }
0x24e: {  	s1 =	smin.u32 s1, $0x80;
	s0 =	spop (v2sf)  }
0x24f: {  	s2 =	sadd.s32 s1, s0  }
0x250: {  	v29 =	vimm.f32 $0.0e+00;
	p0 =	sge.s32 s0, s2  }
.Ltmp12:
0x251: {  	v16 =	vimm.f32 $0.0e+00;
	v17 =	vimm.f32 $0.0e+00;
	v18 =	vimm.f32 $0.0e+00;
	(pc) =	sbr.rel @p0 .LBB2_23-.Ltmp12, $4  }
0x252: {  	v19 =	vimm.f32 $0.0e+00;
	v20 =	vimm.f32 $0.0e+00;
	v21 =	vimm.f32 $0.0e+00  }
0x253: {  	v22 =	vimm.f32 $0.0e+00;
	v23 =	vimm.f32 $0.0e+00;
	v24 =	vimm.f32 $0.0e+00  }
0x254: {  	v25 =	vimm.f32 $0.0e+00;
	v26 =	vimm.f32 $0.0e+00;
	v27 =	vimm.f32 $0.0e+00  }
0x255: {  	v28 =	vimm.f32 $0.0e+00;
	v15 =	vimm.f32 $0.0e+00;
	v14 =	vimm.f32 $0.0e+00  }
0x256: {  	p0 =	sne.s32 s1, $0x1  }
.Ltmp13:
0x257: {  	_ = 	snop;
	(pc) =	sbr.rel @!p0 .LBB2_18-.Ltmp13, $4  }
0x258: {  	s0 =	sshll.u32 s0, $0xA  }
0x259: {  	s0 =	sshra.s32 s0, $0x2  }
0x25a: {  	s2 =	sadd.s32 s0, s13  }
0x25b: {  	v14 =	vimm.f32 $0.0e+00;
	p2 =	por $0x0, $0x0;
	s0 =	sadd.s32 $0xFFFFFFFF, s1;
	v31 =	vld [tilespmem:s2+$0x70]  }
0x25c: {  	v16 =	vld [tilespmem:s2+$0xFFFFFF90]  }
0x25d: {  	v17 =	vld [tilespmem:s2+$0xFFFFFFA0]  }
0x25e: {  	v18 =	vld [tilespmem:s2+$0xFFFFFFB0]  }
0x25f: {  	v19 =	vld [tilespmem:s2+$0xFFFFFFC0]  }
0x260: {  	v20 =	vld [tilespmem:s2+$0xFFFFFFD0]  }
0x261: {  	v21 =	vld [tilespmem:s2+$0xFFFFFFE0]  }
0x262: {  	v22 =	vld [tilespmem:s2+$0xFFFFFFF0]  }
0x263: {  	v23 =	vld [tilespmem:s2+$0x0]  }
0x264: {  	v24 =	vld [tilespmem:s2+$0x10]  }
0x265: {  	v25 =	vld [tilespmem:s2+$0x20]  }
0x266: {  	v26 =	vld [tilespmem:s2+$0x30];
	p0 =	sne.s32 s0, $0x1;
	v15 =	vadd.f32 v31, v14;
	v16 =	vadd.f32 v16, v14  }
.Ltmp14:
0x267: {  	v32 =	vld [tilespmem:s2+$0x40];
	v17 =	vadd.f32 v17, v14;
	v18 =	vadd.f32 v18, v14;
	(pc) =	sbr.rel @!p0 .LBB2_20-.Ltmp14, $4  }
0x268: {  	v33 =	vld [tilespmem:s2+$0x50];
	v27 =	vimm.f32 $0.0e+00;
	v19 =	vadd.f32 v19, v14;
	v20 =	vadd.f32 v20, v14  }
0x269: {  	v34 =	vld [tilespmem:s2+$0x60];
	v28 =	vimm.f32 $0.0e+00;
	v21 =	vadd.f32 v21, v14;
	v22 =	vadd.f32 v22, v14  }
0x26a: {  	v35 =	vld [tilespmem:s2+$0xFFFFFF80];
	s2 =	sadd.s32 $0x100, s2;
	v29 =	vimm.f32 $0.0e+00;
	v23 =	vadd.f32 v23, v14;
	v24 =	vadd.f32 v24, v14  }
0x26b: {  	s0 =	sadd.s32 $0xFFFFFFFF, s0;
	p2 =	por $0x1, $0x1;
	v30 =	vimm.f32 $0.0e+00;
	v31 =	vld [tilespmem:s2+$0x70];
	v25 =	vadd.f32 v25, v14;
	v26 =	vadd.f32 v26, v14  }
.LBB2_21:
0x26c: {  	p3 =	sne.s32 s0, $0x1;
	v36 =	vld [tilespmem:s2+$0xFFFFFF90];
	v27 =	vadd.f32 v32, v27  }
0x26d: {  	v28 =	vadd.f32 v33, v28;
	v32 =	vld [tilespmem:s2+$0xFFFFFFA0]  }
0x26e: {  	v29 =	vadd.f32 v34, v29;
	v33 =	vld [tilespmem:s2+$0xFFFFFFB0]  }
0x26f: {  	v30 =	vadd.f32 v35, v30;
	v34 =	vld [tilespmem:s2+$0xFFFFFFC0]  }
0x270: {  	v15 =	vadd.f32 v31, v15;
	v35 =	vld [tilespmem:s2+$0xFFFFFFD0]  }
0x271: {  	v16 =	vadd.f32 v36, v16;
	v31 =	vld [tilespmem:s2+$0xFFFFFFE0]  }
0x272: {  	v17 =	vadd.f32 v32, v17;
	v32 =	vld [tilespmem:s2+$0xFFFFFFF0]  }
0x273: {  	v18 =	vadd.f32 v33, v18;
	v33 =	vld [tilespmem:s2+$0x0]  }
0x274: {  	v19 =	vadd.f32 v34, v19;
	v34 =	vld [tilespmem:s2+$0x10]  }
0x275: {  	v20 =	vadd.f32 v35, v20;
	v36 =	vld [tilespmem:s2+$0x20]  }
0x276: {  	v21 =	vadd.f32 v31, v21;
	v37 =	vld [tilespmem:s2+$0x30]  }
.Ltmp15:
0x277: {  	v22 =	vadd.f32 v32, v22;
	v32 =	vld [tilespmem:s2+$0x40];
	(pc) =	sbr.rel @p3 .LBB2_21-.Ltmp15, $4  }
0x278: {  	v23 =	vadd.f32 v33, v23;
	v33 =	vld [tilespmem:s2+$0x50]  }
0x279: {  	v24 =	vadd.f32 v34, v24;
	v34 =	vld [tilespmem:s2+$0x60]  }
0x27a: {  	v35 =	vld [tilespmem:s2+$0xFFFFFF80];
	v25 =	vadd.f32 v36, v25;
	s2 =	sadd.s32 $0x100, s2  }
0x27b: {  	s0 =	sadd.s32 $0xFFFFFFFF, s0;
	v31 =	vld [tilespmem:s2+$0x70];
	v26 =	vadd.f32 v37, v26  }
.Ltmp16:
0x27c: {  	_ = 	snop;
	(pc) =	sbr.rel .LBB2_22-.Ltmp16, $1  }
0x27d: {  	_ =	sdelay $0x3  }
.LBB2_9:
0x27e: {  	v27 =	vimm.f32 $0.0e+00  }
.Ltmp17:
0x27f: {  	v28 =	vimm.f32 $0.0e+00;
	v29 =	vimm.f32 $0.0e+00;
	v30 =	vimm.f32 $0.0e+00;
	(pc) =	sbr.rel .LBB2_13-.Ltmp17, $4  }
0x280: {  	v15 =	vimm.f32 $0.0e+00;
	v16 =	vimm.f32 $0.0e+00;
	v17 =	vimm.f32 $0.0e+00  }
0x281: {  	v18 =	vimm.f32 $0.0e+00;
	v19 =	vimm.f32 $0.0e+00;
	v20 =	vimm.f32 $0.0e+00  }
0x282: {  	v21 =	vimm.f32 $0.0e+00;
	v22 =	vimm.f32 $0.0e+00;
	v23 =	vimm.f32 $0.0e+00  }
0x283: {  	v24 =	vimm.f32 $0.0e+00;
	v25 =	vimm.f32 $0.0e+00;
	v26 =	vimm.f32 $0.0e+00  }
.LBB2_11:
.Ltmp18:
0x284: {  	(pc) =	sbr.rel .LBB2_13-.Ltmp18, $3  }
0x285: {  	_ =	sdelay $0x1  }
0x286: {  	v27 =	vimm.f32 $0.0e+00  }
0x287: {  	v28 =	vimm.f32 $0.0e+00;
	v29 =	vimm.f32 $0.0e+00;
	v30 =	vimm.f32 $0.0e+00  }
.LBB2_20:
.Ltmp19:
0x288: {  	(pc) =	sbr.rel .LBB2_22-.Ltmp19, $3  }
0x289: {  	_ =	sdelay $0x1  }
0x28a: {  	v27 =	vimm.f32 $0.0e+00  }
0x28b: {  	v28 =	vimm.f32 $0.0e+00;
	v29 =	vimm.f32 $0.0e+00;
	v30 =	vimm.f32 $0.0e+00  }
.LBB2_25:
0x28c: {  	p0 =	slt.s32 s26, $0x1  }
.Ltmp20:
0x28d: {  	_ = 	snop;
	(pc) =	sbr.rel @p0 .LBB2_39-.Ltmp20, $1  }
0x28e: {  	_ =	sdelay $0x3  }
0x28f: {  	s1 =	sld [smem:$0x7FD];
	_ =	sdelay $0x2  }
0x290: {  	p0 =	seq.s32 s1, $0x1  }
.Ltmp21:
0x291: {  	_ = 	snop;
	(pc) =	sbr.rel @p0 .LBB2_36-.Ltmp21, $2  }
0x292: {  	_ =	sdelay $0x2  }
0x293: {  	s0 =	smov.u32 s10  }
0x294: {  	s0 =	rddreg [dreg:$0x6]  }
0x295: {  	s1 =	rddreg [dreg:$0x7];
	s0 =	sadd.s32 $0x1, s0  }
0x296: {  	v14 =	vld [tilespmem:s1+$0x0];
	p0 =	slt.u32 s0, $0xFFF  }
.Ltmp22:
0x297: {  	_ = 	snop;
	(pc) =	sbr.rel @!p0 .LBB2_28-.Ltmp22, $2  }
0x298: {  	_ =	sdelay $0x2  }
0x299: {  	p2 =	por $0x0, $0x0;
	p3 =	por $0x0, $0x0;
	(v2sf) =	vpush v14, $0x0  }
0x29a: {  	s1 =	sadd.s32 $0x1, s1  }
0x29b: {  	v14 =	vld [tilespmem:s1+$0x0];
	_ =	sdelay $0x4  }
0x29c: {  	(v2sf) =	vpush v14, $0x0;
	_ =	sdelay $0x1  }
0x29d: {  	s2 =	sadd.s32 $0x1, s0  }
0x29e: {  	p0 =	slt.u32 s2, $0xFFF  }
.Ltmp23:
0x29f: {  	_ = 	snop;
	(pc) =	sbr.rel @!p0 .LBB2_30-.Ltmp23, $2  }
0x2a0: {  	_ =	sdelay $0x2  }
0x2a1: {  	p2 =	por $0x1, $0x1  }
0x2a2: {  	s14 =	sadd.s32 $0x1, s1  }
0x2a3: {  	v14 =	vld [tilespmem:s14+$0x0];
	_ =	sdelay $0x4  }
0x2a4: {  	s1 =	sadd.s32 $0x1, s2;
	(v2sf) =	vpush v14, $0x0  }
0x2a5: {  	p0 =	slt.u32 s1, $0xFFF  }
.Ltmp24:
0x2a6: {  	_ = 	snop;
	(pc) =	sbr.rel @!p0 .LBB2_32-.Ltmp24, $4  }
0x2a7: {  	s3 =	spop (v2sf)  }
0x2a8: {  	s30 =	rddreg [dreg:$0x6];
	s12 =	smov.u32 s10;
	p4 =	seq.s32 s0, s10  }
0x2a9: {  	p3 =	por $0x1, $0x1;
	p1 =	seq.s32 s3, s24;
	s3 =	sadd.s32 $0x2, s30  }
0x2aa: {  	s15 =	smov.u32 s2;
	s12 =	smov.u32 @p1 s3;
	s3 =	smov.u32 s10  }
.LBB2_33:
0x2ab: {  	s14 =	sadd.s32 $0x1, s14;
	s3 =	smov.u32 @p4 s12;
	s5 =	smov.u32 s1  }
0x2ac: {  	s7 =	smov.u32 s2;
	s2 =	smov.u32 s1;
	s1 =	sadd.s32 $0x1, s1  }
0x2ad: {  	v14 =	vld [tilespmem:s14+$0x0];
	p1 =	slt.u32 s1, $0xFFF;
	_ =	sdelay $0x1  }
.Ltmp25:
0x2ae: {  	(pc) =	sbr.rel @p1 .LBB2_33-.Ltmp25, $4  }
0x2af: {  	_ = 	snop  }
0x2b0: {  	s16 =	sadd.s32 $0x2, s0;
	s12 =	spop (v2sf)  }
0x2b1: {  	s0 =	smov.u32 s7;
	(v2sf) =	vpush v14, $0x0;
	p0 =	seq.s32 s12, s24;
	s12 =	smov.u32 s3  }
0x2b2: {  	p4 =	seq.s32 s15, s3;
	s15 =	smov.u32 s5;
	s12 =	smov.u32 @p0 s16  }
0x2b3: {  	s14 =	smov.u32 s0;
	s0 =	smov.u32 s15  }
.LBB2_35:
0x2b4: {  	_ =	sdelay $0x4  }
0x2b5: {  	p0 =	por !p4, !p3  }
0x2b6: {  	s5 =	smov.u32 s10;
	s12 =	smov.u32 @p0 s3;
	s3 =	spop @p2 (v2sf)  }
0x2b7: {  	p0 =	seq.s32 @p2 s3, s24;
	s5 =	smov.u32 @p3 s12  }
0x2b8: {  	s3 =	sadd.s32 @p2 $0x2, s14;
	p1 =	seq.s32 @p2 s0, s5;
	p0 =	por !p0, !p2  }
0x2b9: {  	s3 =	smov.u32 @p0 s5;
	p1 =	por @!p2 p0, p0  }
0x2ba: {  	s3 =	smov.u32 @p2 s3;
	p0 =	por !p1, !p2  }
0x2bb: {  	s0 =	smov.u32 s10;
	s3 =	smov.u32 @p0 s5  }
0x2bc: {  	s0 =	smov.u32 @p2 s3;
	s30 =	spop (v2sf)  }
0x2bd: {  	s2 =	sadd.s32 $0x2, s2;
	s3 =	smov.u32 s0;
	p0 =	seq.s32 s30, s24  }
0x2be: {  	p1 =	seq.s32 s1, s0;
	s3 =	smov.u32 @p0 s2  }
0x2bf: {  	s0 =	smov.u32 @p1 s3  }
.LBB2_36:
0x2c0: {  	p0 =	sgt.s32 s0, $0x100;
	s1 =	smov.u32 s0  }
0x2c1: {  	s1 =	simm.s32 @!p0 $0x100  }
0x2c2: {  	s2 =	sshll.u32 s1, $0x5  }
0x2c3: {  	s2 =	sadd.s32 $0xFFFFE000, s2  }
0x2c4: {  	s3 =	rddreg [dreg:$0x0];
	s26 =	simm.s32 $0x1180;
	s2 =	sand.u32 $0x1FFFFFE0, s2  }
0x2c5: {  	s28 =	sshll.u32 s0, $0xA;
	s1 =	sshll.u32 s1, $0xA;
	s2 =	sadd.s32 s3, s2  }
0x2c6: {  	[tilespmem:s26], [sflag:$0x3] =	stream.linear.gather [hbm4b:s2+s4], $0x10000, $0x38;
	[tilespmem:$0x19400] =	vst v63  }
0x2c7: {  	s1 =	ssub.s32 s28, s1;
	_ =	swait.ge [sflag:s20], $0x10000  }
0x2c8: {  	s1 =	sshra.s32 s1, $0x2;
	[sflag:s20] =	ssyncset.done $0x0  }
0x2c9: {  	s29 =	sadd.s32 $0x9180, s1;
	[sflag:s20] =	ssyncadd.s32 $0xFFFF0000  }
0x2ca: {  	v14 =	vld [tilespmem:s29+$0xF0]  }
0x2cb: {  	v16 =	vld [tilespmem:s29+$0x10]  }
0x2cc: {  	v17 =	vld [tilespmem:s29+$0x20]  }
0x2cd: {  	v18 =	vld [tilespmem:s29+$0x30]  }
0x2ce: {  	v19 =	vld [tilespmem:s29+$0x40]  }
0x2cf: {  	v20 =	vld [tilespmem:s29+$0x50]  }
0x2d0: {  	v21 =	vld [tilespmem:s29+$0x60]  }
0x2d1: {  	v24 =	vld [tilespmem:s29+$0x70]  }
0x2d2: {  	v25 =	vld [tilespmem:s29+$0x80]  }
0x2d3: {  	v15 =	vimm.f32 $0.0e+00;
	s30 =	sadd.s32 $0xFFFFFF80, s0;
	v26 =	vld [tilespmem:s29+$0x90]  }
0x2d4: {  	s1 =	sadd.s32 $0x1, s30;
	v33 =	vld [tilespmem:s29+$0xA0];
	v14 =	vadd.f32 v14, v15  }
0x2d5: {  	p0 =	slt.s32 s1, s0;
	v29 =	vld [tilespmem:s29+$0xB0];
	v28 =	vadd.f32 v16, v15;
	v27 =	vadd.f32 v17, v15  }
.Ltmp26:
0x2d6: {  	v34 =	vld [tilespmem:s29+$0x0];
	v22 =	vadd.f32 v18, v15;
	v18 =	vadd.f32 v19, v15;
	(pc) =	sbr.rel @!p0 .LBB2_38-.Ltmp26, $4  }
0x2d7: {  	v30 =	vld [tilespmem:s29+$0xC0];
	v23 =	vadd.f32 v20, v15;
	v19 =	vadd.f32 v21, v15  }
0x2d8: {  	v31 =	vld [tilespmem:s29+$0xD0];
	v24 =	vadd.f32 v24, v15;
	v20 =	vadd.f32 v25, v15  }
0x2d9: {  	v32 =	vld [tilespmem:s29+$0xE0];
	v21 =	vadd.f32 v26, v15;
	v16 =	vadd.f32 v33, v15;
	v25 =	vimm.f32 $0.0e+00  }
0x2da: {  	s2 =	sadd.s32 $0x100, s29;
	v26 =	vimm.f32 $0.0e+00;
	v17 =	vimm.f32 $0.0e+00;
	v33 =	vimm.f32 $0.0e+00  }
.LBB2_37:
0x2db: {  	v35 =	vld [tilespmem:s2+$0xF0];
	s1 =	sadd.s32 $0x1, s1;
	v15 =	vadd.f32 v29, v15  }
0x2dc: {  	v25 =	vadd.f32 v30, v25;
	v29 =	vld [tilespmem:s2+$0x10];
	p2 =	slt.s32 s1, s0  }
0x2dd: {  	v26 =	vadd.f32 v31, v26;
	v30 =	vld [tilespmem:s2+$0x20]  }
0x2de: {  	v17 =	vadd.f32 v32, v17;
	v31 =	vld [tilespmem:s2+$0x30]  }
0x2df: {  	v33 =	vadd.f32 v34, v33;
	v32 =	vld [tilespmem:s2+$0x40]  }
0x2e0: {  	v34 =	vld [tilespmem:s2+$0x50];
	v14 =	vadd.f32 v35, v14  }
0x2e1: {  	v28 =	vadd.f32 v29, v28;
	v29 =	vld [tilespmem:s2+$0x60]  }
0x2e2: {  	v27 =	vadd.f32 v30, v27;
	v30 =	vld [tilespmem:s2+$0x70]  }
0x2e3: {  	v22 =	vadd.f32 v31, v22;
	v31 =	vld [tilespmem:s2+$0x80]  }
0x2e4: {  	v18 =	vadd.f32 v32, v18;
	v32 =	vld [tilespmem:s2+$0x90]  }
0x2e5: {  	v23 =	vadd.f32 v34, v23;
	v35 =	vld [tilespmem:s2+$0xA0]  }
.Ltmp27:
0x2e6: {  	v19 =	vadd.f32 v29, v19;
	v29 =	vld [tilespmem:s2+$0xB0];
	(pc) =	sbr.rel @p2 .LBB2_37-.Ltmp27, $4  }
0x2e7: {  	v24 =	vadd.f32 v30, v24;
	v30 =	vld [tilespmem:s2+$0xC0]  }
0x2e8: {  	v20 =	vadd.f32 v31, v20;
	v31 =	vld [tilespmem:s2+$0xD0]  }
0x2e9: {  	v21 =	vadd.f32 v32, v21;
	v32 =	vld [tilespmem:s2+$0xE0]  }
0x2ea: {  	v34 =	vld [tilespmem:s2+$0x0];
	v16 =	vadd.f32 v35, v16;
	s2 =	sadd.s32 $0x100, s2  }
.Ltmp28:
0x2eb: {  	_ = 	snop;
	(pc) =	sbr.rel .LBB2_38-.Ltmp28, $1  }
0x2ec: {  	_ =	sdelay $0x3  }
.LBB2_28:
.Ltmp29:
0x2ed: {  	(pc) =	sbr.rel .LBB2_35-.Ltmp29, $2  }
0x2ee: {  	_ =	sdelay $0x2  }
0x2ef: {  	s1 =	smov.u32 s0;
	s3 =	smov.u32 s10;
	s2 =	rddreg [dreg:$0x6]  }
.LBB2_30:
.Ltmp30:
0x2f0: {  	(pc) =	sbr.rel .LBB2_35-.Ltmp30, $3  }
0x2f1: {  	_ =	sdelay $0x1  }
0x2f2: {  	s1 =	smov.u32 s2  }
0x2f3: {  	s3 =	smov.u32 s10;
	s2 =	smov.u32 s0;
	s14 =	rddreg [dreg:$0x6]  }
.LBB2_32:
.Ltmp31:
0x2f4: {  	(pc) =	sbr.rel .LBB2_35-.Ltmp31, $2  }
0x2f5: {  	_ =	sdelay $0x2  }
0x2f6: {  	s14 =	smov.u32 s0;
	s3 =	smov.u32 s10;
	s0 =	smov.u32 s2  }
.LBB2_40:
0x2f7: {  	_ =	sfence.sel $0x180000  }
0x2f8: {  	[bflag:$0x0] =	sbarrier.arrive $0xFFFF  }
0x2f9: {  	_ =	strace $0x90000047  }
0x2fa: {  	s0 =	stileid.u32;
	[bflag:$0x2] =	sbarrier.arrive $0xFFFF  }
0x2fb: {  	p0 =	sne.s32 s0, $0x0;
	s0 =	rddreg [dreg:$0x3]  }
0x2fc: {  	s0 =	sadd.s32 @!p0 $0x100000, s0  }
0x2fd: {  	[sflag:s0] =	ssyncadd.tile.s32 @!p0 $0x1;
	_ =	shalt  }
.Lfunc_end2:
_tile_overlayer_lowered:
.L_overlay_start_2:
0x2fe: {  	(tag) =	ssettag $0x2  }
0x2ff: {  	s0 =	rddreg [dreg:$0x0];
	s2 =	stileid.u32  }
0x300: {  	s1 =	rddreg [dreg:$0x1];
	p0 =	sne.s32 s2, $0x0  }
0x301: {  	s3 =	rddreg [dreg:$0x2];
	[bflag:$0x3] =	sbarrier.arrive $0xFFFF;
	s2 =	simm.s32 @!p0 $0x1C03  }
0x302: {  	[timem:s3], [sflag:s2] =	dma.local @!p0 [hbm:s0], s1  }
0x303: {  	s0 =	simm.s32 @!p0 $0x3  }
0x304: {  	_ =	swait.ge @!p0 [sflag:s0], s1  }
0x305: {  	s1 =	ssub.s32 @!p0 $0x0, s1;
	[sflag:s0] =	ssyncset.done @!p0 $0x0  }
0x306: {  	[sflag:s0] =	ssyncadd.s32 @!p0 s1  }
0x307: {  	[bflag:$0x3] =	sbarrier.arrive $0xFFFF  }
0x308: {  	_ =	shalt  }

// kernel: kernel.8.cloned.1.call-start
scs
__scs_entry_jumppad:
0x0: {  	(pc) =	sbr.rel $0x88, $3  }
0x1: {  	(tag) =	ssettag $0x0;
	lr =	simm.s32 $0x1  }
0x2: {  	[smem:$0x3F9E] =	sst lr;
	_ =	strace $0xD0000000  }
0x3: {  	_ = 	snop  }
0x4: {  	_ = 	snop  }
0x5: {  	_ = 	snop  }
0x6: {  	_ = 	snop  }
0x7: {  	_ = 	snop  }
__scs_overlays_trampoline_lowered:
0x8: {  	[smem:$0x3FAD] =	sst s0  }
0x9: {  	[smem:$0x3FAE] =	sst s1  }
0xa: {  	[smem:$0x3FAF] =	sst s2  }
0xb: {  	[smem:$0x3FB0] =	sst s3  }
0xc: {  	[smem:$0x3FB1] =	sst s4  }
0xd: {  	[smem:$0x3FB2] =	sst s5  }
0xe: {  	[smem:$0x3FB3] =	sst s6  }
0xf: {  	[smem:$0x3FB4] =	sst s7  }
0x10: {  	[smem:$0x3FB5] =	sst s8  }
0x11: {  	[smem:$0x3FB6] =	sst s9;
	s0 =	simm.s32 @!p0 $0x0  }
0x12: {  	s1 =	sld [smem:$0x3F9C];
	s0 =	simm.s32 @p0 $0x1  }
0x13: {  	[smem:$0x3FB7] =	sst s0;
	s0 =	simm.s32 @!p1 $0x0  }
0x14: {  	s2 =	sld [smem:$0x3F9B];
	s0 =	simm.s32 @p1 $0x1  }
0x15: {  	[smem:$0x3FB8] =	sst s0;
	s0 =	simm.s32 @!p2 $0x0  }
0x16: {  	s3 =	sld [smem:$0x3FDB];
	s0 =	simm.s32 @p2 $0x1  }
0x17: {  	s4 =	simm.s32 $0x1BF5;
	[smem:$0x3FBA] =	sst s0  }
0x18: {  	s0 =	sld [smem:$0x3F9D];
	_ =	swait.ge [sflag:s4], $0x0  }
0x19: {  	s7 =	sld [smem:$0x3F9E]  }
0x1a: {  	s8 =	sadd.s32 $0xFFFFE003, lr  }
0x1b: {  	s9 =	sadd.s32 $0xFFFFFEF7, lr;
	s5 =	simm.s32 $0xFFFFFFFF;
	p2 =	slt.u32 s8, $0xFFFFF086  }
0x1c: {  	p1 =	slt.u32 s9, $0xF7A;
	s5 =	simm.s32 @!p2 $0x0  }
0x1d: {  	s5 =	simm.s32 @p1 $0x1;
	p0 =	seq.s32 s7, s2  }
0x1e: {  	s7 =	smul.u32 @!p0 $0xF7A, s2;
	p2 =	seq.s32 @!p0 s5, $0x0  }
0x1f: {  	s9 =	smul.u32 $0xF7A, s1;
	s8 =	simm.s32 @!p0 $0x1BF5;
	p2 =	por !p2, p0  }
0x20: {  	[sflag:s8] =	ssyncset.s32 @!p0 $0xFFFFF086;
	s6 =	sadd.s32 @!p0 s3, s7;
	s7 =	simm.s32 @!p0 $0x108  }
0x21: {  	s3 =	sadd.s32 s3, s9;
	s6 =	sadd.s32 @!p0 $0x88, s6;
	s7 =	simm.s32 @p2 $0x1082  }
0x22: {  	[simem:s7], [sflag:s8] =	dma.local @!p0 [hbm:s6], $0xF7A  }
0x23: {  	s9 =	sor.u32 $0xD0000000, s2;
	s6 =	simm.s32 $0x108;
	_ =	swait.ge @!p0 [sflag:s8], $0x0  }
0x24: {  	s3 =	sadd.s32 $0x88, s3;
	s6 =	simm.s32 @!p1 $0x1082;
	[sflag:s4] =	ssyncset.s32 $0xFFFFF086  }
0x25: {  	[simem:s6], [sflag:s4] =	dma.local [hbm:s3], $0xF7A  }
0x26: {  	[smem:$0x3F9E] =	sst s1;
	(tag) =	ssettag s2;
	_ =	strace s9  }
0x27: {  	s1 =	sld [smem:$0x3FAE]  }
0x28: {  	s2 =	sld [smem:$0x3FAF]  }
0x29: {  	s4 =	sld [smem:$0x3FB1]  }
0x2a: {  	p0 =	seq.s32 s5, $0x0;
	s5 =	sld [smem:$0x3FB2]  }
0x2b: {  	s6 =	sld [smem:$0x3FB3]  }
0x2c: {  	s7 =	sld [smem:$0x3FB4]  }
0x2d: {  	s3 =	simm.s32 $0x108;
	s8 =	sld [smem:$0x3FB5]  }
0x2e: {  	s3 =	simm.s32 @!p0 $0x1082;
	s9 =	sld [smem:$0x3FB6]  }
0x2f: {  	lr =	sadd.s32 s0, s3;
	s0 =	sld [smem:$0x3FAD]  }
0x30: {  	s3 =	sld [smem:$0x3FB0]  }
0x31: {  	[smem:$0x3FB9] =	sst s10  }
0x32: {  	s10 =	sld [smem:$0x3FB7];
	_ =	sdelay $0x3  }
0x33: {  	p0 =	seq.s32 s10, $0x1;
	s10 =	sld [smem:$0x3FB9];
	_ =	sdelay $0x3  }
0x34: {  	[smem:$0x3FB9] =	sst s10  }
0x35: {  	s10 =	sld [smem:$0x3FB8];
	_ =	sdelay $0x3  }
0x36: {  	p1 =	seq.s32 s10, $0x1;
	s10 =	sld [smem:$0x3FB9];
	_ =	sdelay $0x3  }
0x37: {  	[smem:$0x3FB9] =	sst s10  }
0x38: {  	s10 =	sld [smem:$0x3FBA]  }
0x39: {  	_ = 	snop;
	(pc) =	sbr.ind lr, $3  }
0x3a: {  	_ = 	snop  }
0x3b: {  	_ = 	snop  }
0x3c: {  	p2 =	seq.s32 s10, $0x1;
	s10 =	sld [smem:$0x3FB9]  }
0x3d: {  	_ =	shalt  }
0x3e: {  	_ =	shalt  }
0x3f: {  	_ =	shalt  }
0x40: {  	_ =	shalt  }
0x41: {  	_ =	shalt  }
0x42: {  	_ =	shalt  }
0x43: {  	_ =	shalt  }
0x44: {  	_ =	shalt  }
0x45: {  	_ =	shalt  }
0x46: {  	_ =	shalt  }
0x47: {  	_ =	shalt  }
0x48: {  	_ =	shalt  }
0x49: {  	_ =	shalt  }
0x4a: {  	_ =	shalt  }
0x4b: {  	_ =	shalt  }
0x4c: {  	_ =	shalt  }
0x4d: {  	_ =	shalt  }
0x4e: {  	_ =	shalt  }
0x4f: {  	_ =	shalt  }
0x50: {  	_ =	shalt  }
0x51: {  	_ =	shalt  }
0x52: {  	_ =	shalt  }
0x53: {  	_ =	shalt  }
0x54: {  	_ =	shalt  }
0x55: {  	_ =	shalt  }
0x56: {  	_ =	shalt  }
0x57: {  	_ =	shalt  }
0x58: {  	_ =	shalt  }
0x59: {  	_ =	shalt  }
0x5a: {  	_ =	shalt  }
0x5b: {  	_ =	shalt  }
0x5c: {  	_ =	shalt  }
0x5d: {  	_ =	shalt  }
0x5e: {  	_ =	shalt  }
0x5f: {  	_ =	shalt  }
0x60: {  	_ =	shalt  }
0x61: {  	_ =	shalt  }
0x62: {  	_ =	shalt  }
0x63: {  	_ =	shalt  }
0x64: {  	_ =	shalt  }
0x65: {  	_ =	shalt  }
0x66: {  	_ =	shalt  }
0x67: {  	_ =	shalt  }
0x68: {  	_ =	shalt  }
0x69: {  	_ =	shalt  }
0x6a: {  	_ =	shalt  }
0x6b: {  	_ =	shalt  }
0x6c: {  	_ =	shalt  }
0x6d: {  	_ =	shalt  }
0x6e: {  	_ =	shalt  }
0x6f: {  	_ =	shalt  }
0x70: {  	_ =	shalt  }
0x71: {  	_ =	shalt  }
0x72: {  	_ =	shalt  }
0x73: {  	_ =	shalt  }
0x74: {  	_ =	shalt  }
0x75: {  	_ =	shalt  }
0x76: {  	_ =	shalt  }
0x77: {  	_ =	shalt  }
0x78: {  	_ =	shalt  }
0x79: {  	_ =	shalt  }
0x7a: {  	_ =	shalt  }
0x7b: {  	_ =	shalt  }
0x7c: {  	_ =	shalt  }
0x7d: {  	_ =	shalt  }
0x7e: {  	_ =	shalt  }
0x7f: {  	_ =	shalt  }
0x80: {  	_ =	shalt  }
0x81: {  	_ =	shalt  }
0x82: {  	_ =	shalt  }
0x83: {  	_ =	shalt  }
0x84: {  	_ =	shalt  }
0x85: {  	_ =	shalt  }
0x86: {  	_ =	shalt  }
0x87: {  	_ =	shalt  }
.Lfunc_end0:
.L_simem_size_0:
called_computation.1_lowered:
.L_overlay_start_0:
0x88: {  	s2 =	sld [smem:$0x3FD9]  }
0x89: {  	s3 =	sld [smem:$0x3FFE];
	_ =	sdelay $0x1  }
0x8a: {  	s1 =	srdreg.scid  }
0x8b: {  	s0 =	sand.u32 $0x1, s1  }
0x8c: {  	s17 =	sshll.u32 s0, $0xA;
	s2 =	sadd.s32 s3, s2  }
0x8d: {  	s2 =	sadd.s32 s2, s17  }
0x8e: {  	[smem:$0x3FC5] =	sst s2  }
0x8f: {  	_ = 	snop  }
0x90: {  	s2 =	sld [smem:$0x3FC7]  }
0x91: {  	s18 =	sld [smem:$0x3FD0];
	(tm) =	ssettm $0x1  }
0x92: {  	s4 =	sld [smem:$0x3FFB];
	_ =	sdelay $0x3  }
0x93: {  	_ =	strace s4  }
0x94: {  	s4 =	sld [smem:$0x3FFC];
	_ =	sdelay $0x3  }
0x95: {  	_ =	strace s4  }
0x96: {  	s4 =	sld [smem:$0x3FFD];
	_ =	sdelay $0x3  }
0x97: {  	_ =	strace s4  }
0x98: {  	_ =	strace $0x8FFFFFFF  }
0x99: {  	s19 =	sld [smem:$0x3FDB];
	_ =	sdelay $0x1  }
0x9a: {  	s5 =	simm.s32 $_scs_section_size  }
0x9b: {  	s6 =	simm.s32 $_size__tile_overlayer_lowered;
	s7 =	simm.s32 $_tile_overlayer_lowered  }
0x9c: {  	s22 =	simm.s32 $0x1BFF;
	s21 =	sshll.u32 s7, $0x1;
	s4 =	sadd.s32 s5, s19  }
0x9d: {  	s8 =	simm.s32 $0x0;
	s20 =	sshll.u32 s6, $0x1;
	s6 =	sadd.s32 s21, s4  }
0x9e: {  	[timem:s8], [sflag:s22] =	dma.local [hbm:s6], s20  }
0x9f: {  	_ =	swait.ge [sflag:s22], s20  }
0xa0: {  	s5 =	ssub.s32 $0x0, s20;
	[sflag:s22] =	ssyncset.done $0x0  }
0xa1: {  	[sflag:s22] =	ssyncadd.s32 s5;
	_ =	sdelay $0x1  }
0xa2: {  	s23 =	simm.s32 $0x1B8B  }
0xa3: {  	_ =	swait.ge [sflag:s23], $0x1  }
0xa4: {  	[sflag:s23] =	ssyncset.done $0x0  }
0xa5: {  	s25 =	simm.s32 $0x1B8E;
	s24 =	sld [smem:$0x3FFE];
	[sflag:s23] =	ssyncadd.s32 $0xFFFFFFFF  }
0xa6: {  	s26 =	simm.s32 $execute0_lowered;
	[smem:$0x3FD2] =	sst s25  }
0xa7: {  	s6 =	sshll.u32 s26, $0x1;
	_ =	strace $0x80000049;
	[dreg:$0x1] =	wrdreg $0xFFFFFFFF  }
0xa8: {  	s28 =	simm.s32 $_size_execute0_lowered;
	s4 =	sadd.s32 s4, s6;
	[dreg:$0x0] =	wrdreg $0x0  }
0xa9: {  	s6 =	sshll.u32 s28, $0x1;
	[dreg:$0x2] =	wrdreg s4  }
0xaa: {  	[dreg:$0x3] =	wrdreg s6  }
0xab: {  	[dreg:$0x4] =	wrdreg $0xC0  }
0xac: {  	_ =	task [dreg:s8], $0x5FFFF  }
0xad: {  	[dreg:$0x1] =	wrdreg $0xFFFFFFFF  }
0xae: {  	[dreg:$0x0] =	wrdreg $0x60  }
0xaf: {  	[dreg:$0x2] =	wrdreg s24  }
0xb0: {  	[dreg:$0x3] =	wrdreg s2  }
0xb1: {  	[dreg:$0x4] =	wrdreg s18  }
0xb2: {  	[dreg:$0x5] =	wrdreg $0x9  }
0xb3: {  	_ =	task.clear_ibuf [dreg:s8], $0x6FFFF;
	_ =	strace $0x90000049  }
0xb4: {  	s29 =	simm.s32 $0x9;
	_ =	strace $0x8000004B  }
0xb5: {  	_ =	swait.ge [sflag:s29], $0x1  }
0xb6: {  	[sflag:s29] =	ssyncadd.s32 $0xFFFFFFFF  }
0xb7: {  	_ =	strace $0x9000004B  }
0xb8: {  	_ =	sfence  }
0xb9: {  	s30 =	sld [smem:$0x0];
	_ =	sdelay $0x2  }
0xba: {  	s31 =	sshll.u32 s1, $0xD;
	s1 =	sshrl.u32 s1, $0x2  }
0xbb: {  	s3 =	sand.u32 $0x4000, s31;
	s1 =	sadd.s32 s1, s30  }
0xbc: {  	s0 =	sor.u32 s3, s0;
	s1 =	sshll.u32 s1, $0x11  }
0xbd: {  	s0 =	sor.u32 s1, s0  }
0xbe: {  	s0 =	sadd.s32 $0x8F2B, s0  }
0xbf: {  	[sflag:s0] =	ssyncadd.remote.s32 $0x1  }
0xc0: {  	_ =	sfence.sel $0xFFFF  }
0xc1: {  	[dreg:$0x0] =	wrdreg $0xFFFFFFFF;
	(pc) =	sbr.abs _section_cstart, $3  }
0xc2: {  	[dreg:$0x1] =	wrdreg $0xFFFFFFFF  }
0xc3: {  	_ =	task.clear_ibuf [dreg:s8], $0x2FFFF;
	_ =	strace $0x9FFFFFFF  }
0xc4: {  	(tm) =	ssettm $0x7FFFFFFF  }
0xc5: {  	_ =	shalt  }
tec
execute0_lowered:
.L_overlay_start_1:
0x0: {  	(tag) =	ssettag $0x1  }
0x1: {  	s0 =	rddreg [dreg:$0x0]  }
0x2: {  	s2 =	rddreg [dreg:$0x1]  }
0x3: {  	s6 =	rddreg [dreg:$0x2];
	s1 =	simm.s32 $0x0  }
0x4: {  	s5 =	srdreg.scid;
	s11 =	stileid.u32;
	s15 =	simm.s32 $0x2880  }
0x5: {  	s16 =	simm.s32 $0x3080;
	s17 =	simm.s32 $0x3880;
	s18 =	simm.s32 $0x4080  }
0x6: {  	s19 =	simm.s32 $0x4880;
	s20 =	simm.s32 $0x5080;
	s21 =	simm.s32 $0x5880  }
0x7: {  	s22 =	simm.s32 $0x6080;
	s23 =	simm.s32 $0x6880;
	s24 =	simm.s32 $0x7080  }
0x8: {  	s25 =	simm.s32 $0x7880;
	s28 =	simm.s32 $0x1;
	s29 =	simm.s32 $0x0  }
0x9: {  	[smem:$0x7FF] =	sst s1;
	s3 =	sadd.s32 $0xE00, s0;
	s4 =	sadd.s32 $0x28E00, s0  }
0xa: {  	s5 =	sand.u32 $0x1, s5;
	s9 =	sshll.u32 s11, $0x7;
	s31 =	sshll.u32 s11, $0xC  }
0xb: {  	_ =	strace $0x8000004A;
	s7 =	ssub.s32 $0x2, s5;
	s8 =	sshll.u32 s5, $0xB  }
0xc: {  	s5 =	sshll.u32 s5, $0x10;
	s10 =	sshrl.u32 s7, $0x1;
	s8 =	sor.u32 s9, s8  }
0xd: {  	s0 =	sadd.s32 s5, s0;
	s9 =	simm.s32 $0x3;
	s7 =	ssub.s32 s7, s10  }
0xe: {  	v2 =	vlaneseq.u32;
	s26 =	sshrl.u32 s8, $0x3;
	s30 =	sshll.u32 s8, $0x5;
	s0 =	sadd.s32 s31, s0  }
0xf: {  	vm0 =	vmmov $0xffff;
	v1 =	vshrl.u32 v2, $0x3;
	s10 =	simm.s32 $0x80;
	s5 =	sadd.s32 s2, s26;
	s6 =	sadd.s32 s6, s30  }
0x10: {  	v0 =	vand.u32 $0x7, v2;
	v2 =	vor.u32 $0x8, v2;
	v1 =	vmul.u32 $0x8, v1;
	s7 =	smax.u32 s7, $0x1;
	s8 =	sadd.s32 $0x2CE00, s0;
	s26 =	simm.s32 $0x2  }
.LBB2_1:
0x11: {  	[tilespmem:s1], [sflag:$0x3] =	stream.linear.gather [hbm4b:s5+s1], $0x80, $0x38;
	[tilespmem:$0xC180] =	vst v63  }
0x12: {  	_ =	swait.ge [sflag:s9], $0x80  }
0x13: {  	[sflag:s9] =	ssyncset.done $0x0  }
0x14: {  	[sflag:s9] =	ssyncadd.s32 $0xFFFFFF80  }
0x15: {  	v3 =	vld [tilespmem:$0x0];
	_ =	sdelay $0x4  }
0x16: {  	v4 =	vshll.u32 v3, $0x1  }
0x17: {  	v3 =	vand.u32 $0x7, v3;
	v4 =	vand.u32 $0xFFFFFFF0, v4  }
0x18: {  	v3 =	vor.u32 v3, v4  }
0x19: {  	v4 =	vperm.xlane v3, v0;
	_ =	sdelay $0x1  }
0x1a: {  	v3 =	vperm.xlane v3, v2;
	v4 =	vadd.s32 v1, v4;
	_ =	sdelay $0x1  }
0x1b: {  	v3 =	vadd.s32 v1, v3;
	_ =	sdelay $0x2  }
0x1c: {  	[tilespmem:s10], [sflag:$0x1] =	stream.indirect_vreg.gather [hbm4b:s3+s1], $0x80, v4, vm0, $0xb8;
	[tilespmem:$0xC180] =	vst v63  }
0x1d: {  	s0 =	simm.s32 $0x880  }
0x1e: {  	[tilespmem:s0], [sflag:$0x1] =	stream.indirect_vreg.gather [hbm4b:s3+s1], $0x80, v3, vm0, $0xb8;
	[tilespmem:$0xC180] =	vst v63  }
0x1f: {  	v3 =	vld [tilespmem:$0x10];
	_ =	sdelay $0x4  }
0x20: {  	v4 =	vshll.u32 v3, $0x1  }
0x21: {  	v3 =	vand.u32 $0x7, v3;
	v4 =	vand.u32 $0xFFFFFFF0, v4  }
0x22: {  	v3 =	vor.u32 v3, v4  }
0x23: {  	v4 =	vperm.xlane v3, v0;
	_ =	sdelay $0x1  }
0x24: {  	v3 =	vperm.xlane v3, v2;
	v4 =	vadd.s32 v1, v4;
	_ =	sdelay $0x1  }
0x25: {  	v3 =	vadd.s32 v1, v3;
	_ =	sdelay $0x1  }
0x26: {  	s11 =	simm.s32 $0x1080  }
0x27: {  	[tilespmem:s11], [sflag:$0x1] =	stream.indirect_vreg.gather [hbm4b:s3+s1], $0x80, v4, vm0, $0xb8;
	[tilespmem:$0xC180] =	vst v63  }
0x28: {  	s12 =	simm.s32 $0x1880  }
0x29: {  	[tilespmem:s12], [sflag:$0x1] =	stream.indirect_vreg.gather [hbm4b:s3+s1], $0x80, v3, vm0, $0xb8;
	[tilespmem:$0xC180] =	vst v63  }
0x2a: {  	v3 =	vld [tilespmem:$0x20];
	_ =	sdelay $0x4  }
0x2b: {  	v4 =	vshll.u32 v3, $0x1  }
0x2c: {  	v3 =	vand.u32 $0x7, v3;
	v4 =	vand.u32 $0xFFFFFFF0, v4  }
0x2d: {  	v3 =	vor.u32 v3, v4  }
0x2e: {  	v4 =	vperm.xlane v3, v0;
	_ =	sdelay $0x1  }
0x2f: {  	v3 =	vperm.xlane v3, v2;
	v4 =	vadd.s32 v1, v4;
	_ =	sdelay $0x1  }
0x30: {  	v3 =	vadd.s32 v1, v3;
	_ =	sdelay $0x1  }
0x31: {  	s13 =	simm.s32 $0x2080  }
0x32: {  	[tilespmem:s13], [sflag:$0x1] =	stream.indirect_vreg.gather [hbm4b:s3+s1], $0x80, v4, vm0, $0xb8;
	[tilespmem:$0xC180] =	vst v63  }
0x33: {  	_ = 	snop  }
0x34: {  	[tilespmem:s15], [sflag:$0x1] =	stream.indirect_vreg.gather [hbm4b:s3+s1], $0x80, v3, vm0, $0xb8;
	[tilespmem:$0xC180] =	vst v63  }
0x35: {  	v3 =	vld [tilespmem:$0x30];
	_ =	sdelay $0x4  }
0x36: {  	v4 =	vshll.u32 v3, $0x1  }
0x37: {  	v3 =	vand.u32 $0x7, v3;
	v4 =	vand.u32 $0xFFFFFFF0, v4  }
0x38: {  	v3 =	vor.u32 v3, v4  }
0x39: {  	v4 =	vperm.xlane v3, v0;
	_ =	sdelay $0x1  }
0x3a: {  	v3 =	vperm.xlane v3, v2;
	v4 =	vadd.s32 v1, v4;
	_ =	sdelay $0x1  }
0x3b: {  	v3 =	vadd.s32 v1, v3;
	_ =	sdelay $0x2  }
0x3c: {  	[tilespmem:s16], [sflag:$0x1] =	stream.indirect_vreg.gather [hbm4b:s3+s1], $0x80, v4, vm0, $0xb8;
	[tilespmem:$0xC180] =	vst v63  }
0x3d: {  	_ = 	snop  }
0x3e: {  	[tilespmem:s17], [sflag:$0x1] =	stream.indirect_vreg.gather [hbm4b:s3+s1], $0x80, v3, vm0, $0xb8;
	[tilespmem:$0xC180] =	vst v63  }
0x3f: {  	v3 =	vld [tilespmem:$0x40];
	_ =	sdelay $0x4  }
0x40: {  	v4 =	vshll.u32 v3, $0x1  }
0x41: {  	v3 =	vand.u32 $0x7, v3;
	v4 =	vand.u32 $0xFFFFFFF0, v4  }
0x42: {  	v3 =	vor.u32 v3, v4  }
0x43: {  	v4 =	vperm.xlane v3, v0;
	_ =	sdelay $0x1  }
0x44: {  	v3 =	vperm.xlane v3, v2;
	v4 =	vadd.s32 v1, v4;
	_ =	sdelay $0x1  }
0x45: {  	v3 =	vadd.s32 v1, v3;
	_ =	sdelay $0x2  }
0x46: {  	[tilespmem:s18], [sflag:$0x1] =	stream.indirect_vreg.gather [hbm4b:s3+s1], $0x80, v4, vm0, $0xb8;
	[tilespmem:$0xC180] =	vst v63  }
0x47: {  	_ = 	snop  }
0x48: {  	[tilespmem:s19], [sflag:$0x1] =	stream.indirect_vreg.gather [hbm4b:s3+s1], $0x80, v3, vm0, $0xb8;
	[tilespmem:$0xC180] =	vst v63  }
0x49: {  	v3 =	vld [tilespmem:$0x50];
	_ =	sdelay $0x4  }
0x4a: {  	v4 =	vshll.u32 v3, $0x1  }
0x4b: {  	v3 =	vand.u32 $0x7, v3;
	v4 =	vand.u32 $0xFFFFFFF0, v4  }
0x4c: {  	v3 =	vor.u32 v3, v4  }
0x4d: {  	v4 =	vperm.xlane v3, v0;
	_ =	sdelay $0x1  }
0x4e: {  	v3 =	vperm.xlane v3, v2;
	v4 =	vadd.s32 v1, v4;
	_ =	sdelay $0x1  }
0x4f: {  	v3 =	vadd.s32 v1, v3;
	_ =	sdelay $0x2  }
0x50: {  	[tilespmem:s20], [sflag:$0x1] =	stream.indirect_vreg.gather [hbm4b:s3+s1], $0x80, v4, vm0, $0xb8;
	[tilespmem:$0xC180] =	vst v63  }
0x51: {  	_ = 	snop  }
0x52: {  	[tilespmem:s21], [sflag:$0x1] =	stream.indirect_vreg.gather [hbm4b:s3+s1], $0x80, v3, vm0, $0xb8;
	[tilespmem:$0xC180] =	vst v63  }
0x53: {  	v3 =	vld [tilespmem:$0x60];
	_ =	sdelay $0x4  }
0x54: {  	v4 =	vshll.u32 v3, $0x1  }
0x55: {  	v3 =	vand.u32 $0x7, v3;
	v4 =	vand.u32 $0xFFFFFFF0, v4  }
0x56: {  	v3 =	vor.u32 v3, v4  }
0x57: {  	v4 =	vperm.xlane v3, v0;
	_ =	sdelay $0x1  }
0x58: {  	v3 =	vperm.xlane v3, v2;
	v4 =	vadd.s32 v1, v4;
	_ =	sdelay $0x1  }
0x59: {  	v3 =	vadd.s32 v1, v3;
	_ =	sdelay $0x2  }
0x5a: {  	[tilespmem:s22], [sflag:$0x1] =	stream.indirect_vreg.gather [hbm4b:s3+s1], $0x80, v4, vm0, $0xb8;
	[tilespmem:$0xC180] =	vst v63  }
0x5b: {  	_ = 	snop  }
0x5c: {  	[tilespmem:s23], [sflag:$0x1] =	stream.indirect_vreg.gather [hbm4b:s3+s1], $0x80, v3, vm0, $0xb8;
	[tilespmem:$0xC180] =	vst v63  }
0x5d: {  	v3 =	vld [tilespmem:$0x70];
	_ =	sdelay $0x4  }
0x5e: {  	v4 =	vshll.u32 v3, $0x1  }
0x5f: {  	v3 =	vand.u32 $0x7, v3;
	v4 =	vand.u32 $0xFFFFFFF0, v4  }
0x60: {  	v3 =	vor.u32 v3, v4  }
0x61: {  	v4 =	vperm.xlane v3, v0;
	_ =	sdelay $0x1  }
0x62: {  	v3 =	vperm.xlane v3, v2;
	v4 =	vadd.s32 v1, v4;
	_ =	sdelay $0x1  }
0x63: {  	v3 =	vadd.s32 v1, v3;
	_ =	sdelay $0x2  }
0x64: {  	[tilespmem:s24], [sflag:$0x1] =	stream.indirect_vreg.gather [hbm4b:s3+s1], $0x80, v4, vm0, $0xb8;
	[tilespmem:$0xC180] =	vst v63  }
0x65: {  	_ = 	snop  }
0x66: {  	[tilespmem:s25], [sflag:$0x1] =	stream.indirect_vreg.gather [hbm4b:s3+s1], $0x80, v3, vm0, $0xb8;
	[tilespmem:$0xC180] =	vst v63  }
0x67: {  	s30 =	simm.s32 $0x8080  }
0x68: {  	[tilespmem:s30], [sflag:$0x2] =	stream.indirect.gather [hbm4b:s4+s10], $0x80, s1, s10, $0xb8;
	[tilespmem:$0xC180] =	vst v63  }
0x69: {  	_ =	swait.ge [sflag:s26], $0x4000  }
0x6a: {  	[sflag:s26] =	ssyncset.done $0x0  }
0x6b: {  	[sflag:s26] =	ssyncadd.s32 $0xFFFFC000  }
0x6c: {  	_ =	swait.ge [sflag:s28], $0x8000  }
0x6d: {  	[sflag:s28] =	ssyncset.done $0x0  }
0x6e: {  	[sflag:s28] =	ssyncadd.s32 $0xFFFF8000  }
0x6f: {  	v3 =	vld [tilespmem:s30+$0x0];
	_ =	sdelay $0x4  }
0x70: {  	(v2sf) =	vpush v3, $0x0;
	_ =	sdelay $0xe  }
0x71: {  	s14 =	spop (v2sf)  }
0x72: {  	p0 =	sne.f32 s14, $0.0e+00;
	_ =	sdelay $0x1  }
0x73: {  	s0 =	simm.s32 @!p0 $0x0;
	s2 =	simm.s32 @!p0 $0xC080;
	s11 =	simm.s32 @!p0 $0x3  }
0x74: {  	[tilespmem:s2], [sflag:$0x3] =	stream.linear.gather @!p0 [hbm4b:s8+s0], $0x100, $0x38;
	[tilespmem:$0xC180] =	vst v63  }
0x75: {  	_ =	swait.ge @!p0 [sflag:s11], $0x100  }
0x76: {  	[sflag:s11] =	ssyncset.done @!p0 $0x0  }
0x77: {  	[sflag:s11] =	ssyncadd.s32 @!p0 $0xFFFFFF00  }
0x78: {  	v3 =	vld @!p0 [tilespmem:$0xC080];
	_ =	sdelay $0x2  }
0x79: {  	s0 =	sand.u32 @!p0 $0x7800, s1;
	s2 =	sand.u32 @!p0 $0x380, s1  }
0x7a: {  	s11 =	sor.u32 @!p0 s2, s0  }
0x7b: {  	[tilespmem:s11+$0x80] =	vst @!p0 v3  }
0x7c: {  	v3 =	vld @!p0 [tilespmem:$0xC090];
	_ =	sdelay $0x4  }
0x7d: {  	[tilespmem:s11+$0x90] =	vst @!p0 v3  }
0x7e: {  	v3 =	vld @!p0 [tilespmem:$0xC0A0];
	_ =	sdelay $0x4  }
0x7f: {  	[tilespmem:s11+$0xA0] =	vst @!p0 v3  }
0x80: {  	v3 =	vld @!p0 [tilespmem:$0xC0B0];
	_ =	sdelay $0x4  }
0x81: {  	[tilespmem:s11+$0xB0] =	vst @!p0 v3  }
0x82: {  	v3 =	vld @!p0 [tilespmem:$0xC0C0];
	_ =	sdelay $0x4  }
0x83: {  	[tilespmem:s11+$0xC0] =	vst @!p0 v3  }
0x84: {  	v3 =	vld @!p0 [tilespmem:$0xC0D0];
	_ =	sdelay $0x4  }
0x85: {  	[tilespmem:s11+$0xD0] =	vst @!p0 v3  }
0x86: {  	v3 =	vld @!p0 [tilespmem:$0xC0E0];
	_ =	sdelay $0x4  }
0x87: {  	[tilespmem:s11+$0xE0] =	vst @!p0 v3  }
0x88: {  	v3 =	vld @!p0 [tilespmem:$0xC0F0];
	_ =	sdelay $0x4  }
0x89: {  	[tilespmem:s11+$0xF0] =	vst @!p0 v3  }
0x8a: {  	v3 =	vld @!p0 [tilespmem:$0xC100];
	_ =	sdelay $0x4  }
0x8b: {  	[tilespmem:s11+$0x480] =	vst @!p0 v3  }
0x8c: {  	v3 =	vld @!p0 [tilespmem:$0xC110];
	_ =	sdelay $0x4  }
0x8d: {  	[tilespmem:s11+$0x490] =	vst @!p0 v3  }
0x8e: {  	v3 =	vld @!p0 [tilespmem:$0xC120];
	_ =	sdelay $0x4  }
0x8f: {  	[tilespmem:s11+$0x4A0] =	vst @!p0 v3  }
0x90: {  	v3 =	vld @!p0 [tilespmem:$0xC130];
	_ =	sdelay $0x4  }
0x91: {  	[tilespmem:s11+$0x4B0] =	vst @!p0 v3  }
0x92: {  	v3 =	vld @!p0 [tilespmem:$0xC140];
	_ =	sdelay $0x4  }
0x93: {  	[tilespmem:s11+$0x4C0] =	vst @!p0 v3  }
0x94: {  	v3 =	vld @!p0 [tilespmem:$0xC150];
	_ =	sdelay $0x4  }
0x95: {  	[tilespmem:s11+$0x4D0] =	vst @!p0 v3  }
0x96: {  	v3 =	vld @!p0 [tilespmem:$0xC160];
	_ =	sdelay $0x4  }
0x97: {  	[tilespmem:s11+$0x4E0] =	vst @!p0 v3  }
0x98: {  	v3 =	vld @!p0 [tilespmem:$0xC170];
	_ =	sdelay $0x2  }
0x99: {  	s31 =	simm.s32 $0x100;
	s0 =	sadd.s32 $0x20, s8;
	s2 =	simm.s32 $0x0  }
.LBB2_2:
0x9a: {  	s2 =	sadd.s32 $0x80, s2  }
0x9b: {  	[tilespmem:s11+$0x4F0] =	vst @!p0 v3;
	s30 =	sadd.s32 $0x80, s30;
	s11 =	smov.u32 s31;
	s31 =	sadd.s32 $0x100, s31  }
0x9c: {  	v3 =	vld [tilespmem:s30+$0x0];
	p1 =	sne.s32 s31, $0x8000;
	_ =	sdelay $0x4  }
0x9d: {  	(v2sf) =	vpush v3, $0x0;
	_ =	sdelay $0xe  }
0x9e: {  	s12 =	spop (v2sf)  }
0x9f: {  	p0 =	sne.f32 s12, $0.0e+00;
	_ =	sdelay $0x1  }
0xa0: {  	s12 =	simm.s32 @!p0 $0x0;
	s13 =	simm.s32 @!p0 $0xC080;
	s14 =	simm.s32 @!p0 $0x3  }
0xa1: {  	[tilespmem:s13], [sflag:$0x3] =	stream.linear.gather @!p0 [hbm4b:s0+s12], $0x100, $0x38;
	[tilespmem:$0xC180] =	vst v63  }
0xa2: {  	s11 =	sand.u32 @!p0 $0x7800, s11;
	_ =	swait.ge @!p0 [sflag:s14], $0x100  }
0xa3: {  	[sflag:s14] =	ssyncset.done @!p0 $0x0  }
0xa4: {  	[sflag:s14] =	ssyncadd.s32 @!p0 $0xFFFFFF00  }
0xa5: {  	v3 =	vld @!p0 [tilespmem:$0xC080];
	_ =	sdelay $0x2  }
0xa6: {  	s12 =	sand.u32 @!p0 $0x380, s2  }
0xa7: {  	s11 =	sor.u32 @!p0 s12, s11  }
0xa8: {  	[tilespmem:s11+$0x80] =	vst @!p0 v3  }
0xa9: {  	v3 =	vld @!p0 [tilespmem:$0xC090];
	_ =	sdelay $0x4  }
0xaa: {  	[tilespmem:s11+$0x90] =	vst @!p0 v3  }
0xab: {  	v3 =	vld @!p0 [tilespmem:$0xC0A0];
	_ =	sdelay $0x4  }
0xac: {  	[tilespmem:s11+$0xA0] =	vst @!p0 v3  }
0xad: {  	v3 =	vld @!p0 [tilespmem:$0xC0B0];
	_ =	sdelay $0x4  }
0xae: {  	[tilespmem:s11+$0xB0] =	vst @!p0 v3  }
0xaf: {  	v3 =	vld @!p0 [tilespmem:$0xC0C0];
	_ =	sdelay $0x4  }
0xb0: {  	[tilespmem:s11+$0xC0] =	vst @!p0 v3  }
0xb1: {  	v3 =	vld @!p0 [tilespmem:$0xC0D0];
	_ =	sdelay $0x4  }
0xb2: {  	[tilespmem:s11+$0xD0] =	vst @!p0 v3  }
0xb3: {  	v3 =	vld @!p0 [tilespmem:$0xC0E0];
	_ =	sdelay $0x4  }
0xb4: {  	[tilespmem:s11+$0xE0] =	vst @!p0 v3  }
0xb5: {  	v3 =	vld @!p0 [tilespmem:$0xC0F0];
	_ =	sdelay $0x4  }
0xb6: {  	[tilespmem:s11+$0xF0] =	vst @!p0 v3  }
0xb7: {  	v3 =	vld @!p0 [tilespmem:$0xC100];
	_ =	sdelay $0x4  }
0xb8: {  	[tilespmem:s11+$0x480] =	vst @!p0 v3  }
0xb9: {  	v3 =	vld @!p0 [tilespmem:$0xC110];
	_ =	sdelay $0x4  }
0xba: {  	[tilespmem:s11+$0x490] =	vst @!p0 v3  }
0xbb: {  	v3 =	vld @!p0 [tilespmem:$0xC120];
	_ =	sdelay $0x4  }
0xbc: {  	[tilespmem:s11+$0x4A0] =	vst @!p0 v3  }
0xbd: {  	v3 =	vld @!p0 [tilespmem:$0xC130];
	_ =	sdelay $0x4  }
0xbe: {  	[tilespmem:s11+$0x4B0] =	vst @!p0 v3  }
0xbf: {  	v3 =	vld @!p0 [tilespmem:$0xC140];
	_ =	sdelay $0x4  }
0xc0: {  	[tilespmem:s11+$0x4C0] =	vst @!p0 v3  }
0xc1: {  	v3 =	vld @!p0 [tilespmem:$0xC150];
	_ =	sdelay $0x4  }
0xc2: {  	[tilespmem:s11+$0x4D0] =	vst @!p0 v3  }
0xc3: {  	v3 =	vld @!p0 [tilespmem:$0xC160];
	_ =	sdelay $0x4  }
0xc4: {  	[tilespmem:s11+$0x4E0] =	vst @!p0 v3  }
.Ltmp0:
0xc5: {  	v3 =	vld @!p0 [tilespmem:$0xC170];
	(pc) =	sbr.rel @p1 .LBB2_2-.Ltmp0, $2  }
0xc6: {  	_ =	sdelay $0x2  }
0xc7: {  	s0 =	sadd.s32 $0x20, s0  }
0xc8: {  	s29 =	sadd.s32 $0x1, s29  }
0xc9: {  	[tilespmem:s11+$0x4F0] =	vst @!p0 v3;
	p0 =	sne.s32 s29, s7  }
.Ltmp1:
0xca: {  	_ = 	snop;
	(pc) =	sbr.rel @p0 .LBB2_1-.Ltmp1, $4  }
0xcb: {  	[hbm4b:s6+s1] =	stream.linear.scatter [tilespmem:s10], [sflag:$0x3], $0x8000, $0x38;
	[tilespmem:$0xC180] =	vst v63  }
0xcc: {  	_ =	swait.ge [sflag:s9], $0x8000  }
0xcd: {  	[sflag:s9] =	ssyncset.done $0x0  }
0xce: {  	[sflag:s9] =	ssyncadd.s32 $0xFFFF8000  }
0xcf: {  	_ =	sfence.sel $0x180000  }
0xd0: {  	[bflag:$0x0] =	sbarrier.arrive $0xFFFF  }
0xd1: {  	_ =	strace $0x9000004A  }
0xd2: {  	s0 =	stileid.u32;
	[bflag:$0x2] =	sbarrier.arrive $0xFFFF  }
0xd3: {  	p0 =	sne.s32 s0, $0x0;
	s0 =	rddreg [dreg:$0x3]  }
0xd4: {  	s0 =	sadd.s32 @!p0 $0x100000, s0  }
0xd5: {  	[sflag:s0] =	ssyncadd.tile.s32 @!p0 $0x1;
	_ =	shalt  }
.Lfunc_end2:
_tile_overlayer_lowered:
.L_overlay_start_2:
0xd6: {  	(tag) =	ssettag $0x2  }
0xd7: {  	s0 =	rddreg [dreg:$0x0];
	s2 =	stileid.u32  }
0xd8: {  	s1 =	rddreg [dreg:$0x1];
	p0 =	sne.s32 s2, $0x0  }
0xd9: {  	s3 =	rddreg [dreg:$0x2];
	[bflag:$0x3] =	sbarrier.arrive $0xFFFF;
	s2 =	simm.s32 @!p0 $0x1C03  }
0xda: {  	[timem:s3], [sflag:s2] =	dma.local @!p0 [hbm:s0], s1  }
0xdb: {  	s0 =	simm.s32 @!p0 $0x3  }
0xdc: {  	_ =	swait.ge @!p0 [sflag:s0], s1  }
0xdd: {  	s1 =	ssub.s32 @!p0 $0x0, s1;
	[sflag:s0] =	ssyncset.done @!p0 $0x0  }
0xde: {  	[sflag:s0] =	ssyncadd.s32 @!p0 s1  }
0xdf: {  	[bflag:$0x3] =	sbarrier.arrive $0xFFFF  }
0xe0: {  	_ =	shalt  }

</sc_bundles>
